<compile_context>
chip_gen: v7x
topology: tpu7x:2x2x1
jax: 0.10.2.dev20260603
libtpu: 0.0.44.dev20260713+nightly
codegen_flags: <defaults>
</compile_context>

<pallas_src>
import jax
import jax.numpy as jnp
from jax import lax
from jax.experimental import pallas as pl
from jax.experimental.pallas import tpu as pltpu
from jax.experimental.pallas import tpu_sc as plsc

B = 16384
NUM_ROWS = 100000
D_EMB = 48
D_U = 16
D_OUT = D_EMB + D_U
D_PAD = 128
L = 16

NC = 2
NS = 16
NW = NC * NS
BPW = B // NW
CHUNK = 128
NCHUNK = BPW // CHUNK
NSLOT = 2


def _emb_body(x_hbm, table_hbm, unique_hbm, out_hbm, idx_v, rows_v, out_v,
              u16_v, gsem, usem, wsem):
    wid = lax.axis_index("s") * NC + lax.axis_index("c")
    base = wid * BPW

    for j in range(NCHUNK):
        pltpu.sync_copy(x_hbm.at[pl.ds(base + j * CHUNK, CHUNK)], idx_v.at[j])

    pltpu.async_copy(unique_hbm, u16_v, usem).wait()
    uvec = u16_v[...]

    def start_gather(j):
        return pltpu.async_copy(
            table_hbm.at[idx_v.at[j]], rows_v.at[j % NSLOT], gsem
        )

    gathers = [start_gather(0), start_gather(1)]
    writes = []
    for j in range(NCHUNK):
        slot = j % NSLOT
        gathers[j].wait()

        def interleave(i, carry):
            a = rows_v[slot, i, pl.ds(0, L)]
            b = rows_v[slot, i, pl.ds(L, L)]
            c = rows_v[slot, i, pl.ds(2 * L, L)]
            out_v[slot, i, pl.ds(0, L)] = a
            out_v[slot, i, pl.ds(L, L)] = b
            out_v[slot, i, pl.ds(2 * L, L)] = c
            out_v[slot, i, pl.ds(3 * L, L)] = uvec
            return carry

        if j >= NSLOT:
            writes[j - NSLOT].wait()
        lax.fori_loop(0, CHUNK, interleave, 0, unroll=8)
        writes.append(
            pltpu.async_copy(
                out_v.at[slot],
                out_hbm.at[pl.ds(base + j * CHUNK, CHUNK)],
                wsem,
            )
        )
        if j + NSLOT < NCHUNK:
            gathers.append(start_gather(j + NSLOT))

    for w in writes[-NSLOT:]:
        w.wait()


_emb_call = pl.kernel(
    _emb_body,
    mesh=plsc.VectorSubcoreMesh(core_axis_name="c", subcore_axis_name="s"),
    out_type=jax.ShapeDtypeStruct((B, D_OUT), jnp.float32),
    scratch_types=[
        pltpu.VMEM((NCHUNK, CHUNK), jnp.int32),
        pltpu.VMEM((NSLOT, CHUNK, D_PAD), jnp.float32),
        pltpu.VMEM((NSLOT, CHUNK, D_OUT), jnp.float32),
        pltpu.VMEM((D_U,), jnp.float32),
        pltpu.SemaphoreType.DMA,
        pltpu.SemaphoreType.DMA,
        pltpu.SemaphoreType.DMA,
    ],
)


def kernel(x, table, unique):
    table_p = jnp.pad(table, ((0, 0), (0, D_PAD - D_EMB)))
    return _emb_call(x, table_p, unique)

# --- scband reference (transcript-rebuilt; emitter-appended) ---
"""Pipeline reference for scband-categorical-embedding-53025666236604 (READ-ONLY COPY).

The authoritative reference and input builder live on the scoring server;
editing this copy changes nothing except your own understanding.
"""

import jax, jax.numpy as jnp
import numpy as np

NUM_CATEGORIES = 100000
EMBEDDING_DIM = 64
UNIQUE_DIM = 16
BATCH = 16384

def setup_inputs(seed: int = 0) -> dict:
    key = jax.random.key(seed)
    k1, k2, k3 = jax.random.split(key, 3)
    x = jax.random.randint(k1, (BATCH,), 0, NUM_CATEGORIES, dtype=jnp.int64) if jax.config.jax_enable_x64 else jax.random.randint(k1, (BATCH,), 0, NUM_CATEGORIES, dtype=jnp.int32)
    table = jax.random.normal(k2, (NUM_CATEGORIES, EMBEDDING_DIM - UNIQUE_DIM), dtype=jnp.float32)
    unique = jax.random.normal(k3, (UNIQUE_DIM,), dtype=jnp.float32)
    return {"x": x, "table": table, "unique": unique}

def reference(x, table, unique):
    emb = jnp.take(table, x, axis=0)  # [B, embedding_dim - unique_dim]
    u = jnp.tile(unique[None, :], (emb.shape[0], 1))  # [B, unique_dim]
    return jnp.concatenate([emb, u], axis=1)

if __name__ == "__main__":
    import jax
    _d = setup_inputs()
    print(jax.jit(kernel)(*tuple(_d.values())))

</pallas_src>

<mosaic_0001>
#map = affine_map<(d0, d1) -> (0)>
#map1 = affine_map<(d0, d1) -> (0, 0)>
module attributes {stable_mosaic.version = 14 : i64} {
  func.func @_emb_body(%arg0: i32, %arg1: i32, %arg2: memref<16384xi32, #tpu.memory_space<hbm>>, %arg3: memref<100000x128xf32, #tpu.memory_space<hbm>>, %arg4: memref<16xf32, #tpu.memory_space<hbm>>, %arg5: memref<16384x64xf32, #tpu.memory_space<hbm>>, %arg6: memref<4x128xi32, #tpu.memory_space<vmem>>, %arg7: memref<2x128x128xf32, #tpu.memory_space<vmem>>, %arg8: memref<2x128x64xf32, #tpu.memory_space<vmem>>, %arg9: memref<16xf32, #tpu.memory_space<vmem>>, %arg10: memref<!tpu.dma_semaphore, #tpu.memory_space<semaphore_mem>>, %arg11: memref<!tpu.dma_semaphore, #tpu.memory_space<semaphore_mem>>, %arg12: memref<!tpu.dma_semaphore, #tpu.memory_space<semaphore_mem>>) attributes {dimension_semantics = [#tpu.dimension_semantics<core_parallel>, #tpu.dimension_semantics<subcore_parallel>], iteration_bounds = array<i64: 2, 16>, scalar_prefetch = 0 : i64, scratch_operands = 7 : i64, tpu.core_type = #tpu.core_type<sc_vector_subcore>, window_params = [{transform_indices = #map}, {transform_indices = #map1}, {transform_indices = #map}, {transform_indices = #map1}]} {
    %mul3A = arith.constant 2 : i32
    %mul3A_0 = arith.muli %arg1, %mul3A : i32
    %add3A = arith.addi %mul3A_0, %arg0 : i32
    %mul3A_1 = arith.constant 512 : i32
    %mul3A_2 = arith.muli %add3A, %mul3A_1 : i32
    %add3A_3 = arith.constant 0 : i32
    %add3A_4 = arith.addi %mul3A_2, %add3A_3 : i32
    %run_scoped3A = arith.constant 0 : i32
    "tpu.region"() ({
      %run_scoped3A_245 = tpu.sem_alloc : memref<!tpu.dma_semaphore, #tpu.memory_space<semaphore_mem>>
      %dma_start3A_246 = arith.constant 0 : i32
      %dma_start3A_247 = tpu.memref_slice %arg6[%run_scoped3A, %dma_start3A_246] : memref<4x128xi32, #tpu.memory_space<vmem>> -> memref<1x128xi32, #tpu.memory_space<vmem>>
      %dma_start3A_248 = tpu.memref_squeeze %dma_start3A_247 : memref<1x128xi32, #tpu.memory_space<vmem>> -> memref<128xi32, #tpu.memory_space<vmem>>
      %dma_start3A_249 = tpu.memref_slice %arg2[%add3A_4] : memref<16384xi32, #tpu.memory_space<hbm>> -> memref<128xi32, #tpu.memory_space<hbm>>
      %dma_start3A_250 = arith.constant 0 : i32
      %dma_start3A_251 = tpu.memref_slice %arg6[%run_scoped3A, %dma_start3A_250] : memref<4x128xi32, #tpu.memory_space<vmem>> -> memref<1x128xi32, #tpu.memory_space<vmem>>
      %dma_start3A_252 = tpu.memref_squeeze %dma_start3A_251 : memref<1x128xi32, #tpu.memory_space<vmem>> -> memref<128xi32, #tpu.memory_space<vmem>>
      %dma_start3A_253 = tpu.memref_slice %arg2[%add3A_4] : memref<16384xi32, #tpu.memory_space<hbm>> -> memref<128xi32, #tpu.memory_space<hbm>>
      tpu.enqueue_dma source(%dma_start3A_253 : memref<128xi32, #tpu.memory_space<hbm>>) target(%dma_start3A_252 : memref<128xi32, #tpu.memory_space<vmem>>) target_semaphore(%run_scoped3A_245 : memref<!tpu.dma_semaphore, #tpu.memory_space<semaphore_mem>>)
      %dma_wait3A_254 = arith.constant 0 : i32
      %dma_wait3A_255 = tpu.memref_slice %arg6[%run_scoped3A, %dma_wait3A_254] : memref<4x128xi32, #tpu.memory_space<vmem>> -> memref<1x128xi32, #tpu.memory_space<vmem>>
      %dma_wait3A_256 = tpu.memref_squeeze %dma_wait3A_255 : memref<1x128xi32, #tpu.memory_space<vmem>> -> memref<128xi32, #tpu.memory_space<vmem>>
      %dma_wait3A_257 = tpu.memref_slice %arg2[%add3A_4] : memref<16384xi32, #tpu.memory_space<hbm>> -> memref<128xi32, #tpu.memory_space<hbm>>
      %dma_wait3A_258 = arith.constant 0 : i32
      %dma_wait3A_259 = tpu.memref_slice %arg6[%run_scoped3A, %dma_wait3A_258] : memref<4x128xi32, #tpu.memory_space<vmem>> -> memref<1x128xi32, #tpu.memory_space<vmem>>
      %dma_wait3A_260 = tpu.memref_squeeze %dma_wait3A_259 : memref<1x128xi32, #tpu.memory_space<vmem>> -> memref<128xi32, #tpu.memory_space<vmem>>
      %dma_wait3A_261 = tpu.memref_slice %arg2[%add3A_4] : memref<16384xi32, #tpu.memory_space<hbm>> -> memref<128xi32, #tpu.memory_space<hbm>>
      tpu.wait_dma2 semaphore(%run_scoped3A_245 : memref<!tpu.dma_semaphore, #tpu.memory_space<semaphore_mem>>) src(%dma_wait3A_261 : memref<128xi32, #tpu.memory_space<hbm>>) dst(%dma_wait3A_260 : memref<128xi32, #tpu.memory_space<vmem>>)
      tpu.yield
    }) : () -> ()
    %add3A_5 = arith.constant 128 : i32
    %add3A_6 = arith.addi %mul3A_2, %add3A_5 : i32
    %run_scoped3A_7 = arith.constant 1 : i32
    "tpu.region"() ({
      %run_scoped3A_245 = tpu.sem_alloc : memref<!tpu.dma_semaphore, #tpu.memory_space<semaphore_mem>>
      %dma_start3A_246 = arith.constant 0 : i32
      %dma_start3A_247 = tpu.memref_slice %arg6[%run_scoped3A_7, %dma_start3A_246] : memref<4x128xi32, #tpu.memory_space<vmem>> -> memref<1x128xi32, #tpu.memory_space<vmem>>
      %dma_start3A_248 = tpu.memref_squeeze %dma_start3A_247 : memref<1x128xi32, #tpu.memory_space<vmem>> -> memref<128xi32, #tpu.memory_space<vmem>>
      %dma_start3A_249 = tpu.memref_slice %arg2[%add3A_6] : memref<16384xi32, #tpu.memory_space<hbm>> -> memref<128xi32, #tpu.memory_space<hbm>>
      %dma_start3A_250 = arith.constant 0 : i32
      %dma_start3A_251 = tpu.memref_slice %arg6[%run_scoped3A_7, %dma_start3A_250] : memref<4x128xi32, #tpu.memory_space<vmem>> -> memref<1x128xi32, #tpu.memory_space<vmem>>
      %dma_start3A_252 = tpu.memref_squeeze %dma_start3A_251 : memref<1x128xi32, #tpu.memory_space<vmem>> -> memref<128xi32, #tpu.memory_space<vmem>>
      %dma_start3A_253 = tpu.memref_slice %arg2[%add3A_6] : memref<16384xi32, #tpu.memory_space<hbm>> -> memref<128xi32, #tpu.memory_space<hbm>>
      tpu.enqueue_dma source(%dma_start3A_253 : memref<128xi32, #tpu.memory_space<hbm>>) target(%dma_start3A_252 : memref<128xi32, #tpu.memory_space<vmem>>) target_semaphore(%run_scoped3A_245 : memref<!tpu.dma_semaphore, #tpu.memory_space<semaphore_mem>>)
      %dma_wait3A_254 = arith.constant 0 : i32
      %dma_wait3A_255 = tpu.memref_slice %arg6[%run_scoped3A_7, %dma_wait3A_254] : memref<4x128xi32, #tpu.memory_space<vmem>> -> memref<1x128xi32, #tpu.memory_space<vmem>>
      %dma_wait3A_256 = tpu.memref_squeeze %dma_wait3A_255 : memref<1x128xi32, #tpu.memory_space<vmem>> -> memref<128xi32, #tpu.memory_space<vmem>>
      %dma_wait3A_257 = tpu.memref_slice %arg2[%add3A_6] : memref<16384xi32, #tpu.memory_space<hbm>> -> memref<128xi32, #tpu.memory_space<hbm>>
      %dma_wait3A_258 = arith.constant 0 : i32
      %dma_wait3A_259 = tpu.memref_slice %arg6[%run_scoped3A_7, %dma_wait3A_258] : memref<4x128xi32, #tpu.memory_space<vmem>> -> memref<1x128xi32, #tpu.memory_space<vmem>>
      %dma_wait3A_260 = tpu.memref_squeeze %dma_wait3A_259 : memref<1x128xi32, #tpu.memory_space<vmem>> -> memref<128xi32, #tpu.memory_space<vmem>>
      %dma_wait3A_261 = tpu.memref_slice %arg2[%add3A_6] : memref<16384xi32, #tpu.memory_space<hbm>> -> memref<128xi32, #tpu.memory_space<hbm>>
      tpu.wait_dma2 semaphore(%run_scoped3A_245 : memref<!tpu.dma_semaphore, #tpu.memory_space<semaphore_mem>>) src(%dma_wait3A_261 : memref<128xi32, #tpu.memory_space<hbm>>) dst(%dma_wait3A_260 : memref<128xi32, #tpu.memory_space<vmem>>)
      tpu.yield
    }) : () -> ()
    %add3A_8 = arith.constant 256 : i32
    %add3A_9 = arith.addi %mul3A_2, %add3A_8 : i32
    %run_scoped3A_10 = arith.constant 2 : i32
    "tpu.region"() ({
      %run_scoped3A_245 = tpu.sem_alloc : memref<!tpu.dma_semaphore, #tpu.memory_space<semaphore_mem>>
      %dma_start3A_246 = arith.constant 0 : i32
      %dma_start3A_247 = tpu.memref_slice %arg6[%run_scoped3A_10, %dma_start3A_246] : memref<4x128xi32, #tpu.memory_space<vmem>> -> memref<1x128xi32, #tpu.memory_space<vmem>>
      %dma_start3A_248 = tpu.memref_squeeze %dma_start3A_247 : memref<1x128xi32, #tpu.memory_space<vmem>> -> memref<128xi32, #tpu.memory_space<vmem>>
      %dma_start3A_249 = tpu.memref_slice %arg2[%add3A_9] : memref<16384xi32, #tpu.memory_space<hbm>> -> memref<128xi32, #tpu.memory_space<hbm>>
      %dma_start3A_250 = arith.constant 0 : i32
      %dma_start3A_251 = tpu.memref_slice %arg6[%run_scoped3A_10, %dma_start3A_250] : memref<4x128xi32, #tpu.memory_space<vmem>> -> memref<1x128xi32, #tpu.memory_space<vmem>>
      %dma_start3A_252 = tpu.memref_squeeze %dma_start3A_251 : memref<1x128xi32, #tpu.memory_space<vmem>> -> memref<128xi32, #tpu.memory_space<vmem>>
      %dma_start3A_253 = tpu.memref_slice %arg2[%add3A_9] : memref<16384xi32, #tpu.memory_space<hbm>> -> memref<128xi32, #tpu.memory_space<hbm>>
      tpu.enqueue_dma source(%dma_start3A_253 : memref<128xi32, #tpu.memory_space<hbm>>) target(%dma_start3A_252 : memref<128xi32, #tpu.memory_space<vmem>>) target_semaphore(%run_scoped3A_245 : memref<!tpu.dma_semaphore, #tpu.memory_space<semaphore_mem>>)
      %dma_wait3A_254 = arith.constant 0 : i32
      %dma_wait3A_255 = tpu.memref_slice %arg6[%run_scoped3A_10, %dma_wait3A_254] : memref<4x128xi32, #tpu.memory_space<vmem>> -> memref<1x128xi32, #tpu.memory_space<vmem>>
      %dma_wait3A_256 = tpu.memref_squeeze %dma_wait3A_255 : memref<1x128xi32, #tpu.memory_space<vmem>> -> memref<128xi32, #tpu.memory_space<vmem>>
      %dma_wait3A_257 = tpu.memref_slice %arg2[%add3A_9] : memref<16384xi32, #tpu.memory_space<hbm>> -> memref<128xi32, #tpu.memory_space<hbm>>
      %dma_wait3A_258 = arith.constant 0 : i32
      %dma_wait3A_259 = tpu.memref_slice %arg6[%run_scoped3A_10, %dma_wait3A_258] : memref<4x128xi32, #tpu.memory_space<vmem>> -> memref<1x128xi32, #tpu.memory_space<vmem>>
      %dma_wait3A_260 = tpu.memref_squeeze %dma_wait3A_259 : memref<1x128xi32, #tpu.memory_space<vmem>> -> memref<128xi32, #tpu.memory_space<vmem>>
      %dma_wait3A_261 = tpu.memref_slice %arg2[%add3A_9] : memref<16384xi32, #tpu.memory_space<hbm>> -> memref<128xi32, #tpu.memory_space<hbm>>
      tpu.wait_dma2 semaphore(%run_scoped3A_245 : memref<!tpu.dma_semaphore, #tpu.memory_space<semaphore_mem>>) src(%dma_wait3A_261 : memref<128xi32, #tpu.memory_space<hbm>>) dst(%dma_wait3A_260 : memref<128xi32, #tpu.memory_space<vmem>>)
      tpu.yield
    }) : () -> ()
    %add3A_11 = arith.constant 384 : i32
    %add3A_12 = arith.addi %mul3A_2, %add3A_11 : i32
    %run_scoped3A_13 = arith.constant 3 : i32
    "tpu.region"() ({
      %run_scoped3A_245 = tpu.sem_alloc : memref<!tpu.dma_semaphore, #tpu.memory_space<semaphore_mem>>
      %dma_start3A_246 = arith.constant 0 : i32
      %dma_start3A_247 = tpu.memref_slice %arg6[%run_scoped3A_13, %dma_start3A_246] : memref<4x128xi32, #tpu.memory_space<vmem>> -> memref<1x128xi32, #tpu.memory_space<vmem>>
      %dma_start3A_248 = tpu.memref_squeeze %dma_start3A_247 : memref<1x128xi32, #tpu.memory_space<vmem>> -> memref<128xi32, #tpu.memory_space<vmem>>
      %dma_start3A_249 = tpu.memref_slice %arg2[%add3A_12] : memref<16384xi32, #tpu.memory_space<hbm>> -> memref<128xi32, #tpu.memory_space<hbm>>
      %dma_start3A_250 = arith.constant 0 : i32
      %dma_start3A_251 = tpu.memref_slice %arg6[%run_scoped3A_13, %dma_start3A_250] : memref<4x128xi32, #tpu.memory_space<vmem>> -> memref<1x128xi32, #tpu.memory_space<vmem>>
      %dma_start3A_252 = tpu.memref_squeeze %dma_start3A_251 : memref<1x128xi32, #tpu.memory_space<vmem>> -> memref<128xi32, #tpu.memory_space<vmem>>
      %dma_start3A_253 = tpu.memref_slice %arg2[%add3A_12] : memref<16384xi32, #tpu.memory_space<hbm>> -> memref<128xi32, #tpu.memory_space<hbm>>
      tpu.enqueue_dma source(%dma_start3A_253 : memref<128xi32, #tpu.memory_space<hbm>>) target(%dma_start3A_252 : memref<128xi32, #tpu.memory_space<vmem>>) target_semaphore(%run_scoped3A_245 : memref<!tpu.dma_semaphore, #tpu.memory_space<semaphore_mem>>)
      %dma_wait3A_254 = arith.constant 0 : i32
      %dma_wait3A_255 = tpu.memref_slice %arg6[%run_scoped3A_13, %dma_wait3A_254] : memref<4x128xi32, #tpu.memory_space<vmem>> -> memref<1x128xi32, #tpu.memory_space<vmem>>
      %dma_wait3A_256 = tpu.memref_squeeze %dma_wait3A_255 : memref<1x128xi32, #tpu.memory_space<vmem>> -> memref<128xi32, #tpu.memory_space<vmem>>
      %dma_wait3A_257 = tpu.memref_slice %arg2[%add3A_12] : memref<16384xi32, #tpu.memory_space<hbm>> -> memref<128xi32, #tpu.memory_space<hbm>>
      %dma_wait3A_258 = arith.constant 0 : i32
      %dma_wait3A_259 = tpu.memref_slice %arg6[%run_scoped3A_13, %dma_wait3A_258] : memref<4x128xi32, #tpu.memory_space<vmem>> -> memref<1x128xi32, #tpu.memory_space<vmem>>
      %dma_wait3A_260 = tpu.memref_squeeze %dma_wait3A_259 : memref<1x128xi32, #tpu.memory_space<vmem>> -> memref<128xi32, #tpu.memory_space<vmem>>
      %dma_wait3A_261 = tpu.memref_slice %arg2[%add3A_12] : memref<16384xi32, #tpu.memory_space<hbm>> -> memref<128xi32, #tpu.memory_space<hbm>>
      tpu.wait_dma2 semaphore(%run_scoped3A_245 : memref<!tpu.dma_semaphore, #tpu.memory_space<semaphore_mem>>) src(%dma_wait3A_261 : memref<128xi32, #tpu.memory_space<hbm>>) dst(%dma_wait3A_260 : memref<128xi32, #tpu.memory_space<vmem>>)
      tpu.yield
    }) : () -> ()
    tpu.enqueue_dma source(%arg4 : memref<16xf32, #tpu.memory_space<hbm>>) target(%arg9 : memref<16xf32, #tpu.memory_space<vmem>>) target_semaphore(%arg11 : memref<!tpu.dma_semaphore, #tpu.memory_space<semaphore_mem>>)
    tpu.wait_dma2 semaphore(%arg11 : memref<!tpu.dma_semaphore, #tpu.memory_space<semaphore_mem>>) src(%arg4 : memref<16xf32, #tpu.memory_space<hbm>>) dst(%arg9 : memref<16xf32, #tpu.memory_space<vmem>>)
    %get3A = arith.constant 0 : index
    %get3A_14 = tpu.vector_load %arg9[%get3A] {strides = array<i32>} : memref<16xf32, #tpu.memory_space<vmem>>, vector<16xf32>,
    %get3A_15 = vector.shape_cast %get3A_14 : vector<16xf32> to vector<16xf32>
    %dma_start3A = arith.constant 0 : i32
    %dma_start3A_16 = arith.constant 0 : i32
    %dma_start3A_17 = arith.constant 0 : i32
    %dma_start3A_18 = arith.constant 0 : i32
    %dma_start3A_19 = tpu.memref_slice %arg7[%dma_start3A_16, %dma_start3A_17, %dma_start3A_18] : memref<2x128x128xf32, #tpu.memory_space<vmem>> -> memref<1x128x128xf32, #tpu.memory_space<vmem>>
    %dma_start3A_20 = tpu.memref_squeeze %dma_start3A_19 : memref<1x128x128xf32, #tpu.memory_space<vmem>> -> memref<128x128xf32, #tpu.memory_space<vmem>>
    %dma_start3A_21 = arith.constant 0 : i32
    %dma_start3A_22 = tpu.memref_slice %arg6[%dma_start3A, %dma_start3A_21] : memref<4x128xi32, #tpu.memory_space<vmem>> -> memref<1x128xi32, #tpu.memory_space<vmem>>
    %dma_start3A_23 = tpu.memref_squeeze %dma_start3A_22 : memref<1x128xi32, #tpu.memory_space<vmem>> -> memref<128xi32, #tpu.memory_space<vmem>>
    %dma_start3A_24 = arith.constant 0 : i32
    %dma_start3A_25 = arith.constant 0 : i32
    %dma_start3A_26 = tpu.memref_slice %arg3[%dma_start3A_24, %dma_start3A_25] : memref<100000x128xf32, #tpu.memory_space<hbm>> -> memref<100000x128xf32, #tpu.memory_space<hbm>>
    tpu.enqueue_indirect_dma source(%dma_start3A_26 : memref<100000x128xf32, #tpu.memory_space<hbm>>) target(%dma_start3A_20 : memref<128x128xf32, #tpu.memory_space<vmem>>) offsets(%dma_start3A_23 : memref<128xi32, #tpu.memory_space<vmem>>) semaphore(%arg10 : memref<!tpu.dma_semaphore, #tpu.memory_space<semaphore_mem>>)
    %dma_start3A_27 = arith.constant 1 : i32
    %dma_start3A_28 = arith.constant 1 : i32
    %dma_start3A_29 = arith.constant 0 : i32
    %dma_start3A_30 = arith.constant 0 : i32
    %dma_start3A_31 = tpu.memref_slice %arg7[%dma_start3A_28, %dma_start3A_29, %dma_start3A_30] : memref<2x128x128xf32, #tpu.memory_space<vmem>> -> memref<1x128x128xf32, #tpu.memory_space<vmem>>
    %dma_start3A_32 = tpu.memref_squeeze %dma_start3A_31 : memref<1x128x128xf32, #tpu.memory_space<vmem>> -> memref<128x128xf32, #tpu.memory_space<vmem>>
    %dma_start3A_33 = arith.constant 0 : i32
    %dma_start3A_34 = tpu.memref_slice %arg6[%dma_start3A_27, %dma_start3A_33] : memref<4x128xi32, #tpu.memory_space<vmem>> -> memref<1x128xi32, #tpu.memory_space<vmem>>
    %dma_start3A_35 = tpu.memref_squeeze %dma_start3A_34 : memref<1x128xi32, #tpu.memory_space<vmem>> -> memref<128xi32, #tpu.memory_space<vmem>>
    %dma_start3A_36 = arith.constant 0 : i32
    %dma_start3A_37 = arith.constant 0 : i32
    %dma_start3A_38 = tpu.memref_slice %arg3[%dma_start3A_36, %dma_start3A_37] : memref<100000x128xf32, #tpu.memory_space<hbm>> -> memref<100000x128xf32, #tpu.memory_space<hbm>>
    tpu.enqueue_indirect_dma source(%dma_start3A_38 : memref<100000x128xf32, #tpu.memory_space<hbm>>) target(%dma_start3A_32 : memref<128x128xf32, #tpu.memory_space<vmem>>) offsets(%dma_start3A_35 : memref<128xi32, #tpu.memory_space<vmem>>) semaphore(%arg10 : memref<!tpu.dma_semaphore, #tpu.memory_space<semaphore_mem>>)
    %dma_wait3A = arith.constant 0 : i32
    %dma_wait3A_39 = arith.constant 0 : i32
    %dma_wait3A_40 = arith.constant 0 : i32
    %dma_wait3A_41 = arith.constant 0 : i32
    %dma_wait3A_42 = tpu.memref_slice %arg7[%dma_wait3A_39, %dma_wait3A_40, %dma_wait3A_41] : memref<2x128x128xf32, #tpu.memory_space<vmem>> -> memref<1x128x128xf32, #tpu.memory_space<vmem>>
    %dma_wait3A_43 = tpu.memref_squeeze %dma_wait3A_42 : memref<1x128x128xf32, #tpu.memory_space<vmem>> -> memref<128x128xf32, #tpu.memory_space<vmem>>
    %dma_wait3A_44 = arith.constant 0 : i32
    %dma_wait3A_45 = tpu.memref_slice %arg6[%dma_wait3A, %dma_wait3A_44] : memref<4x128xi32, #tpu.memory_space<vmem>> -> memref<1x128xi32, #tpu.memory_space<vmem>>
    %dma_wait3A_46 = tpu.memref_squeeze %dma_wait3A_45 : memref<1x128xi32, #tpu.memory_space<vmem>> -> memref<128xi32, #tpu.memory_space<vmem>>
    %dma_wait3A_47 = arith.constant 0 : i32
    %dma_wait3A_48 = arith.constant 0 : i32
    %dma_wait3A_49 = tpu.memref_slice %arg3[%dma_wait3A_47, %dma_wait3A_48] : memref<100000x128xf32, #tpu.memory_space<hbm>> -> memref<100000x128xf32, #tpu.memory_space<hbm>>
    tpu.wait_indirect_dma semaphore(%arg10 : memref<!tpu.dma_semaphore, #tpu.memory_space<semaphore_mem>>) src(%dma_wait3A_49 : memref<100000x128xf32, #tpu.memory_space<hbm>>) dst(%dma_wait3A_43 : memref<128x128xf32, #tpu.memory_space<vmem>>)
    %scan3A = arith.constant 0 : i32
    %scan3A_50 = arith.constant 0 : i32
    %scan3A_51 = arith.constant 128 : i32
    %scan3A_52 = arith.addi %scan3A_50, %scan3A_51 : i32
    %scan3A_53 = arith.constant 8 : i32
    scf.for %scan3A_245 = %scan3A_50 to %scan3A_52 step %scan3A_53  : i32 {
      %get3A_246 = arith.constant 0 : i32
      %get3A_247 = arith.index_cast %get3A_246 : i32 to index
      %get3A_248 = arith.index_cast %scan3A_245 : i32 to index
      %get3A_249 = arith.constant 0 : index
      %get3A_250 = tpu.vector_load %arg7[%get3A_247, %get3A_248, %get3A_249] {strides = array<i32>} : memref<2x128x128xf32, #tpu.memory_space<vmem>>, vector<1x1x16xf32>,
      %get3A_251 = vector.shape_cast %get3A_250 : vector<1x1x16xf32> to vector<16xf32>
      %get3A_252 = arith.constant 0 : i32
      %get3A_253 = arith.index_cast %get3A_252 : i32 to index
      %get3A_254 = arith.index_cast %scan3A_245 : i32 to index
      %get3A_255 = arith.constant 16 : index
      %get3A_256 = tpu.vector_load %arg7[%get3A_253, %get3A_254, %get3A_255] {strides = array<i32>} : memref<2x128x128xf32, #tpu.memory_space<vmem>>, vector<1x1x16xf32>,
      %get3A_257 = vector.shape_cast %get3A_256 : vector<1x1x16xf32> to vector<16xf32>
      %get3A_258 = arith.constant 0 : i32
      %get3A_259 = arith.index_cast %get3A_258 : i32 to index
      %get3A_260 = arith.index_cast %scan3A_245 : i32 to index
      %get3A_261 = arith.constant 32 : index
      %get3A_262 = tpu.vector_load %arg7[%get3A_259, %get3A_260, %get3A_261] {strides = array<i32>} : memref<2x128x128xf32, #tpu.memory_space<vmem>>, vector<1x1x16xf32>,
      %get3A_263 = vector.shape_cast %get3A_262 : vector<1x1x16xf32> to vector<16xf32>
      %swap3A = arith.constant 0 : i32
      %swap3A_264 = arith.index_cast %swap3A : i32 to index
      %swap3A_265 = arith.index_cast %scan3A_245 : i32 to index
      %swap3A_266 = arith.constant 0 : index
      %swap3A_267 = tpu.vector_load %arg8[%swap3A_264, %swap3A_265, %swap3A_266] {strides = array<i32>} : memref<2x128x64xf32, #tpu.memory_space<vmem>>, vector<1x1x16xf32>,
      %swap3A_268 = vector.shape_cast %swap3A_267 : vector<1x1x16xf32> to vector<16xf32>
      %swap3A_269 = vector.shape_cast %get3A_251 : vector<16xf32> to vector<1x1x16xf32>
      tpu.vector_store %arg8[%swap3A_264, %swap3A_265, %swap3A_266], %swap3A_269 {strides = array<i32>} : memref<2x128x64xf32, #tpu.memory_space<vmem>>, vector<1x1x16xf32>,
      %swap3A_270 = arith.constant 0 : i32
      %swap3A_271 = arith.index_cast %swap3A_270 : i32 to index
      %swap3A_272 = arith.index_cast %scan3A_245 : i32 to index
      %swap3A_273 = arith.constant 16 : index
      %swap3A_274 = tpu.vector_load %arg8[%swap3A_271, %swap3A_272, %swap3A_273] {strides = array<i32>} : memref<2x128x64xf32, #tpu.memory_space<vmem>>, vector<1x1x16xf32>,
      %swap3A_275 = vector.shape_cast %swap3A_274 : vector<1x1x16xf32> to vector<16xf32>
      %swap3A_276 = vector.shape_cast %get3A_257 : vector<16xf32> to vector<1x1x16xf32>
      tpu.vector_store %arg8[%swap3A_271, %swap3A_272, %swap3A_273], %swap3A_276 {strides = array<i32>} : memref<2x128x64xf32, #tpu.memory_space<vmem>>, vector<1x1x16xf32>,
      %swap3A_277 = arith.constant 0 : i32
      %swap3A_278 = arith.index_cast %swap3A_277 : i32 to index
      %swap3A_279 = arith.index_cast %scan3A_245 : i32 to index
      %swap3A_280 = arith.constant 32 : index
      %swap3A_281 = tpu.vector_load %arg8[%swap3A_278, %swap3A_279, %swap3A_280] {strides = array<i32>} : memref<2x128x64xf32, #tpu.memory_space<vmem>>, vector<1x1x16xf32>,
      %swap3A_282 = vector.shape_cast %swap3A_281 : vector<1x1x16xf32> to vector<16xf32>
      %swap3A_283 = vector.shape_cast %get3A_263 : vector<16xf32> to vector<1x1x16xf32>
      tpu.vector_store %arg8[%swap3A_278, %swap3A_279, %swap3A_280], %swap3A_283 {strides = array<i32>} : memref<2x128x64xf32, #tpu.memory_space<vmem>>, vector<1x1x16xf32>,
      %swap3A_284 = arith.constant 0 : i32
      %swap3A_285 = arith.index_cast %swap3A_284 : i32 to index
      %swap3A_286 = arith.index_cast %scan3A_245 : i32 to index
      %swap3A_287 = arith.constant 48 : index
      %swap3A_288 = tpu.vector_load %arg8[%swap3A_285, %swap3A_286, %swap3A_287] {strides = array<i32>} : memref<2x128x64xf32, #tpu.memory_space<vmem>>, vector<1x1x16xf32>,
      %swap3A_289 = vector.shape_cast %swap3A_288 : vector<1x1x16xf32> to vector<16xf32>
      %swap3A_290 = vector.shape_cast %get3A_15 : vector<16xf32> to vector<1x1x16xf32>
      tpu.vector_store %arg8[%swap3A_285, %swap3A_286, %swap3A_287], %swap3A_290 {strides = array<i32>} : memref<2x128x64xf32, #tpu.memory_space<vmem>>, vector<1x1x16xf32>,
      %scan3A_291 = arith.constant 1 : i32
      %scan3A_292 = arith.addi %scan3A_245, %scan3A_291 : i32
      %get3A_293 = arith.constant 0 : i32
      %get3A_294 = arith.index_cast %get3A_293 : i32 to index
      %get3A_295 = arith.index_cast %scan3A_292 : i32 to index
      %get3A_296 = arith.constant 0 : index
      %get3A_297 = tpu.vector_load %arg7[%get3A_294, %get3A_295, %get3A_296] {strides = array<i32>} : memref<2x128x128xf32, #tpu.memory_space<vmem>>, vector<1x1x16xf32>,
      %get3A_298 = vector.shape_cast %get3A_297 : vector<1x1x16xf32> to vector<16xf32>
      %get3A_299 = arith.constant 0 : i32
      %get3A_300 = arith.index_cast %get3A_299 : i32 to index
      %get3A_301 = arith.index_cast %scan3A_292 : i32 to index
      %get3A_302 = arith.constant 16 : index
      %get3A_303 = tpu.vector_load %arg7[%get3A_300, %get3A_301, %get3A_302] {strides = array<i32>} : memref<2x128x128xf32, #tpu.memory_space<vmem>>, vector<1x1x16xf32>,
      %get3A_304 = vector.shape_cast %get3A_303 : vector<1x1x16xf32> to vector<16xf32>
      %get3A_305 = arith.constant 0 : i32
      %get3A_306 = arith.index_cast %get3A_305 : i32 to index
      %get3A_307 = arith.index_cast %scan3A_292 : i32 to index
      %get3A_308 = arith.constant 32 : index
      %get3A_309 = tpu.vector_load %arg7[%get3A_306, %get3A_307, %get3A_308] {strides = array<i32>} : memref<2x128x128xf32, #tpu.memory_space<vmem>>, vector<1x1x16xf32>,
      %get3A_310 = vector.shape_cast %get3A_309 : vector<1x1x16xf32> to vector<16xf32>
      %swap3A_311 = arith.constant 0 : i32
      %swap3A_312 = arith.index_cast %swap3A_311 : i32 to index
      %swap3A_313 = arith.index_cast %scan3A_292 : i32 to index
      %swap3A_314 = arith.constant 0 : index
      %swap3A_315 = tpu.vector_load %arg8[%swap3A_312, %swap3A_313, %swap3A_314] {strides = array<i32>} : memref<2x128x64xf32, #tpu.memory_space<vmem>>, vector<1x1x16xf32>,
      %swap3A_316 = vector.shape_cast %swap3A_315 : vector<1x1x16xf32> to vector<16xf32>
      %swap3A_317 = vector.shape_cast %get3A_298 : vector<16xf32> to vector<1x1x16xf32>
      tpu.vector_store %arg8[%swap3A_312, %swap3A_313, %swap3A_314], %swap3A_317 {strides = array<i32>} : memref<2x128x64xf32, #tpu.memory_space<vmem>>, vector<1x1x16xf32>,
      %swap3A_318 = arith.constant 0 : i32
      %swap3A_319 = arith.index_cast %swap3A_318 : i32 to index
      %swap3A_320 = arith.index_cast %scan3A_292 : i32 to index
      %swap3A_321 = arith.constant 16 : index
      %swap3A_322 = tpu.vector_load %arg8[%swap3A_319, %swap3A_320, %swap3A_321] {strides = array<i32>} : memref<2x128x64xf32, #tpu.memory_space<vmem>>, vector<1x1x16xf32>,
      %swap3A_323 = vector.shape_cast %swap3A_322 : vector<1x1x16xf32> to vector<16xf32>
      %swap3A_324 = vector.shape_cast %get3A_304 : vector<16xf32> to vector<1x1x16xf32>
      tpu.vector_store %arg8[%swap3A_319, %swap3A_320, %swap3A_321], %swap3A_324 {strides = array<i32>} : memref<2x128x64xf32, #tpu.memory_space<vmem>>, vector<1x1x16xf32>,
      %swap3A_325 = arith.constant 0 : i32
      %swap3A_326 = arith.index_cast %swap3A_325 : i32 to index
      %swap3A_327 = arith.index_cast %scan3A_292 : i32 to index
      %swap3A_328 = arith.constant 32 : index
      %swap3A_329 = tpu.vector_load %arg8[%swap3A_326, %swap3A_327, %swap3A_328] {strides = array<i32>} : memref<2x128x64xf32, #tpu.memory_space<vmem>>, vector<1x1x16xf32>,
      %swap3A_330 = vector.shape_cast %swap3A_329 : vector<1x1x16xf32> to vector<16xf32>
      %swap3A_331 = vector.shape_cast %get3A_310 : vector<16xf32> to vector<1x1x16xf32>
      tpu.vector_store %arg8[%swap3A_326, %swap3A_327, %swap3A_328], %swap3A_331 {strides = array<i32>} : memref<2x128x64xf32, #tpu.memory_space<vmem>>, vector<1x1x16xf32>,
      %swap3A_332 = arith.constant 0 : i32
      %swap3A_333 = arith.index_cast %swap3A_332 : i32 to index
      %swap3A_334 = arith.index_cast %scan3A_292 : i32 to index
      %swap3A_335 = arith.constant 48 : index
      %swap3A_336 = tpu.vector_load %arg8[%swap3A_333, %swap3A_334, %swap3A_335] {strides = array<i32>} : memref<2x128x64xf32, #tpu.memory_space<vmem>>, vector<1x1x16xf32>,
      %swap3A_337 = vector.shape_cast %swap3A_336 : vector<1x1x16xf32> to vector<16xf32>
      %swap3A_338 = vector.shape_cast %get3A_15 : vector<16xf32> to vector<1x1x16xf32>
      tpu.vector_store %arg8[%swap3A_333, %swap3A_334, %swap3A_335], %swap3A_338 {strides = array<i32>} : memref<2x128x64xf32, #tpu.memory_space<vmem>>, vector<1x1x16xf32>,
      %scan3A_339 = arith.constant 2 : i32
      %scan3A_340 = arith.addi %scan3A_245, %scan3A_339 : i32
      %get3A_341 = arith.constant 0 : i32
      %get3A_342 = arith.index_cast %get3A_341 : i32 to index
      %get3A_343 = arith.index_cast %scan3A_340 : i32 to index
      %get3A_344 = arith.constant 0 : index
      %get3A_345 = tpu.vector_load %arg7[%get3A_342, %get3A_343, %get3A_344] {strides = array<i32>} : memref<2x128x128xf32, #tpu.memory_space<vmem>>, vector<1x1x16xf32>,
      %get3A_346 = vector.shape_cast %get3A_345 : vector<1x1x16xf32> to vector<16xf32>
      %get3A_347 = arith.constant 0 : i32
      %get3A_348 = arith.index_cast %get3A_347 : i32 to index
      %get3A_349 = arith.index_cast %scan3A_340 : i32 to index
      %get3A_350 = arith.constant 16 : index
      %get3A_351 = tpu.vector_load %arg7[%get3A_348, %get3A_349, %get3A_350] {strides = array<i32>} : memref<2x128x128xf32, #tpu.memory_space<vmem>>, vector<1x1x16xf32>,
      %get3A_352 = vector.shape_cast %get3A_351 : vector<1x1x16xf32> to vector<16xf32>
      %get3A_353 = arith.constant 0 : i32
      %get3A_354 = arith.index_cast %get3A_353 : i32 to index
      %get3A_355 = arith.index_cast %scan3A_340 : i32 to index
      %get3A_356 = arith.constant 32 : index
      %get3A_357 = tpu.vector_load %arg7[%get3A_354, %get3A_355, %get3A_356] {strides = array<i32>} : memref<2x128x128xf32, #tpu.memory_space<vmem>>, vector<1x1x16xf32>,
      %get3A_358 = vector.shape_cast %get3A_357 : vector<1x1x16xf32> to vector<16xf32>
      %swap3A_359 = arith.constant 0 : i32
      %swap3A_360 = arith.index_cast %swap3A_359 : i32 to index
      %swap3A_361 = arith.index_cast %scan3A_340 : i32 to index
      %swap3A_362 = arith.constant 0 : index
      %swap3A_363 = tpu.vector_load %arg8[%swap3A_360, %swap3A_361, %swap3A_362] {strides = array<i32>} : memref<2x128x64xf32, #tpu.memory_space<vmem>>, vector<1x1x16xf32>,
      %swap3A_364 = vector.shape_cast %swap3A_363 : vector<1x1x16xf32> to vector<16xf32>
      %swap3A_365 = vector.shape_cast %get3A_346 : vector<16xf32> to vector<1x1x16xf32>
      tpu.vector_store %arg8[%swap3A_360, %swap3A_361, %swap3A_362], %swap3A_365 {strides = array<i32>} : memref<2x128x64xf32, #tpu.memory_space<vmem>>, vector<1x1x16xf32>,
      %swap3A_366 = arith.constant 0 : i32
      %swap3A_367 = arith.index_cast %swap3A_366 : i32 to index
      %swap3A_368 = arith.index_cast %scan3A_340 : i32 to index
      %swap3A_369 = arith.constant 16 : index
      %swap3A_370 = tpu.vector_load %arg8[%swap3A_367, %swap3A_368, %swap3A_369] {strides = array<i32>} : memref<2x128x64xf32, #tpu.memory_space<vmem>>, vector<1x1x16xf32>,
      %swap3A_371 = vector.shape_cast %swap3A_370 : vector<1x1x16xf32> to vector<16xf32>
      %swap3A_372 = vector.shape_cast %get3A_352 : vector<16xf32> to vector<1x1x16xf32>
      tpu.vector_store %arg8[%swap3A_367, %swap3A_368, %swap3A_369], %swap3A_372 {strides = array<i32>} : memref<2x128x64xf32, #tpu.memory_space<vmem>>, vector<1x1x16xf32>,
      %swap3A_373 = arith.constant 0 : i32
      %swap3A_374 = arith.index_cast %swap3A_373 : i32 to index
      %swap3A_375 = arith.index_cast %scan3A_340 : i32 to index
      %swap3A_376 = arith.constant 32 : index
      %swap3A_377 = tpu.vector_load %arg8[%swap3A_374, %swap3A_375, %swap3A_376] {strides = array<i32>} : memref<2x128x64xf32, #tpu.memory_space<vmem>>, vector<1x1x16xf32>,
      %swap3A_378 = vector.shape_cast %swap3A_377 : vector<1x1x16xf32> to vector<16xf32>
      %swap3A_379 = vector.shape_cast %get3A_358 : vector<16xf32> to vector<1x1x16xf32>
      tpu.vector_store %arg8[%swap3A_374, %swap3A_375, %swap3A_376], %swap3A_379 {strides = array<i32>} : memref<2x128x64xf32, #tpu.memory_space<vmem>>, vector<1x1x16xf32>,
      %swap3A_380 = arith.constant 0 : i32
      %swap3A_381 = arith.index_cast %swap3A_380 : i32 to index
      %swap3A_382 = arith.index_cast %scan3A_340 : i32 to index
      %swap3A_383 = arith.constant 48 : index
      %swap3A_384 = tpu.vector_load %arg8[%swap3A_381, %swap3A_382, %swap3A_383] {strides = array<i32>} : memref<2x128x64xf32, #tpu.memory_space<vmem>>, vector<1x1x16xf32>,
      %swap3A_385 = vector.shape_cast %swap3A_384 : vector<1x1x16xf32> to vector<16xf32>
      %swap3A_386 = vector.shape_cast %get3A_15 : vector<16xf32> to vector<1x1x16xf32>
      tpu.vector_store %arg8[%swap3A_381, %swap3A_382, %swap3A_383], %swap3A_386 {strides = array<i32>} : memref<2x128x64xf32, #tpu.memory_space<vmem>>, vector<1x1x16xf32>,
      %scan3A_387 = arith.constant 3 : i32
      %scan3A_388 = arith.addi %scan3A_245, %scan3A_387 : i32
      %get3A_389 = arith.constant 0 : i32
      %get3A_390 = arith.index_cast %get3A_389 : i32 to index
      %get3A_391 = arith.index_cast %scan3A_388 : i32 to index
      %get3A_392 = arith.constant 0 : index
      %get3A_393 = tpu.vector_load %arg7[%get3A_390, %get3A_391, %get3A_392] {strides = array<i32>} : memref<2x128x128xf32, #tpu.memory_space<vmem>>, vector<1x1x16xf32>,
      %get3A_394 = vector.shape_cast %get3A_393 : vector<1x1x16xf32> to vector<16xf32>
      %get3A_395 = arith.constant 0 : i32
      %get3A_396 = arith.index_cast %get3A_395 : i32 to index
      %get3A_397 = arith.index_cast %scan3A_388 : i32 to index
      %get3A_398 = arith.constant 16 : index
      %get3A_399 = tpu.vector_load %arg7[%get3A_396, %get3A_397, %get3A_398] {strides = array<i32>} : memref<2x128x128xf32, #tpu.memory_space<vmem>>, vector<1x1x16xf32>,
      %get3A_400 = vector.shape_cast %get3A_399 : vector<1x1x16xf32> to vector<16xf32>
      %get3A_401 = arith.constant 0 : i32
      %get3A_402 = arith.index_cast %get3A_401 : i32 to index
      %get3A_403 = arith.index_cast %scan3A_388 : i32 to index
      %get3A_404 = arith.constant 32 : index
      %get3A_405 = tpu.vector_load %arg7[%get3A_402, %get3A_403, %get3A_404] {strides = array<i32>} : memref<2x128x128xf32, #tpu.memory_space<vmem>>, vector<1x1x16xf32>,
      %get3A_406 = vector.shape_cast %get3A_405 : vector<1x1x16xf32> to vector<16xf32>
      %swap3A_407 = arith.constant 0 : i32
      %swap3A_408 = arith.index_cast %swap3A_407 : i32 to index
      %swap3A_409 = arith.index_cast %scan3A_388 : i32 to index
      %swap3A_410 = arith.constant 0 : index
      %swap3A_411 = tpu.vector_load %arg8[%swap3A_408, %swap3A_409, %swap3A_410] {strides = array<i32>} : memref<2x128x64xf32, #tpu.memory_space<vmem>>, vector<1x1x16xf32>,
      %swap3A_412 = vector.shape_cast %swap3A_411 : vector<1x1x16xf32> to vector<16xf32>
      %swap3A_413 = vector.shape_cast %get3A_394 : vector<16xf32> to vector<1x1x16xf32>
      tpu.vector_store %arg8[%swap3A_408, %swap3A_409, %swap3A_410], %swap3A_413 {strides = array<i32>} : memref<2x128x64xf32, #tpu.memory_space<vmem>>, vector<1x1x16xf32>,
      %swap3A_414 = arith.constant 0 : i32
      %swap3A_415 = arith.index_cast %swap3A_414 : i32 to index
      %swap3A_416 = arith.index_cast %scan3A_388 : i32 to index
      %swap3A_417 = arith.constant 16 : index
      %swap3A_418 = tpu.vector_load %arg8[%swap3A_415, %swap3A_416, %swap3A_417] {strides = array<i32>} : memref<2x128x64xf32, #tpu.memory_space<vmem>>, vector<1x1x16xf32>,
      %swap3A_419 = vector.shape_cast %swap3A_418 : vector<1x1x16xf32> to vector<16xf32>
      %swap3A_420 = vector.shape_cast %get3A_400 : vector<16xf32> to vector<1x1x16xf32>
      tpu.vector_store %arg8[%swap3A_415, %swap3A_416, %swap3A_417], %swap3A_420 {strides = array<i32>} : memref<2x128x64xf32, #tpu.memory_space<vmem>>, vector<1x1x16xf32>,
      %swap3A_421 = arith.constant 0 : i32
      %swap3A_422 = arith.index_cast %swap3A_421 : i32 to index
      %swap3A_423 = arith.index_cast %scan3A_388 : i32 to index
      %swap3A_424 = arith.constant 32 : index
      %swap3A_425 = tpu.vector_load %arg8[%swap3A_422, %swap3A_423, %swap3A_424] {strides = array<i32>} : memref<2x128x64xf32, #tpu.memory_space<vmem>>, vector<1x1x16xf32>,
      %swap3A_426 = vector.shape_cast %swap3A_425 : vector<1x1x16xf32> to vector<16xf32>
      %swap3A_427 = vector.shape_cast %get3A_406 : vector<16xf32> to vector<1x1x16xf32>
      tpu.vector_store %arg8[%swap3A_422, %swap3A_423, %swap3A_424], %swap3A_427 {strides = array<i32>} : memref<2x128x64xf32, #tpu.memory_space<vmem>>, vector<1x1x16xf32>,
      %swap3A_428 = arith.constant 0 : i32
      %swap3A_429 = arith.index_cast %swap3A_428 : i32 to index
      %swap3A_430 = arith.index_cast %scan3A_388 : i32 to index
      %swap3A_431 = arith.constant 48 : index
      %swap3A_432 = tpu.vector_load %arg8[%swap3A_429, %swap3A_430, %swap3A_431] {strides = array<i32>} : memref<2x128x64xf32, #tpu.memory_space<vmem>>, vector<1x1x16xf32>,
      %swap3A_433 = vector.shape_cast %swap3A_432 : vector<1x1x16xf32> to vector<16xf32>
      %swap3A_434 = vector.shape_cast %get3A_15 : vector<16xf32> to vector<1x1x16xf32>
      tpu.vector_store %arg8[%swap3A_429, %swap3A_430, %swap3A_431], %swap3A_434 {strides = array<i32>} : memref<2x128x64xf32, #tpu.memory_space<vmem>>, vector<1x1x16xf32>,
      %scan3A_435 = arith.constant 4 : i32
      %scan3A_436 = arith.addi %scan3A_245, %scan3A_435 : i32
      %get3A_437 = arith.constant 0 : i32
      %get3A_438 = arith.index_cast %get3A_437 : i32 to index
      %get3A_439 = arith.index_cast %scan3A_436 : i32 to index
      %get3A_440 = arith.constant 0 : index
      %get3A_441 = tpu.vector_load %arg7[%get3A_438, %get3A_439, %get3A_440] {strides = array<i32>} : memref<2x128x128xf32, #tpu.memory_space<vmem>>, vector<1x1x16xf32>,
      %get3A_442 = vector.shape_cast %get3A_441 : vector<1x1x16xf32> to vector<16xf32>
      %get3A_443 = arith.constant 0 : i32
      %get3A_444 = arith.index_cast %get3A_443 : i32 to index
      %get3A_445 = arith.index_cast %scan3A_436 : i32 to index
      %get3A_446 = arith.constant 16 : index
      %get3A_447 = tpu.vector_load %arg7[%get3A_444, %get3A_445, %get3A_446] {strides = array<i32>} : memref<2x128x128xf32, #tpu.memory_space<vmem>>, vector<1x1x16xf32>,
      %get3A_448 = vector.shape_cast %get3A_447 : vector<1x1x16xf32> to vector<16xf32>
      %get3A_449 = arith.constant 0 : i32
      %get3A_450 = arith.index_cast %get3A_449 : i32 to index
      %get3A_451 = arith.index_cast %scan3A_436 : i32 to index
      %get3A_452 = arith.constant 32 : index
      %get3A_453 = tpu.vector_load %arg7[%get3A_450, %get3A_451, %get3A_452] {strides = array<i32>} : memref<2x128x128xf32, #tpu.memory_space<vmem>>, vector<1x1x16xf32>,
      %get3A_454 = vector.shape_cast %get3A_453 : vector<1x1x16xf32> to vector<16xf32>
      %swap3A_455 = arith.constant 0 : i32
      %swap3A_456 = arith.index_cast %swap3A_455 : i32 to index
      %swap3A_457 = arith.index_cast %scan3A_436 : i32 to index
      %swap3A_458 = arith.constant 0 : index
      %swap3A_459 = tpu.vector_load %arg8[%swap3A_456, %swap3A_457, %swap3A_458] {strides = array<i32>} : memref<2x128x64xf32, #tpu.memory_space<vmem>>, vector<1x1x16xf32>,
      %swap3A_460 = vector.shape_cast %swap3A_459 : vector<1x1x16xf32> to vector<16xf32>
      %swap3A_461 = vector.shape_cast %get3A_442 : vector<16xf32> to vector<1x1x16xf32>
      tpu.vector_store %arg8[%swap3A_456, %swap3A_457, %swap3A_458], %swap3A_461 {strides = array<i32>} : memref<2x128x64xf32, #tpu.memory_space<vmem>>, vector<1x1x16xf32>,
      %swap3A_462 = arith.constant 0 : i32
      %swap3A_463 = arith.index_cast %swap3A_462 : i32 to index
      %swap3A_464 = arith.index_cast %scan3A_436 : i32 to index
      %swap3A_465 = arith.constant 16 : index
      %swap3A_466 = tpu.vector_load %arg8[%swap3A_463, %swap3A_464, %swap3A_465] {strides = array<i32>} : memref<2x128x64xf32, #tpu.memory_space<vmem>>, vector<1x1x16xf32>,
      %swap3A_467 = vector.shape_cast %swap3A_466 : vector<1x1x16xf32> to vector<16xf32>
      %swap3A_468 = vector.shape_cast %get3A_448 : vector<16xf32> to vector<1x1x16xf32>
      tpu.vector_store %arg8[%swap3A_463, %swap3A_464, %swap3A_465], %swap3A_468 {strides = array<i32>} : memref<2x128x64xf32, #tpu.memory_space<vmem>>, vector<1x1x16xf32>,
      %swap3A_469 = arith.constant 0 : i32
      %swap3A_470 = arith.index_cast %swap3A_469 : i32 to index
      %swap3A_471 = arith.index_cast %scan3A_436 : i32 to index
      %swap3A_472 = arith.constant 32 : index
      %swap3A_473 = tpu.vector_load %arg8[%swap3A_470, %swap3A_471, %swap3A_472] {strides = array<i32>} : memref<2x128x64xf32, #tpu.memory_space<vmem>>, vector<1x1x16xf32>,
      %swap3A_474 = vector.shape_cast %swap3A_473 : vector<1x1x16xf32> to vector<16xf32>
      %swap3A_475 = vector.shape_cast %get3A_454 : vector<16xf32> to vector<1x1x16xf32>
      tpu.vector_store %arg8[%swap3A_470, %swap3A_471, %swap3A_472], %swap3A_475 {strides = array<i32>} : memref<2x128x64xf32, #tpu.memory_space<vmem>>, vector<1x1x16xf32>,
      %swap3A_476 = arith.constant 0 : i32
      %swap3A_477 = arith.index_cast %swap3A_476 : i32 to index
      %swap3A_478 = arith.index_cast %scan3A_436 : i32 to index
      %swap3A_479 = arith.constant 48 : index
      %swap3A_480 = tpu.vector_load %arg8[%swap3A_477, %swap3A_478, %swap3A_479] {strides = array<i32>} : memref<2x128x64xf32, #tpu.memory_space<vmem>>, vector<1x1x16xf32>,
      %swap3A_481 = vector.shape_cast %swap3A_480 : vector<1x1x16xf32> to vector<16xf32>
      %swap3A_482 = vector.shape_cast %get3A_15 : vector<16xf32> to vector<1x1x16xf32>
      tpu.vector_store %arg8[%swap3A_477, %swap3A_478, %swap3A_479], %swap3A_482 {strides = array<i32>} : memref<2x128x64xf32, #tpu.memory_space<vmem>>, vector<1x1x16xf32>,
      %scan3A_483 = arith.constant 5 : i32
      %scan3A_484 = arith.addi %scan3A_245, %scan3A_483 : i32
      %get3A_485 = arith.constant 0 : i32
      %get3A_486 = arith.index_cast %get3A_485 : i32 to index
      %get3A_487 = arith.index_cast %scan3A_484 : i32 to index
      %get3A_488 = arith.constant 0 : index
      %get3A_489 = tpu.vector_load %arg7[%get3A_486, %get3A_487, %get3A_488] {strides = array<i32>} : memref<2x128x128xf32, #tpu.memory_space<vmem>>, vector<1x1x16xf32>,
      %get3A_490 = vector.shape_cast %get3A_489 : vector<1x1x16xf32> to vector<16xf32>
      %get3A_491 = arith.constant 0 : i32
      %get3A_492 = arith.index_cast %get3A_491 : i32 to index
      %get3A_493 = arith.index_cast %scan3A_484 : i32 to index
      %get3A_494 = arith.constant 16 : index
      %get3A_495 = tpu.vector_load %arg7[%get3A_492, %get3A_493, %get3A_494] {strides = array<i32>} : memref<2x128x128xf32, #tpu.memory_space<vmem>>, vector<1x1x16xf32>,
      %get3A_496 = vector.shape_cast %get3A_495 : vector<1x1x16xf32> to vector<16xf32>
      %get3A_497 = arith.constant 0 : i32
      %get3A_498 = arith.index_cast %get3A_497 : i32 to index
      %get3A_499 = arith.index_cast %scan3A_484 : i32 to index
      %get3A_500 = arith.constant 32 : index
      %get3A_501 = tpu.vector_load %arg7[%get3A_498, %get3A_499, %get3A_500] {strides = array<i32>} : memref<2x128x128xf32, #tpu.memory_space<vmem>>, vector<1x1x16xf32>,
      %get3A_502 = vector.shape_cast %get3A_501 : vector<1x1x16xf32> to vector<16xf32>
      %swap3A_503 = arith.constant 0 : i32
      %swap3A_504 = arith.index_cast %swap3A_503 : i32 to index
      %swap3A_505 = arith.index_cast %scan3A_484 : i32 to index
      %swap3A_506 = arith.constant 0 : index
      %swap3A_507 = tpu.vector_load %arg8[%swap3A_504, %swap3A_505, %swap3A_506] {strides = array<i32>} : memref<2x128x64xf32, #tpu.memory_space<vmem>>, vector<1x1x16xf32>,
      %swap3A_508 = vector.shape_cast %swap3A_507 : vector<1x1x16xf32> to vector<16xf32>
      %swap3A_509 = vector.shape_cast %get3A_490 : vector<16xf32> to vector<1x1x16xf32>
      tpu.vector_store %arg8[%swap3A_504, %swap3A_505, %swap3A_506], %swap3A_509 {strides = array<i32>} : memref<2x128x64xf32, #tpu.memory_space<vmem>>, vector<1x1x16xf32>,
      %swap3A_510 = arith.constant 0 : i32
      %swap3A_511 = arith.index_cast %swap3A_510 : i32 to index
      %swap3A_512 = arith.index_cast %scan3A_484 : i32 to index
      %swap3A_513 = arith.constant 16 : index
      %swap3A_514 = tpu.vector_load %arg8[%swap3A_511, %swap3A_512, %swap3A_513] {strides = array<i32>} : memref<2x128x64xf32, #tpu.memory_space<vmem>>, vector<1x1x16xf32>,
      %swap3A_515 = vector.shape_cast %swap3A_514 : vector<1x1x16xf32> to vector<16xf32>
      %swap3A_516 = vector.shape_cast %get3A_496 : vector<16xf32> to vector<1x1x16xf32>
      tpu.vector_store %arg8[%swap3A_511, %swap3A_512, %swap3A_513], %swap3A_516 {strides = array<i32>} : memref<2x128x64xf32, #tpu.memory_space<vmem>>, vector<1x1x16xf32>,
      %swap3A_517 = arith.constant 0 : i32
      %swap3A_518 = arith.index_cast %swap3A_517 : i32 to index
      %swap3A_519 = arith.index_cast %scan3A_484 : i32 to index
      %swap3A_520 = arith.constant 32 : index
      %swap3A_521 = tpu.vector_load %arg8[%swap3A_518, %swap3A_519, %swap3A_520] {strides = array<i32>} : memref<2x128x64xf32, #tpu.memory_space<vmem>>, vector<1x1x16xf32>,
      %swap3A_522 = vector.shape_cast %swap3A_521 : vector<1x1x16xf32> to vector<16xf32>
      %swap3A_523 = vector.shape_cast %get3A_502 : vector<16xf32> to vector<1x1x16xf32>
      tpu.vector_store %arg8[%swap3A_518, %swap3A_519, %swap3A_520], %swap3A_523 {strides = array<i32>} : memref<2x128x64xf32, #tpu.memory_space<vmem>>, vector<1x1x16xf32>,
      %swap3A_524 = arith.constant 0 : i32
      %swap3A_525 = arith.index_cast %swap3A_524 : i32 to index
      %swap3A_526 = arith.index_cast %scan3A_484 : i32 to index
      %swap3A_527 = arith.constant 48 : index
      %swap3A_528 = tpu.vector_load %arg8[%swap3A_525, %swap3A_526, %swap3A_527] {strides = array<i32>} : memref<2x128x64xf32, #tpu.memory_space<vmem>>, vector<1x1x16xf32>,
      %swap3A_529 = vector.shape_cast %swap3A_528 : vector<1x1x16xf32> to vector<16xf32>
      %swap3A_530 = vector.shape_cast %get3A_15 : vector<16xf32> to vector<1x1x16xf32>
      tpu.vector_store %arg8[%swap3A_525, %swap3A_526, %swap3A_527], %swap3A_530 {strides = array<i32>} : memref<2x128x64xf32, #tpu.memory_space<vmem>>, vector<1x1x16xf32>,
      %scan3A_531 = arith.constant 6 : i32
      %scan3A_532 = arith.addi %scan3A_245, %scan3A_531 : i32
      %get3A_533 = arith.constant 0 : i32
      %get3A_534 = arith.index_cast %get3A_533 : i32 to index
      %get3A_535 = arith.index_cast %scan3A_532 : i32 to index
      %get3A_536 = arith.constant 0 : index
      %get3A_537 = tpu.vector_load %arg7[%get3A_534, %get3A_535, %get3A_536] {strides = array<i32>} : memref<2x128x128xf32, #tpu.memory_space<vmem>>, vector<1x1x16xf32>,
      %get3A_538 = vector.shape_cast %get3A_537 : vector<1x1x16xf32> to vector<16xf32>
      %get3A_539 = arith.constant 0 : i32
      %get3A_540 = arith.index_cast %get3A_539 : i32 to index
      %get3A_541 = arith.index_cast %scan3A_532 : i32 to index
      %get3A_542 = arith.constant 16 : index
      %get3A_543 = tpu.vector_load %arg7[%get3A_540, %get3A_541, %get3A_542] {strides = array<i32>} : memref<2x128x128xf32, #tpu.memory_space<vmem>>, vector<1x1x16xf32>,
      %get3A_544 = vector.shape_cast %get3A_543 : vector<1x1x16xf32> to vector<16xf32>
      %get3A_545 = arith.constant 0 : i32
      %get3A_546 = arith.index_cast %get3A_545 : i32 to index
      %get3A_547 = arith.index_cast %scan3A_532 : i32 to index
      %get3A_548 = arith.constant 32 : index
      %get3A_549 = tpu.vector_load %arg7[%get3A_546, %get3A_547, %get3A_548] {strides = array<i32>} : memref<2x128x128xf32, #tpu.memory_space<vmem>>, vector<1x1x16xf32>,
      %get3A_550 = vector.shape_cast %get3A_549 : vector<1x1x16xf32> to vector<16xf32>
      %swap3A_551 = arith.constant 0 : i32
      %swap3A_552 = arith.index_cast %swap3A_551 : i32 to index
      %swap3A_553 = arith.index_cast %scan3A_532 : i32 to index
      %swap3A_554 = arith.constant 0 : index
      %swap3A_555 = tpu.vector_load %arg8[%swap3A_552, %swap3A_553, %swap3A_554] {strides = array<i32>} : memref<2x128x64xf32, #tpu.memory_space<vmem>>, vector<1x1x16xf32>,
      %swap3A_556 = vector.shape_cast %swap3A_555 : vector<1x1x16xf32> to vector<16xf32>
      %swap3A_557 = vector.shape_cast %get3A_538 : vector<16xf32> to vector<1x1x16xf32>
      tpu.vector_store %arg8[%swap3A_552, %swap3A_553, %swap3A_554], %swap3A_557 {strides = array<i32>} : memref<2x128x64xf32, #tpu.memory_space<vmem>>, vector<1x1x16xf32>,
      %swap3A_558 = arith.constant 0 : i32
      %swap3A_559 = arith.index_cast %swap3A_558 : i32 to index
      %swap3A_560 = arith.index_cast %scan3A_532 : i32 to index
      %swap3A_561 = arith.constant 16 : index
      %swap3A_562 = tpu.vector_load %arg8[%swap3A_559, %swap3A_560, %swap3A_561] {strides = array<i32>} : memref<2x128x64xf32, #tpu.memory_space<vmem>>, vector<1x1x16xf32>,
      %swap3A_563 = vector.shape_cast %swap3A_562 : vector<1x1x16xf32> to vector<16xf32>
      %swap3A_564 = vector.shape_cast %get3A_544 : vector<16xf32> to vector<1x1x16xf32>
      tpu.vector_store %arg8[%swap3A_559, %swap3A_560, %swap3A_561], %swap3A_564 {strides = array<i32>} : memref<2x128x64xf32, #tpu.memory_space<vmem>>, vector<1x1x16xf32>,
      %swap3A_565 = arith.constant 0 : i32
      %swap3A_566 = arith.index_cast %swap3A_565 : i32 to index
      %swap3A_567 = arith.index_cast %scan3A_532 : i32 to index
      %swap3A_568 = arith.constant 32 : index
      %swap3A_569 = tpu.vector_load %arg8[%swap3A_566, %swap3A_567, %swap3A_568] {strides = array<i32>} : memref<2x128x64xf32, #tpu.memory_space<vmem>>, vector<1x1x16xf32>,
      %swap3A_570 = vector.shape_cast %swap3A_569 : vector<1x1x16xf32> to vector<16xf32>
      %swap3A_571 = vector.shape_cast %get3A_550 : vector<16xf32> to vector<1x1x16xf32>
      tpu.vector_store %arg8[%swap3A_566, %swap3A_567, %swap3A_568], %swap3A_571 {strides = array<i32>} : memref<2x128x64xf32, #tpu.memory_space<vmem>>, vector<1x1x16xf32>,
      %swap3A_572 = arith.constant 0 : i32
      %swap3A_573 = arith.index_cast %swap3A_572 : i32 to index
      %swap3A_574 = arith.index_cast %scan3A_532 : i32 to index
      %swap3A_575 = arith.constant 48 : index
      %swap3A_576 = tpu.vector_load %arg8[%swap3A_573, %swap3A_574, %swap3A_575] {strides = array<i32>} : memref<2x128x64xf32, #tpu.memory_space<vmem>>, vector<1x1x16xf32>,
      %swap3A_577 = vector.shape_cast %swap3A_576 : vector<1x1x16xf32> to vector<16xf32>
      %swap3A_578 = vector.shape_cast %get3A_15 : vector<16xf32> to vector<1x1x16xf32>
      tpu.vector_store %arg8[%swap3A_573, %swap3A_574, %swap3A_575], %swap3A_578 {strides = array<i32>} : memref<2x128x64xf32, #tpu.memory_space<vmem>>, vector<1x1x16xf32>,
      %scan3A_579 = arith.constant 7 : i32
      %scan3A_580 = arith.addi %scan3A_245, %scan3A_579 : i32
      %get3A_581 = arith.constant 0 : i32
      %get3A_582 = arith.index_cast %get3A_581 : i32 to index
      %get3A_583 = arith.index_cast %scan3A_580 : i32 to index
      %get3A_584 = arith.constant 0 : index
      %get3A_585 = tpu.vector_load %arg7[%get3A_582, %get3A_583, %get3A_584] {strides = array<i32>} : memref<2x128x128xf32, #tpu.memory_space<vmem>>, vector<1x1x16xf32>,
      %get3A_586 = vector.shape_cast %get3A_585 : vector<1x1x16xf32> to vector<16xf32>
      %get3A_587 = arith.constant 0 : i32
      %get3A_588 = arith.index_cast %get3A_587 : i32 to index
      %get3A_589 = arith.index_cast %scan3A_580 : i32 to index
      %get3A_590 = arith.constant 16 : index
      %get3A_591 = tpu.vector_load %arg7[%get3A_588, %get3A_589, %get3A_590] {strides = array<i32>} : memref<2x128x128xf32, #tpu.memory_space<vmem>>, vector<1x1x16xf32>,
      %get3A_592 = vector.shape_cast %get3A_591 : vector<1x1x16xf32> to vector<16xf32>
      %get3A_593 = arith.constant 0 : i32
      %get3A_594 = arith.index_cast %get3A_593 : i32 to index
      %get3A_595 = arith.index_cast %scan3A_580 : i32 to index
      %get3A_596 = arith.constant 32 : index
      %get3A_597 = tpu.vector_load %arg7[%get3A_594, %get3A_595, %get3A_596] {strides = array<i32>} : memref<2x128x128xf32, #tpu.memory_space<vmem>>, vector<1x1x16xf32>,
      %get3A_598 = vector.shape_cast %get3A_597 : vector<1x1x16xf32> to vector<16xf32>
      %swap3A_599 = arith.constant 0 : i32
      %swap3A_600 = arith.index_cast %swap3A_599 : i32 to index
      %swap3A_601 = arith.index_cast %scan3A_580 : i32 to index
      %swap3A_602 = arith.constant 0 : index
      %swap3A_603 = tpu.vector_load %arg8[%swap3A_600, %swap3A_601, %swap3A_602] {strides = array<i32>} : memref<2x128x64xf32, #tpu.memory_space<vmem>>, vector<1x1x16xf32>,
      %swap3A_604 = vector.shape_cast %swap3A_603 : vector<1x1x16xf32> to vector<16xf32>
      %swap3A_605 = vector.shape_cast %get3A_586 : vector<16xf32> to vector<1x1x16xf32>
      tpu.vector_store %arg8[%swap3A_600, %swap3A_601, %swap3A_602], %swap3A_605 {strides = array<i32>} : memref<2x128x64xf32, #tpu.memory_space<vmem>>, vector<1x1x16xf32>,
      %swap3A_606 = arith.constant 0 : i32
      %swap3A_607 = arith.index_cast %swap3A_606 : i32 to index
      %swap3A_608 = arith.index_cast %scan3A_580 : i32 to index
      %swap3A_609 = arith.constant 16 : index
      %swap3A_610 = tpu.vector_load %arg8[%swap3A_607, %swap3A_608, %swap3A_609] {strides = array<i32>} : memref<2x128x64xf32, #tpu.memory_space<vmem>>, vector<1x1x16xf32>,
      %swap3A_611 = vector.shape_cast %swap3A_610 : vector<1x1x16xf32> to vector<16xf32>
      %swap3A_612 = vector.shape_cast %get3A_592 : vector<16xf32> to vector<1x1x16xf32>
      tpu.vector_store %arg8[%swap3A_607, %swap3A_608, %swap3A_609], %swap3A_612 {strides = array<i32>} : memref<2x128x64xf32, #tpu.memory_space<vmem>>, vector<1x1x16xf32>,
      %swap3A_613 = arith.constant 0 : i32
      %swap3A_614 = arith.index_cast %swap3A_613 : i32 to index
      %swap3A_615 = arith.index_cast %scan3A_580 : i32 to index
      %swap3A_616 = arith.constant 32 : index
      %swap3A_617 = tpu.vector_load %arg8[%swap3A_614, %swap3A_615, %swap3A_616] {strides = array<i32>} : memref<2x128x64xf32, #tpu.memory_space<vmem>>, vector<1x1x16xf32>,
      %swap3A_618 = vector.shape_cast %swap3A_617 : vector<1x1x16xf32> to vector<16xf32>
      %swap3A_619 = vector.shape_cast %get3A_598 : vector<16xf32> to vector<1x1x16xf32>
      tpu.vector_store %arg8[%swap3A_614, %swap3A_615, %swap3A_616], %swap3A_619 {strides = array<i32>} : memref<2x128x64xf32, #tpu.memory_space<vmem>>, vector<1x1x16xf32>,
      %swap3A_620 = arith.constant 0 : i32
      %swap3A_621 = arith.index_cast %swap3A_620 : i32 to index
      %swap3A_622 = arith.index_cast %scan3A_580 : i32 to index
      %swap3A_623 = arith.constant 48 : index
      %swap3A_624 = tpu.vector_load %arg8[%swap3A_621, %swap3A_622, %swap3A_623] {strides = array<i32>} : memref<2x128x64xf32, #tpu.memory_space<vmem>>, vector<1x1x16xf32>,
      %swap3A_625 = vector.shape_cast %swap3A_624 : vector<1x1x16xf32> to vector<16xf32>
      %swap3A_626 = vector.shape_cast %get3A_15 : vector<16xf32> to vector<1x1x16xf32>
      tpu.vector_store %arg8[%swap3A_621, %swap3A_622, %swap3A_623], %swap3A_626 {strides = array<i32>} : memref<2x128x64xf32, #tpu.memory_space<vmem>>, vector<1x1x16xf32>,
    }
    %scan3A_54 = arith.constant 128 : i32
    %add3A_55 = arith.constant 0 : i32
    %add3A_56 = arith.addi %mul3A_2, %add3A_55 : i32
    %dma_start3A_57 = arith.constant 0 : i32
    %dma_start3A_58 = arith.constant 0 : i32
    %dma_start3A_59 = arith.constant 0 : i32
    %dma_start3A_60 = tpu.memref_slice %arg8[%dma_start3A_57, %dma_start3A_58, %dma_start3A_59] : memref<2x128x64xf32, #tpu.memory_space<vmem>> -> memref<1x128x64xf32, #tpu.memory_space<vmem>>
    %dma_start3A_61 = tpu.memref_squeeze %dma_start3A_60 : memref<1x128x64xf32, #tpu.memory_space<vmem>> -> memref<128x64xf32, #tpu.memory_space<vmem>>
    %dma_start3A_62 = arith.constant 0 : i32
    %dma_start3A_63 = tpu.memref_slice %arg5[%add3A_56, %dma_start3A_62] : memref<16384x64xf32, #tpu.memory_space<hbm>> -> memref<128x64xf32, #tpu.memory_space<hbm>>
    %dma_start3A_64 = arith.constant 0 : i32
    %dma_start3A_65 = tpu.memref_slice %arg5[%add3A_56, %dma_start3A_64] : memref<16384x64xf32, #tpu.memory_space<hbm>> -> memref<128x64xf32, #tpu.memory_space<hbm>>
    %dma_start3A_66 = arith.constant 0 : i32
    %dma_start3A_67 = arith.constant 0 : i32
    %dma_start3A_68 = tpu.memref_slice %arg8[%dma_start3A_57, %dma_start3A_66, %dma_start3A_67] : memref<2x128x64xf32, #tpu.memory_space<vmem>> -> memref<1x128x64xf32, #tpu.memory_space<vmem>>
    %dma_start3A_69 = tpu.memref_squeeze %dma_start3A_68 : memref<1x128x64xf32, #tpu.memory_space<vmem>> -> memref<128x64xf32, #tpu.memory_space<vmem>>
    tpu.enqueue_dma source(%dma_start3A_69 : memref<128x64xf32, #tpu.memory_space<vmem>>) target(%dma_start3A_65 : memref<128x64xf32, #tpu.memory_space<hbm>>) target_semaphore(%arg12 : memref<!tpu.dma_semaphore, #tpu.memory_space<semaphore_mem>>)
    %dma_start3A_70 = arith.constant 2 : i32
    %dma_start3A_71 = arith.constant 0 : i32
    %dma_start3A_72 = arith.constant 0 : i32
    %dma_start3A_73 = arith.constant 0 : i32
    %dma_start3A_74 = tpu.memref_slice %arg7[%dma_start3A_71, %dma_start3A_72, %dma_start3A_73] : memref<2x128x128xf32, #tpu.memory_space<vmem>> -> memref<1x128x128xf32, #tpu.memory_space<vmem>>
    %dma_start3A_75 = tpu.memref_squeeze %dma_start3A_74 : memref<1x128x128xf32, #tpu.memory_space<vmem>> -> memref<128x128xf32, #tpu.memory_space<vmem>>
    %dma_start3A_76 = arith.constant 0 : i32
    %dma_start3A_77 = tpu.memref_slice %arg6[%dma_start3A_70, %dma_start3A_76] : memref<4x128xi32, #tpu.memory_space<vmem>> -> memref<1x128xi32, #tpu.memory_space<vmem>>
    %dma_start3A_78 = tpu.memref_squeeze %dma_start3A_77 : memref<1x128xi32, #tpu.memory_space<vmem>> -> memref<128xi32, #tpu.memory_space<vmem>>
    %dma_start3A_79 = arith.constant 0 : i32
    %dma_start3A_80 = arith.constant 0 : i32
    %dma_start3A_81 = tpu.memref_slice %arg3[%dma_start3A_79, %dma_start3A_80] : memref<100000x128xf32, #tpu.memory_space<hbm>> -> memref<100000x128xf32, #tpu.memory_space<hbm>>
    tpu.enqueue_indirect_dma source(%dma_start3A_81 : memref<100000x128xf32, #tpu.memory_space<hbm>>) target(%dma_start3A_75 : memref<128x128xf32, #tpu.memory_space<vmem>>) offsets(%dma_start3A_78 : memref<128xi32, #tpu.memory_space<vmem>>) semaphore(%arg10 : memref<!tpu.dma_semaphore, #tpu.memory_space<semaphore_mem>>)
    %dma_wait3A_82 = arith.constant 1 : i32
    %dma_wait3A_83 = arith.constant 1 : i32
    %dma_wait3A_84 = arith.constant 0 : i32
    %dma_wait3A_85 = arith.constant 0 : i32
    %dma_wait3A_86 = tpu.memref_slice %arg7[%dma_wait3A_83, %dma_wait3A_84, %dma_wait3A_85] : memref<2x128x128xf32, #tpu.memory_space<vmem>> -> memref<1x128x128xf32, #tpu.memory_space<vmem>>
    %dma_wait3A_87 = tpu.memref_squeeze %dma_wait3A_86 : memref<1x128x128xf32, #tpu.memory_space<vmem>> -> memref<128x128xf32, #tpu.memory_space<vmem>>
    %dma_wait3A_88 = arith.constant 0 : i32
    %dma_wait3A_89 = tpu.memref_slice %arg6[%dma_wait3A_82, %dma_wait3A_88] : memref<4x128xi32, #tpu.memory_space<vmem>> -> memref<1x128xi32, #tpu.memory_space<vmem>>
    %dma_wait3A_90 = tpu.memref_squeeze %dma_wait3A_89 : memref<1x128xi32, #tpu.memory_space<vmem>> -> memref<128xi32, #tpu.memory_space<vmem>>
    %dma_wait3A_91 = arith.constant 0 : i32
    %dma_wait3A_92 = arith.constant 0 : i32
    %dma_wait3A_93 = tpu.memref_slice %arg3[%dma_wait3A_91, %dma_wait3A_92] : memref<100000x128xf32, #tpu.memory_space<hbm>> -> memref<100000x128xf32, #tpu.memory_space<hbm>>
    tpu.wait_indirect_dma semaphore(%arg10 : memref<!tpu.dma_semaphore, #tpu.memory_space<semaphore_mem>>) src(%dma_wait3A_93 : memref<100000x128xf32, #tpu.memory_space<hbm>>) dst(%dma_wait3A_87 : memref<128x128xf32, #tpu.memory_space<vmem>>)
    %scan3A_94 = arith.constant 0 : i32
    %scan3A_95 = arith.constant 0 : i32
    %scan3A_96 = arith.constant 128 : i32
    %scan3A_97 = arith.addi %scan3A_95, %scan3A_96 : i32
    %scan3A_98 = arith.constant 8 : i32
    scf.for %scan3A_245 = %scan3A_95 to %scan3A_97 step %scan3A_98  : i32 {
      %get3A_246 = arith.constant 1 : i32
      %get3A_247 = arith.index_cast %get3A_246 : i32 to index
      %get3A_248 = arith.index_cast %scan3A_245 : i32 to index
      %get3A_249 = arith.constant 0 : index
      %get3A_250 = tpu.vector_load %arg7[%get3A_247, %get3A_248, %get3A_249] {strides = array<i32>} : memref<2x128x128xf32, #tpu.memory_space<vmem>>, vector<1x1x16xf32>,
      %get3A_251 = vector.shape_cast %get3A_250 : vector<1x1x16xf32> to vector<16xf32>
      %get3A_252 = arith.constant 1 : i32
      %get3A_253 = arith.index_cast %get3A_252 : i32 to index
      %get3A_254 = arith.index_cast %scan3A_245 : i32 to index
      %get3A_255 = arith.constant 16 : index
      %get3A_256 = tpu.vector_load %arg7[%get3A_253, %get3A_254, %get3A_255] {strides = array<i32>} : memref<2x128x128xf32, #tpu.memory_space<vmem>>, vector<1x1x16xf32>,
      %get3A_257 = vector.shape_cast %get3A_256 : vector<1x1x16xf32> to vector<16xf32>
      %get3A_258 = arith.constant 1 : i32
      %get3A_259 = arith.index_cast %get3A_258 : i32 to index
      %get3A_260 = arith.index_cast %scan3A_245 : i32 to index
      %get3A_261 = arith.constant 32 : index
      %get3A_262 = tpu.vector_load %arg7[%get3A_259, %get3A_260, %get3A_261] {strides = array<i32>} : memref<2x128x128xf32, #tpu.memory_space<vmem>>, vector<1x1x16xf32>,
      %get3A_263 = vector.shape_cast %get3A_262 : vector<1x1x16xf32> to vector<16xf32>
      %swap3A = arith.constant 1 : i32
      %swap3A_264 = arith.index_cast %swap3A : i32 to index
      %swap3A_265 = arith.index_cast %scan3A_245 : i32 to index
      %swap3A_266 = arith.constant 0 : index
      %swap3A_267 = tpu.vector_load %arg8[%swap3A_264, %swap3A_265, %swap3A_266] {strides = array<i32>} : memref<2x128x64xf32, #tpu.memory_space<vmem>>, vector<1x1x16xf32>,
      %swap3A_268 = vector.shape_cast %swap3A_267 : vector<1x1x16xf32> to vector<16xf32>
      %swap3A_269 = vector.shape_cast %get3A_251 : vector<16xf32> to vector<1x1x16xf32>
      tpu.vector_store %arg8[%swap3A_264, %swap3A_265, %swap3A_266], %swap3A_269 {strides = array<i32>} : memref<2x128x64xf32, #tpu.memory_space<vmem>>, vector<1x1x16xf32>,
      %swap3A_270 = arith.constant 1 : i32
      %swap3A_271 = arith.index_cast %swap3A_270 : i32 to index
      %swap3A_272 = arith.index_cast %scan3A_245 : i32 to index
      %swap3A_273 = arith.constant 16 : index
      %swap3A_274 = tpu.vector_load %arg8[%swap3A_271, %swap3A_272, %swap3A_273] {strides = array<i32>} : memref<2x128x64xf32, #tpu.memory_space<vmem>>, vector<1x1x16xf32>,
      %swap3A_275 = vector.shape_cast %swap3A_274 : vector<1x1x16xf32> to vector<16xf32>
      %swap3A_276 = vector.shape_cast %get3A_257 : vector<16xf32> to vector<1x1x16xf32>
      tpu.vector_store %arg8[%swap3A_271, %swap3A_272, %swap3A_273], %swap3A_276 {strides = array<i32>} : memref<2x128x64xf32, #tpu.memory_space<vmem>>, vector<1x1x16xf32>,
      %swap3A_277 = arith.constant 1 : i32
      %swap3A_278 = arith.index_cast %swap3A_277 : i32 to index
      %swap3A_279 = arith.index_cast %scan3A_245 : i32 to index
      %swap3A_280 = arith.constant 32 : index
      %swap3A_281 = tpu.vector_load %arg8[%swap3A_278, %swap3A_279, %swap3A_280] {strides = array<i32>} : memref<2x128x64xf32, #tpu.memory_space<vmem>>, vector<1x1x16xf32>,
      %swap3A_282 = vector.shape_cast %swap3A_281 : vector<1x1x16xf32> to vector<16xf32>
      %swap3A_283 = vector.shape_cast %get3A_263 : vector<16xf32> to vector<1x1x16xf32>
      tpu.vector_store %arg8[%swap3A_278, %swap3A_279, %swap3A_280], %swap3A_283 {strides = array<i32>} : memref<2x128x64xf32, #tpu.memory_space<vmem>>, vector<1x1x16xf32>,
      %swap3A_284 = arith.constant 1 : i32
      %swap3A_285 = arith.index_cast %swap3A_284 : i32 to index
      %swap3A_286 = arith.index_cast %scan3A_245 : i32 to index
      %swap3A_287 = arith.constant 48 : index
      %swap3A_288 = tpu.vector_load %arg8[%swap3A_285, %swap3A_286, %swap3A_287] {strides = array<i32>} : memref<2x128x64xf32, #tpu.memory_space<vmem>>, vector<1x1x16xf32>,
      %swap3A_289 = vector.shape_cast %swap3A_288 : vector<1x1x16xf32> to vector<16xf32>
      %swap3A_290 = vector.shape_cast %get3A_15 : vector<16xf32> to vector<1x1x16xf32>
      tpu.vector_store %arg8[%swap3A_285, %swap3A_286, %swap3A_287], %swap3A_290 {strides = array<i32>} : memref<2x128x64xf32, #tpu.memory_space<vmem>>, vector<1x1x16xf32>,
      %scan3A_291 = arith.constant 1 : i32
      %scan3A_292 = arith.addi %scan3A_245, %scan3A_291 : i32
      %get3A_293 = arith.constant 1 : i32
      %get3A_294 = arith.index_cast %get3A_293 : i32 to index
      %get3A_295 = arith.index_cast %scan3A_292 : i32 to index
      %get3A_296 = arith.constant 0 : index
      %get3A_297 = tpu.vector_load %arg7[%get3A_294, %get3A_295, %get3A_296] {strides = array<i32>} : memref<2x128x128xf32, #tpu.memory_space<vmem>>, vector<1x1x16xf32>,
      %get3A_298 = vector.shape_cast %get3A_297 : vector<1x1x16xf32> to vector<16xf32>
      %get3A_299 = arith.constant 1 : i32
      %get3A_300 = arith.index_cast %get3A_299 : i32 to index
      %get3A_301 = arith.index_cast %scan3A_292 : i32 to index
      %get3A_302 = arith.constant 16 : index
      %get3A_303 = tpu.vector_load %arg7[%get3A_300, %get3A_301, %get3A_302] {strides = array<i32>} : memref<2x128x128xf32, #tpu.memory_space<vmem>>, vector<1x1x16xf32>,
      %get3A_304 = vector.shape_cast %get3A_303 : vector<1x1x16xf32> to vector<16xf32>
      %get3A_305 = arith.constant 1 : i32
      %get3A_306 = arith.index_cast %get3A_305 : i32 to index
      %get3A_307 = arith.index_cast %scan3A_292 : i32 to index
      %get3A_308 = arith.constant 32 : index
      %get3A_309 = tpu.vector_load %arg7[%get3A_306, %get3A_307, %get3A_308] {strides = array<i32>} : memref<2x128x128xf32, #tpu.memory_space<vmem>>, vector<1x1x16xf32>,
      %get3A_310 = vector.shape_cast %get3A_309 : vector<1x1x16xf32> to vector<16xf32>
      %swap3A_311 = arith.constant 1 : i32
      %swap3A_312 = arith.index_cast %swap3A_311 : i32 to index
      %swap3A_313 = arith.index_cast %scan3A_292 : i32 to index
      %swap3A_314 = arith.constant 0 : index
      %swap3A_315 = tpu.vector_load %arg8[%swap3A_312, %swap3A_313, %swap3A_314] {strides = array<i32>} : memref<2x128x64xf32, #tpu.memory_space<vmem>>, vector<1x1x16xf32>,
      %swap3A_316 = vector.shape_cast %swap3A_315 : vector<1x1x16xf32> to vector<16xf32>
      %swap3A_317 = vector.shape_cast %get3A_298 : vector<16xf32> to vector<1x1x16xf32>
      tpu.vector_store %arg8[%swap3A_312, %swap3A_313, %swap3A_314], %swap3A_317 {strides = array<i32>} : memref<2x128x64xf32, #tpu.memory_space<vmem>>, vector<1x1x16xf32>,
      %swap3A_318 = arith.constant 1 : i32
      %swap3A_319 = arith.index_cast %swap3A_318 : i32 to index
      %swap3A_320 = arith.index_cast %scan3A_292 : i32 to index
      %swap3A_321 = arith.constant 16 : index
      %swap3A_322 = tpu.vector_load %arg8[%swap3A_319, %swap3A_320, %swap3A_321] {strides = array<i32>} : memref<2x128x64xf32, #tpu.memory_space<vmem>>, vector<1x1x16xf32>,
      %swap3A_323 = vector.shape_cast %swap3A_322 : vector<1x1x16xf32> to vector<16xf32>
      %swap3A_324 = vector.shape_cast %get3A_304 : vector<16xf32> to vector<1x1x16xf32>
      tpu.vector_store %arg8[%swap3A_319, %swap3A_320, %swap3A_321], %swap3A_324 {strides = array<i32>} : memref<2x128x64xf32, #tpu.memory_space<vmem>>, vector<1x1x16xf32>,
      %swap3A_325 = arith.constant 1 : i32
      %swap3A_326 = arith.index_cast %swap3A_325 : i32 to index
      %swap3A_327 = arith.index_cast %scan3A_292 : i32 to index
      %swap3A_328 = arith.constant 32 : index
      %swap3A_329 = tpu.vector_load %arg8[%swap3A_326, %swap3A_327, %swap3A_328] {strides = array<i32>} : memref<2x128x64xf32, #tpu.memory_space<vmem>>, vector<1x1x16xf32>,
      %swap3A_330 = vector.shape_cast %swap3A_329 : vector<1x1x16xf32> to vector<16xf32>
      %swap3A_331 = vector.shape_cast %get3A_310 : vector<16xf32> to vector<1x1x16xf32>
      tpu.vector_store %arg8[%swap3A_326, %swap3A_327, %swap3A_328], %swap3A_331 {strides = array<i32>} : memref<2x128x64xf32, #tpu.memory_space<vmem>>, vector<1x1x16xf32>,
      %swap3A_332 = arith.constant 1 : i32
      %swap3A_333 = arith.index_cast %swap3A_332 : i32 to index
      %swap3A_334 = arith.index_cast %scan3A_292 : i32 to index
      %swap3A_335 = arith.constant 48 : index
      %swap3A_336 = tpu.vector_load %arg8[%swap3A_333, %swap3A_334, %swap3A_335] {strides = array<i32>} : memref<2x128x64xf32, #tpu.memory_space<vmem>>, vector<1x1x16xf32>,
      %swap3A_337 = vector.shape_cast %swap3A_336 : vector<1x1x16xf32> to vector<16xf32>
      %swap3A_338 = vector.shape_cast %get3A_15 : vector<16xf32> to vector<1x1x16xf32>
      tpu.vector_store %arg8[%swap3A_333, %swap3A_334, %swap3A_335], %swap3A_338 {strides = array<i32>} : memref<2x128x64xf32, #tpu.memory_space<vmem>>, vector<1x1x16xf32>,
      %scan3A_339 = arith.constant 2 : i32
      %scan3A_340 = arith.addi %scan3A_245, %scan3A_339 : i32
      %get3A_341 = arith.constant 1 : i32
      %get3A_342 = arith.index_cast %get3A_341 : i32 to index
      %get3A_343 = arith.index_cast %scan3A_340 : i32 to index
      %get3A_344 = arith.constant 0 : index
      %get3A_345 = tpu.vector_load %arg7[%get3A_342, %get3A_343, %get3A_344] {strides = array<i32>} : memref<2x128x128xf32, #tpu.memory_space<vmem>>, vector<1x1x16xf32>,
      %get3A_346 = vector.shape_cast %get3A_345 : vector<1x1x16xf32> to vector<16xf32>
      %get3A_347 = arith.constant 1 : i32
      %get3A_348 = arith.index_cast %get3A_347 : i32 to index
      %get3A_349 = arith.index_cast %scan3A_340 : i32 to index
      %get3A_350 = arith.constant 16 : index
      %get3A_351 = tpu.vector_load %arg7[%get3A_348, %get3A_349, %get3A_350] {strides = array<i32>} : memref<2x128x128xf32, #tpu.memory_space<vmem>>, vector<1x1x16xf32>,
      %get3A_352 = vector.shape_cast %get3A_351 : vector<1x1x16xf32> to vector<16xf32>
      %get3A_353 = arith.constant 1 : i32
      %get3A_354 = arith.index_cast %get3A_353 : i32 to index
      %get3A_355 = arith.index_cast %scan3A_340 : i32 to index
      %get3A_356 = arith.constant 32 : index
      %get3A_357 = tpu.vector_load %arg7[%get3A_354, %get3A_355, %get3A_356] {strides = array<i32>} : memref<2x128x128xf32, #tpu.memory_space<vmem>>, vector<1x1x16xf32>,
      %get3A_358 = vector.shape_cast %get3A_357 : vector<1x1x16xf32> to vector<16xf32>
      %swap3A_359 = arith.constant 1 : i32
      %swap3A_360 = arith.index_cast %swap3A_359 : i32 to index
      %swap3A_361 = arith.index_cast %scan3A_340 : i32 to index
      %swap3A_362 = arith.constant 0 : index
      %swap3A_363 = tpu.vector_load %arg8[%swap3A_360, %swap3A_361, %swap3A_362] {strides = array<i32>} : memref<2x128x64xf32, #tpu.memory_space<vmem>>, vector<1x1x16xf32>,
      %swap3A_364 = vector.shape_cast %swap3A_363 : vector<1x1x16xf32> to vector<16xf32>
      %swap3A_365 = vector.shape_cast %get3A_346 : vector<16xf32> to vector<1x1x16xf32>
      tpu.vector_store %arg8[%swap3A_360, %swap3A_361, %swap3A_362], %swap3A_365 {strides = array<i32>} : memref<2x128x64xf32, #tpu.memory_space<vmem>>, vector<1x1x16xf32>,
      %swap3A_366 = arith.constant 1 : i32
      %swap3A_367 = arith.index_cast %swap3A_366 : i32 to index
      %swap3A_368 = arith.index_cast %scan3A_340 : i32 to index
      %swap3A_369 = arith.constant 16 : index
      %swap3A_370 = tpu.vector_load %arg8[%swap3A_367, %swap3A_368, %swap3A_369] {strides = array<i32>} : memref<2x128x64xf32, #tpu.memory_space<vmem>>, vector<1x1x16xf32>,
      %swap3A_371 = vector.shape_cast %swap3A_370 : vector<1x1x16xf32> to vector<16xf32>
      %swap3A_372 = vector.shape_cast %get3A_352 : vector<16xf32> to vector<1x1x16xf32>
      tpu.vector_store %arg8[%swap3A_367, %swap3A_368, %swap3A_369], %swap3A_372 {strides = array<i32>} : memref<2x128x64xf32, #tpu.memory_space<vmem>>, vector<1x1x16xf32>,
      %swap3A_373 = arith.constant 1 : i32
      %swap3A_374 = arith.index_cast %swap3A_373 : i32 to index
      %swap3A_375 = arith.index_cast %scan3A_340 : i32 to index
      %swap3A_376 = arith.constant 32 : index
      %swap3A_377 = tpu.vector_load %arg8[%swap3A_374, %swap3A_375, %swap3A_376] {strides = array<i32>} : memref<2x128x64xf32, #tpu.memory_space<vmem>>, vector<1x1x16xf32>,
      %swap3A_378 = vector.shape_cast %swap3A_377 : vector<1x1x16xf32> to vector<16xf32>
      %swap3A_379 = vector.shape_cast %get3A_358 : vector<16xf32> to vector<1x1x16xf32>
      tpu.vector_store %arg8[%swap3A_374, %swap3A_375, %swap3A_376], %swap3A_379 {strides = array<i32>} : memref<2x128x64xf32, #tpu.memory_space<vmem>>, vector<1x1x16xf32>,
      %swap3A_380 = arith.constant 1 : i32
      %swap3A_381 = arith.index_cast %swap3A_380 : i32 to index
      %swap3A_382 = arith.index_cast %scan3A_340 : i32 to index
      %swap3A_383 = arith.constant 48 : index
      %swap3A_384 = tpu.vector_load %arg8[%swap3A_381, %swap3A_382, %swap3A_383] {strides = array<i32>} : memref<2x128x64xf32, #tpu.memory_space<vmem>>, vector<1x1x16xf32>,
      %swap3A_385 = vector.shape_cast %swap3A_384 : vector<1x1x16xf32> to vector<16xf32>
      %swap3A_386 = vector.shape_cast %get3A_15 : vector<16xf32> to vector<1x1x16xf32>
      tpu.vector_store %arg8[%swap3A_381, %swap3A_382, %swap3A_383], %swap3A_386 {strides = array<i32>} : memref<2x128x64xf32, #tpu.memory_space<vmem>>, vector<1x1x16xf32>,
      %scan3A_387 = arith.constant 3 : i32
      %scan3A_388 = arith.addi %scan3A_245, %scan3A_387 : i32
      %get3A_389 = arith.constant 1 : i32
      %get3A_390 = arith.index_cast %get3A_389 : i32 to index
      %get3A_391 = arith.index_cast %scan3A_388 : i32 to index
      %get3A_392 = arith.constant 0 : index
      %get3A_393 = tpu.vector_load %arg7[%get3A_390, %get3A_391, %get3A_392] {strides = array<i32>} : memref<2x128x128xf32, #tpu.memory_space<vmem>>, vector<1x1x16xf32>,
      %get3A_394 = vector.shape_cast %get3A_393 : vector<1x1x16xf32> to vector<16xf32>
      %get3A_395 = arith.constant 1 : i32
      %get3A_396 = arith.index_cast %get3A_395 : i32 to index
      %get3A_397 = arith.index_cast %scan3A_388 : i32 to index
      %get3A_398 = arith.constant 16 : index
      %get3A_399 = tpu.vector_load %arg7[%get3A_396, %get3A_397, %get3A_398] {strides = array<i32>} : memref<2x128x128xf32, #tpu.memory_space<vmem>>, vector<1x1x16xf32>,
      %get3A_400 = vector.shape_cast %get3A_399 : vector<1x1x16xf32> to vector<16xf32>
      %get3A_401 = arith.constant 1 : i32
      %get3A_402 = arith.index_cast %get3A_401 : i32 to index
      %get3A_403 = arith.index_cast %scan3A_388 : i32 to index
      %get3A_404 = arith.constant 32 : index
      %get3A_405 = tpu.vector_load %arg7[%get3A_402, %get3A_403, %get3A_404] {strides = array<i32>} : memref<2x128x128xf32, #tpu.memory_space<vmem>>, vector<1x1x16xf32>,
      %get3A_406 = vector.shape_cast %get3A_405 : vector<1x1x16xf32> to vector<16xf32>
      %swap3A_407 = arith.constant 1 : i32
      %swap3A_408 = arith.index_cast %swap3A_407 : i32 to index
      %swap3A_409 = arith.index_cast %scan3A_388 : i32 to index
      %swap3A_410 = arith.constant 0 : index
      %swap3A_411 = tpu.vector_load %arg8[%swap3A_408, %swap3A_409, %swap3A_410] {strides = array<i32>} : memref<2x128x64xf32, #tpu.memory_space<vmem>>, vector<1x1x16xf32>,
      %swap3A_412 = vector.shape_cast %swap3A_411 : vector<1x1x16xf32> to vector<16xf32>
      %swap3A_413 = vector.shape_cast %get3A_394 : vector<16xf32> to vector<1x1x16xf32>
      tpu.vector_store %arg8[%swap3A_408, %swap3A_409, %swap3A_410], %swap3A_413 {strides = array<i32>} : memref<2x128x64xf32, #tpu.memory_space<vmem>>, vector<1x1x16xf32>,
      %swap3A_414 = arith.constant 1 : i32
      %swap3A_415 = arith.index_cast %swap3A_414 : i32 to index
      %swap3A_416 = arith.index_cast %scan3A_388 : i32 to index
      %swap3A_417 = arith.constant 16 : index
      %swap3A_418 = tpu.vector_load %arg8[%swap3A_415, %swap3A_416, %swap3A_417] {strides = array<i32>} : memref<2x128x64xf32, #tpu.memory_space<vmem>>, vector<1x1x16xf32>,
      %swap3A_419 = vector.shape_cast %swap3A_418 : vector<1x1x16xf32> to vector<16xf32>
      %swap3A_420 = vector.shape_cast %get3A_400 : vector<16xf32> to vector<1x1x16xf32>
      tpu.vector_store %arg8[%swap3A_415, %swap3A_416, %swap3A_417], %swap3A_420 {strides = array<i32>} : memref<2x128x64xf32, #tpu.memory_space<vmem>>, vector<1x1x16xf32>,
      %swap3A_421 = arith.constant 1 : i32
      %swap3A_422 = arith.index_cast %swap3A_421 : i32 to index
      %swap3A_423 = arith.index_cast %scan3A_388 : i32 to index
      %swap3A_424 = arith.constant 32 : index
      %swap3A_425 = tpu.vector_load %arg8[%swap3A_422, %swap3A_423, %swap3A_424] {strides = array<i32>} : memref<2x128x64xf32, #tpu.memory_space<vmem>>, vector<1x1x16xf32>,
      %swap3A_426 = vector.shape_cast %swap3A_425 : vector<1x1x16xf32> to vector<16xf32>
      %swap3A_427 = vector.shape_cast %get3A_406 : vector<16xf32> to vector<1x1x16xf32>
      tpu.vector_store %arg8[%swap3A_422, %swap3A_423, %swap3A_424], %swap3A_427 {strides = array<i32>} : memref<2x128x64xf32, #tpu.memory_space<vmem>>, vector<1x1x16xf32>,
      %swap3A_428 = arith.constant 1 : i32
      %swap3A_429 = arith.index_cast %swap3A_428 : i32 to index
      %swap3A_430 = arith.index_cast %scan3A_388 : i32 to index
      %swap3A_431 = arith.constant 48 : index
      %swap3A_432 = tpu.vector_load %arg8[%swap3A_429, %swap3A_430, %swap3A_431] {strides = array<i32>} : memref<2x128x64xf32, #tpu.memory_space<vmem>>, vector<1x1x16xf32>,
      %swap3A_433 = vector.shape_cast %swap3A_432 : vector<1x1x16xf32> to vector<16xf32>
      %swap3A_434 = vector.shape_cast %get3A_15 : vector<16xf32> to vector<1x1x16xf32>
      tpu.vector_store %arg8[%swap3A_429, %swap3A_430, %swap3A_431], %swap3A_434 {strides = array<i32>} : memref<2x128x64xf32, #tpu.memory_space<vmem>>, vector<1x1x16xf32>,
      %scan3A_435 = arith.constant 4 : i32
      %scan3A_436 = arith.addi %scan3A_245, %scan3A_435 : i32
      %get3A_437 = arith.constant 1 : i32
      %get3A_438 = arith.index_cast %get3A_437 : i32 to index
      %get3A_439 = arith.index_cast %scan3A_436 : i32 to index
      %get3A_440 = arith.constant 0 : index
      %get3A_441 = tpu.vector_load %arg7[%get3A_438, %get3A_439, %get3A_440] {strides = array<i32>} : memref<2x128x128xf32, #tpu.memory_space<vmem>>, vector<1x1x16xf32>,
      %get3A_442 = vector.shape_cast %get3A_441 : vector<1x1x16xf32> to vector<16xf32>
      %get3A_443 = arith.constant 1 : i32
      %get3A_444 = arith.index_cast %get3A_443 : i32 to index
      %get3A_445 = arith.index_cast %scan3A_436 : i32 to index
      %get3A_446 = arith.constant 16 : index
      %get3A_447 = tpu.vector_load %arg7[%get3A_444, %get3A_445, %get3A_446] {strides = array<i32>} : memref<2x128x128xf32, #tpu.memory_space<vmem>>, vector<1x1x16xf32>,
      %get3A_448 = vector.shape_cast %get3A_447 : vector<1x1x16xf32> to vector<16xf32>
      %get3A_449 = arith.constant 1 : i32
      %get3A_450 = arith.index_cast %get3A_449 : i32 to index
      %get3A_451 = arith.index_cast %scan3A_436 : i32 to index
      %get3A_452 = arith.constant 32 : index
      %get3A_453 = tpu.vector_load %arg7[%get3A_450, %get3A_451, %get3A_452] {strides = array<i32>} : memref<2x128x128xf32, #tpu.memory_space<vmem>>, vector<1x1x16xf32>,
      %get3A_454 = vector.shape_cast %get3A_453 : vector<1x1x16xf32> to vector<16xf32>
      %swap3A_455 = arith.constant 1 : i32
      %swap3A_456 = arith.index_cast %swap3A_455 : i32 to index
      %swap3A_457 = arith.index_cast %scan3A_436 : i32 to index
      %swap3A_458 = arith.constant 0 : index
      %swap3A_459 = tpu.vector_load %arg8[%swap3A_456, %swap3A_457, %swap3A_458] {strides = array<i32>} : memref<2x128x64xf32, #tpu.memory_space<vmem>>, vector<1x1x16xf32>,
      %swap3A_460 = vector.shape_cast %swap3A_459 : vector<1x1x16xf32> to vector<16xf32>
      %swap3A_461 = vector.shape_cast %get3A_442 : vector<16xf32> to vector<1x1x16xf32>
      tpu.vector_store %arg8[%swap3A_456, %swap3A_457, %swap3A_458], %swap3A_461 {strides = array<i32>} : memref<2x128x64xf32, #tpu.memory_space<vmem>>, vector<1x1x16xf32>,
      %swap3A_462 = arith.constant 1 : i32
      %swap3A_463 = arith.index_cast %swap3A_462 : i32 to index
      %swap3A_464 = arith.index_cast %scan3A_436 : i32 to index
      %swap3A_465 = arith.constant 16 : index
      %swap3A_466 = tpu.vector_load %arg8[%swap3A_463, %swap3A_464, %swap3A_465] {strides = array<i32>} : memref<2x128x64xf32, #tpu.memory_space<vmem>>, vector<1x1x16xf32>,
      %swap3A_467 = vector.shape_cast %swap3A_466 : vector<1x1x16xf32> to vector<16xf32>
      %swap3A_468 = vector.shape_cast %get3A_448 : vector<16xf32> to vector<1x1x16xf32>
      tpu.vector_store %arg8[%swap3A_463, %swap3A_464, %swap3A_465], %swap3A_468 {strides = array<i32>} : memref<2x128x64xf32, #tpu.memory_space<vmem>>, vector<1x1x16xf32>,
      %swap3A_469 = arith.constant 1 : i32
      %swap3A_470 = arith.index_cast %swap3A_469 : i32 to index
      %swap3A_471 = arith.index_cast %scan3A_436 : i32 to index
      %swap3A_472 = arith.constant 32 : index
      %swap3A_473 = tpu.vector_load %arg8[%swap3A_470, %swap3A_471, %swap3A_472] {strides = array<i32>} : memref<2x128x64xf32, #tpu.memory_space<vmem>>, vector<1x1x16xf32>,
      %swap3A_474 = vector.shape_cast %swap3A_473 : vector<1x1x16xf32> to vector<16xf32>
      %swap3A_475 = vector.shape_cast %get3A_454 : vector<16xf32> to vector<1x1x16xf32>
      tpu.vector_store %arg8[%swap3A_470, %swap3A_471, %swap3A_472], %swap3A_475 {strides = array<i32>} : memref<2x128x64xf32, #tpu.memory_space<vmem>>, vector<1x1x16xf32>,
      %swap3A_476 = arith.constant 1 : i32
      %swap3A_477 = arith.index_cast %swap3A_476 : i32 to index
      %swap3A_478 = arith.index_cast %scan3A_436 : i32 to index
      %swap3A_479 = arith.constant 48 : index
      %swap3A_480 = tpu.vector_load %arg8[%swap3A_477, %swap3A_478, %swap3A_479] {strides = array<i32>} : memref<2x128x64xf32, #tpu.memory_space<vmem>>, vector<1x1x16xf32>,
      %swap3A_481 = vector.shape_cast %swap3A_480 : vector<1x1x16xf32> to vector<16xf32>
      %swap3A_482 = vector.shape_cast %get3A_15 : vector<16xf32> to vector<1x1x16xf32>
      tpu.vector_store %arg8[%swap3A_477, %swap3A_478, %swap3A_479], %swap3A_482 {strides = array<i32>} : memref<2x128x64xf32, #tpu.memory_space<vmem>>, vector<1x1x16xf32>,
      %scan3A_483 = arith.constant 5 : i32
      %scan3A_484 = arith.addi %scan3A_245, %scan3A_483 : i32
      %get3A_485 = arith.constant 1 : i32
      %get3A_486 = arith.index_cast %get3A_485 : i32 to index
      %get3A_487 = arith.index_cast %scan3A_484 : i32 to index
      %get3A_488 = arith.constant 0 : index
      %get3A_489 = tpu.vector_load %arg7[%get3A_486, %get3A_487, %get3A_488] {strides = array<i32>} : memref<2x128x128xf32, #tpu.memory_space<vmem>>, vector<1x1x16xf32>,
      %get3A_490 = vector.shape_cast %get3A_489 : vector<1x1x16xf32> to vector<16xf32>
      %get3A_491 = arith.constant 1 : i32
      %get3A_492 = arith.index_cast %get3A_491 : i32 to index
      %get3A_493 = arith.index_cast %scan3A_484 : i32 to index
      %get3A_494 = arith.constant 16 : index
      %get3A_495 = tpu.vector_load %arg7[%get3A_492, %get3A_493, %get3A_494] {strides = array<i32>} : memref<2x128x128xf32, #tpu.memory_space<vmem>>, vector<1x1x16xf32>,
      %get3A_496 = vector.shape_cast %get3A_495 : vector<1x1x16xf32> to vector<16xf32>
      %get3A_497 = arith.constant 1 : i32
      %get3A_498 = arith.index_cast %get3A_497 : i32 to index
      %get3A_499 = arith.index_cast %scan3A_484 : i32 to index
      %get3A_500 = arith.constant 32 : index
      %get3A_501 = tpu.vector_load %arg7[%get3A_498, %get3A_499, %get3A_500] {strides = array<i32>} : memref<2x128x128xf32, #tpu.memory_space<vmem>>, vector<1x1x16xf32>,
      %get3A_502 = vector.shape_cast %get3A_501 : vector<1x1x16xf32> to vector<16xf32>
      %swap3A_503 = arith.constant 1 : i32
      %swap3A_504 = arith.index_cast %swap3A_503 : i32 to index
      %swap3A_505 = arith.index_cast %scan3A_484 : i32 to index
      %swap3A_506 = arith.constant 0 : index
      %swap3A_507 = tpu.vector_load %arg8[%swap3A_504, %swap3A_505, %swap3A_506] {strides = array<i32>} : memref<2x128x64xf32, #tpu.memory_space<vmem>>, vector<1x1x16xf32>,
      %swap3A_508 = vector.shape_cast %swap3A_507 : vector<1x1x16xf32> to vector<16xf32>
      %swap3A_509 = vector.shape_cast %get3A_490 : vector<16xf32> to vector<1x1x16xf32>
      tpu.vector_store %arg8[%swap3A_504, %swap3A_505, %swap3A_506], %swap3A_509 {strides = array<i32>} : memref<2x128x64xf32, #tpu.memory_space<vmem>>, vector<1x1x16xf32>,
      %swap3A_510 = arith.constant 1 : i32
      %swap3A_511 = arith.index_cast %swap3A_510 : i32 to index
      %swap3A_512 = arith.index_cast %scan3A_484 : i32 to index
      %swap3A_513 = arith.constant 16 : index
      %swap3A_514 = tpu.vector_load %arg8[%swap3A_511, %swap3A_512, %swap3A_513] {strides = array<i32>} : memref<2x128x64xf32, #tpu.memory_space<vmem>>, vector<1x1x16xf32>,
      %swap3A_515 = vector.shape_cast %swap3A_514 : vector<1x1x16xf32> to vector<16xf32>
      %swap3A_516 = vector.shape_cast %get3A_496 : vector<16xf32> to vector<1x1x16xf32>
      tpu.vector_store %arg8[%swap3A_511, %swap3A_512, %swap3A_513], %swap3A_516 {strides = array<i32>} : memref<2x128x64xf32, #tpu.memory_space<vmem>>, vector<1x1x16xf32>,
      %swap3A_517 = arith.constant 1 : i32
      %swap3A_518 = arith.index_cast %swap3A_517 : i32 to index
      %swap3A_519 = arith.index_cast %scan3A_484 : i32 to index
      %swap3A_520 = arith.constant 32 : index
      %swap3A_521 = tpu.vector_load %arg8[%swap3A_518, %swap3A_519, %swap3A_520] {strides = array<i32>} : memref<2x128x64xf32, #tpu.memory_space<vmem>>, vector<1x1x16xf32>,
      %swap3A_522 = vector.shape_cast %swap3A_521 : vector<1x1x16xf32> to vector<16xf32>
      %swap3A_523 = vector.shape_cast %get3A_502 : vector<16xf32> to vector<1x1x16xf32>
      tpu.vector_store %arg8[%swap3A_518, %swap3A_519, %swap3A_520], %swap3A_523 {strides = array<i32>} : memref<2x128x64xf32, #tpu.memory_space<vmem>>, vector<1x1x16xf32>,
      %swap3A_524 = arith.constant 1 : i32
      %swap3A_525 = arith.index_cast %swap3A_524 : i32 to index
      %swap3A_526 = arith.index_cast %scan3A_484 : i32 to index
      %swap3A_527 = arith.constant 48 : index
      %swap3A_528 = tpu.vector_load %arg8[%swap3A_525, %swap3A_526, %swap3A_527] {strides = array<i32>} : memref<2x128x64xf32, #tpu.memory_space<vmem>>, vector<1x1x16xf32>,
      %swap3A_529 = vector.shape_cast %swap3A_528 : vector<1x1x16xf32> to vector<16xf32>
      %swap3A_530 = vector.shape_cast %get3A_15 : vector<16xf32> to vector<1x1x16xf32>
      tpu.vector_store %arg8[%swap3A_525, %swap3A_526, %swap3A_527], %swap3A_530 {strides = array<i32>} : memref<2x128x64xf32, #tpu.memory_space<vmem>>, vector<1x1x16xf32>,
      %scan3A_531 = arith.constant 6 : i32
      %scan3A_532 = arith.addi %scan3A_245, %scan3A_531 : i32
      %get3A_533 = arith.constant 1 : i32
      %get3A_534 = arith.index_cast %get3A_533 : i32 to index
      %get3A_535 = arith.index_cast %scan3A_532 : i32 to index
      %get3A_536 = arith.constant 0 : index
      %get3A_537 = tpu.vector_load %arg7[%get3A_534, %get3A_535, %get3A_536] {strides = array<i32>} : memref<2x128x128xf32, #tpu.memory_space<vmem>>, vector<1x1x16xf32>,
      %get3A_538 = vector.shape_cast %get3A_537 : vector<1x1x16xf32> to vector<16xf32>
      %get3A_539 = arith.constant 1 : i32
      %get3A_540 = arith.index_cast %get3A_539 : i32 to index
      %get3A_541 = arith.index_cast %scan3A_532 : i32 to index
      %get3A_542 = arith.constant 16 : index
      %get3A_543 = tpu.vector_load %arg7[%get3A_540, %get3A_541, %get3A_542] {strides = array<i32>} : memref<2x128x128xf32, #tpu.memory_space<vmem>>, vector<1x1x16xf32>,
      %get3A_544 = vector.shape_cast %get3A_543 : vector<1x1x16xf32> to vector<16xf32>
      %get3A_545 = arith.constant 1 : i32
      %get3A_546 = arith.index_cast %get3A_545 : i32 to index
      %get3A_547 = arith.index_cast %scan3A_532 : i32 to index
      %get3A_548 = arith.constant 32 : index
      %get3A_549 = tpu.vector_load %arg7[%get3A_546, %get3A_547, %get3A_548] {strides = array<i32>} : memref<2x128x128xf32, #tpu.memory_space<vmem>>, vector<1x1x16xf32>,
      %get3A_550 = vector.shape_cast %get3A_549 : vector<1x1x16xf32> to vector<16xf32>
      %swap3A_551 = arith.constant 1 : i32
      %swap3A_552 = arith.index_cast %swap3A_551 : i32 to index
      %swap3A_553 = arith.index_cast %scan3A_532 : i32 to index
      %swap3A_554 = arith.constant 0 : index
      %swap3A_555 = tpu.vector_load %arg8[%swap3A_552, %swap3A_553, %swap3A_554] {strides = array<i32>} : memref<2x128x64xf32, #tpu.memory_space<vmem>>, vector<1x1x16xf32>,
      %swap3A_556 = vector.shape_cast %swap3A_555 : vector<1x1x16xf32> to vector<16xf32>
      %swap3A_557 = vector.shape_cast %get3A_538 : vector<16xf32> to vector<1x1x16xf32>
      tpu.vector_store %arg8[%swap3A_552, %swap3A_553, %swap3A_554], %swap3A_557 {strides = array<i32>} : memref<2x128x64xf32, #tpu.memory_space<vmem>>, vector<1x1x16xf32>,
      %swap3A_558 = arith.constant 1 : i32
      %swap3A_559 = arith.index_cast %swap3A_558 : i32 to index
      %swap3A_560 = arith.index_cast %scan3A_532 : i32 to index
      %swap3A_561 = arith.constant 16 : index
      %swap3A_562 = tpu.vector_load %arg8[%swap3A_559, %swap3A_560, %swap3A_561] {strides = array<i32>} : memref<2x128x64xf32, #tpu.memory_space<vmem>>, vector<1x1x16xf32>,
      %swap3A_563 = vector.shape_cast %swap3A_562 : vector<1x1x16xf32> to vector<16xf32>
      %swap3A_564 = vector.shape_cast %get3A_544 : vector<16xf32> to vector<1x1x16xf32>
      tpu.vector_store %arg8[%swap3A_559, %swap3A_560, %swap3A_561], %swap3A_564 {strides = array<i32>} : memref<2x128x64xf32, #tpu.memory_space<vmem>>, vector<1x1x16xf32>,
      %swap3A_565 = arith.constant 1 : i32
      %swap3A_566 = arith.index_cast %swap3A_565 : i32 to index
      %swap3A_567 = arith.index_cast %scan3A_532 : i32 to index
      %swap3A_568 = arith.constant 32 : index
      %swap3A_569 = tpu.vector_load %arg8[%swap3A_566, %swap3A_567, %swap3A_568] {strides = array<i32>} : memref<2x128x64xf32, #tpu.memory_space<vmem>>, vector<1x1x16xf32>,
      %swap3A_570 = vector.shape_cast %swap3A_569 : vector<1x1x16xf32> to vector<16xf32>
      %swap3A_571 = vector.shape_cast %get3A_550 : vector<16xf32> to vector<1x1x16xf32>
      tpu.vector_store %arg8[%swap3A_566, %swap3A_567, %swap3A_568], %swap3A_571 {strides = array<i32>} : memref<2x128x64xf32, #tpu.memory_space<vmem>>, vector<1x1x16xf32>,
      %swap3A_572 = arith.constant 1 : i32
      %swap3A_573 = arith.index_cast %swap3A_572 : i32 to index
      %swap3A_574 = arith.index_cast %scan3A_532 : i32 to index
      %swap3A_575 = arith.constant 48 : index
      %swap3A_576 = tpu.vector_load %arg8[%swap3A_573, %swap3A_574, %swap3A_575] {strides = array<i32>} : memref<2x128x64xf32, #tpu.memory_space<vmem>>, vector<1x1x16xf32>,
      %swap3A_577 = vector.shape_cast %swap3A_576 : vector<1x1x16xf32> to vector<16xf32>
      %swap3A_578 = vector.shape_cast %get3A_15 : vector<16xf32> to vector<1x1x16xf32>
      tpu.vector_store %arg8[%swap3A_573, %swap3A_574, %swap3A_575], %swap3A_578 {strides = array<i32>} : memref<2x128x64xf32, #tpu.memory_space<vmem>>, vector<1x1x16xf32>,
      %scan3A_579 = arith.constant 7 : i32
      %scan3A_580 = arith.addi %scan3A_245, %scan3A_579 : i32
      %get3A_581 = arith.constant 1 : i32
      %get3A_582 = arith.index_cast %get3A_581 : i32 to index
      %get3A_583 = arith.index_cast %scan3A_580 : i32 to index
      %get3A_584 = arith.constant 0 : index
      %get3A_585 = tpu.vector_load %arg7[%get3A_582, %get3A_583, %get3A_584] {strides = array<i32>} : memref<2x128x128xf32, #tpu.memory_space<vmem>>, vector<1x1x16xf32>,
      %get3A_586 = vector.shape_cast %get3A_585 : vector<1x1x16xf32> to vector<16xf32>
      %get3A_587 = arith.constant 1 : i32
      %get3A_588 = arith.index_cast %get3A_587 : i32 to index
      %get3A_589 = arith.index_cast %scan3A_580 : i32 to index
      %get3A_590 = arith.constant 16 : index
      %get3A_591 = tpu.vector_load %arg7[%get3A_588, %get3A_589, %get3A_590] {strides = array<i32>} : memref<2x128x128xf32, #tpu.memory_space<vmem>>, vector<1x1x16xf32>,
      %get3A_592 = vector.shape_cast %get3A_591 : vector<1x1x16xf32> to vector<16xf32>
      %get3A_593 = arith.constant 1 : i32
      %get3A_594 = arith.index_cast %get3A_593 : i32 to index
      %get3A_595 = arith.index_cast %scan3A_580 : i32 to index
      %get3A_596 = arith.constant 32 : index
      %get3A_597 = tpu.vector_load %arg7[%get3A_594, %get3A_595, %get3A_596] {strides = array<i32>} : memref<2x128x128xf32, #tpu.memory_space<vmem>>, vector<1x1x16xf32>,
      %get3A_598 = vector.shape_cast %get3A_597 : vector<1x1x16xf32> to vector<16xf32>
      %swap3A_599 = arith.constant 1 : i32
      %swap3A_600 = arith.index_cast %swap3A_599 : i32 to index
      %swap3A_601 = arith.index_cast %scan3A_580 : i32 to index
      %swap3A_602 = arith.constant 0 : index
      %swap3A_603 = tpu.vector_load %arg8[%swap3A_600, %swap3A_601, %swap3A_602] {strides = array<i32>} : memref<2x128x64xf32, #tpu.memory_space<vmem>>, vector<1x1x16xf32>,
      %swap3A_604 = vector.shape_cast %swap3A_603 : vector<1x1x16xf32> to vector<16xf32>
      %swap3A_605 = vector.shape_cast %get3A_586 : vector<16xf32> to vector<1x1x16xf32>
      tpu.vector_store %arg8[%swap3A_600, %swap3A_601, %swap3A_602], %swap3A_605 {strides = array<i32>} : memref<2x128x64xf32, #tpu.memory_space<vmem>>, vector<1x1x16xf32>,
      %swap3A_606 = arith.constant 1 : i32
      %swap3A_607 = arith.index_cast %swap3A_606 : i32 to index
      %swap3A_608 = arith.index_cast %scan3A_580 : i32 to index
      %swap3A_609 = arith.constant 16 : index
      %swap3A_610 = tpu.vector_load %arg8[%swap3A_607, %swap3A_608, %swap3A_609] {strides = array<i32>} : memref<2x128x64xf32, #tpu.memory_space<vmem>>, vector<1x1x16xf32>,
      %swap3A_611 = vector.shape_cast %swap3A_610 : vector<1x1x16xf32> to vector<16xf32>
      %swap3A_612 = vector.shape_cast %get3A_592 : vector<16xf32> to vector<1x1x16xf32>
      tpu.vector_store %arg8[%swap3A_607, %swap3A_608, %swap3A_609], %swap3A_612 {strides = array<i32>} : memref<2x128x64xf32, #tpu.memory_space<vmem>>, vector<1x1x16xf32>,
      %swap3A_613 = arith.constant 1 : i32
      %swap3A_614 = arith.index_cast %swap3A_613 : i32 to index
      %swap3A_615 = arith.index_cast %scan3A_580 : i32 to index
      %swap3A_616 = arith.constant 32 : index
      %swap3A_617 = tpu.vector_load %arg8[%swap3A_614, %swap3A_615, %swap3A_616] {strides = array<i32>} : memref<2x128x64xf32, #tpu.memory_space<vmem>>, vector<1x1x16xf32>,
      %swap3A_618 = vector.shape_cast %swap3A_617 : vector<1x1x16xf32> to vector<16xf32>
      %swap3A_619 = vector.shape_cast %get3A_598 : vector<16xf32> to vector<1x1x16xf32>
      tpu.vector_store %arg8[%swap3A_614, %swap3A_615, %swap3A_616], %swap3A_619 {strides = array<i32>} : memref<2x128x64xf32, #tpu.memory_space<vmem>>, vector<1x1x16xf32>,
      %swap3A_620 = arith.constant 1 : i32
      %swap3A_621 = arith.index_cast %swap3A_620 : i32 to index
      %swap3A_622 = arith.index_cast %scan3A_580 : i32 to index
      %swap3A_623 = arith.constant 48 : index
      %swap3A_624 = tpu.vector_load %arg8[%swap3A_621, %swap3A_622, %swap3A_623] {strides = array<i32>} : memref<2x128x64xf32, #tpu.memory_space<vmem>>, vector<1x1x16xf32>,
      %swap3A_625 = vector.shape_cast %swap3A_624 : vector<1x1x16xf32> to vector<16xf32>
      %swap3A_626 = vector.shape_cast %get3A_15 : vector<16xf32> to vector<1x1x16xf32>
      tpu.vector_store %arg8[%swap3A_621, %swap3A_622, %swap3A_623], %swap3A_626 {strides = array<i32>} : memref<2x128x64xf32, #tpu.memory_space<vmem>>, vector<1x1x16xf32>,
    }
    %scan3A_99 = arith.constant 128 : i32
    %add3A_100 = arith.constant 128 : i32
    %add3A_101 = arith.addi %mul3A_2, %add3A_100 : i32
    %dma_start3A_102 = arith.constant 1 : i32
    %dma_start3A_103 = arith.constant 0 : i32
    %dma_start3A_104 = arith.constant 0 : i32
    %dma_start3A_105 = tpu.memref_slice %arg8[%dma_start3A_102, %dma_start3A_103, %dma_start3A_104] : memref<2x128x64xf32, #tpu.memory_space<vmem>> -> memref<1x128x64xf32, #tpu.memory_space<vmem>>
    %dma_start3A_106 = tpu.memref_squeeze %dma_start3A_105 : memref<1x128x64xf32, #tpu.memory_space<vmem>> -> memref<128x64xf32, #tpu.memory_space<vmem>>
    %dma_start3A_107 = arith.constant 0 : i32
    %dma_start3A_108 = tpu.memref_slice %arg5[%add3A_101, %dma_start3A_107] : memref<16384x64xf32, #tpu.memory_space<hbm>> -> memref<128x64xf32, #tpu.memory_space<hbm>>
    %dma_start3A_109 = arith.constant 0 : i32
    %dma_start3A_110 = tpu.memref_slice %arg5[%add3A_101, %dma_start3A_109] : memref<16384x64xf32, #tpu.memory_space<hbm>> -> memref<128x64xf32, #tpu.memory_space<hbm>>
    %dma_start3A_111 = arith.constant 0 : i32
    %dma_start3A_112 = arith.constant 0 : i32
    %dma_start3A_113 = tpu.memref_slice %arg8[%dma_start3A_102, %dma_start3A_111, %dma_start3A_112] : memref<2x128x64xf32, #tpu.memory_space<vmem>> -> memref<1x128x64xf32, #tpu.memory_space<vmem>>
    %dma_start3A_114 = tpu.memref_squeeze %dma_start3A_113 : memref<1x128x64xf32, #tpu.memory_space<vmem>> -> memref<128x64xf32, #tpu.memory_space<vmem>>
    tpu.enqueue_dma source(%dma_start3A_114 : memref<128x64xf32, #tpu.memory_space<vmem>>) target(%dma_start3A_110 : memref<128x64xf32, #tpu.memory_space<hbm>>) target_semaphore(%arg12 : memref<!tpu.dma_semaphore, #tpu.memory_space<semaphore_mem>>)
    %dma_start3A_115 = arith.constant 3 : i32
    %dma_start3A_116 = arith.constant 1 : i32
    %dma_start3A_117 = arith.constant 0 : i32
    %dma_start3A_118 = arith.constant 0 : i32
    %dma_start3A_119 = tpu.memref_slice %arg7[%dma_start3A_116, %dma_start3A_117, %dma_start3A_118] : memref<2x128x128xf32, #tpu.memory_space<vmem>> -> memref<1x128x128xf32, #tpu.memory_space<vmem>>
    %dma_start3A_120 = tpu.memref_squeeze %dma_start3A_119 : memref<1x128x128xf32, #tpu.memory_space<vmem>> -> memref<128x128xf32, #tpu.memory_space<vmem>>
    %dma_start3A_121 = arith.constant 0 : i32
    %dma_start3A_122 = tpu.memref_slice %arg6[%dma_start3A_115, %dma_start3A_121] : memref<4x128xi32, #tpu.memory_space<vmem>> -> memref<1x128xi32, #tpu.memory_space<vmem>>
    %dma_start3A_123 = tpu.memref_squeeze %dma_start3A_122 : memref<1x128xi32, #tpu.memory_space<vmem>> -> memref<128xi32, #tpu.memory_space<vmem>>
    %dma_start3A_124 = arith.constant 0 : i32
    %dma_start3A_125 = arith.constant 0 : i32
    %dma_start3A_126 = tpu.memref_slice %arg3[%dma_start3A_124, %dma_start3A_125] : memref<100000x128xf32, #tpu.memory_space<hbm>> -> memref<100000x128xf32, #tpu.memory_space<hbm>>
    tpu.enqueue_indirect_dma source(%dma_start3A_126 : memref<100000x128xf32, #tpu.memory_space<hbm>>) target(%dma_start3A_120 : memref<128x128xf32, #tpu.memory_space<vmem>>) offsets(%dma_start3A_123 : memref<128xi32, #tpu.memory_space<vmem>>) semaphore(%arg10 : memref<!tpu.dma_semaphore, #tpu.memory_space<semaphore_mem>>)
    %dma_wait3A_127 = arith.constant 2 : i32
    %dma_wait3A_128 = arith.constant 0 : i32
    %dma_wait3A_129 = arith.constant 0 : i32
    %dma_wait3A_130 = arith.constant 0 : i32
    %dma_wait3A_131 = tpu.memref_slice %arg7[%dma_wait3A_128, %dma_wait3A_129, %dma_wait3A_130] : memref<2x128x128xf32, #tpu.memory_space<vmem>> -> memref<1x128x128xf32, #tpu.memory_space<vmem>>
    %dma_wait3A_132 = tpu.memref_squeeze %dma_wait3A_131 : memref<1x128x128xf32, #tpu.memory_space<vmem>> -> memref<128x128xf32, #tpu.memory_space<vmem>>
    %dma_wait3A_133 = arith.constant 0 : i32
    %dma_wait3A_134 = tpu.memref_slice %arg6[%dma_wait3A_127, %dma_wait3A_133] : memref<4x128xi32, #tpu.memory_space<vmem>> -> memref<1x128xi32, #tpu.memory_space<vmem>>
    %dma_wait3A_135 = tpu.memref_squeeze %dma_wait3A_134 : memref<1x128xi32, #tpu.memory_space<vmem>> -> memref<128xi32, #tpu.memory_space<vmem>>
    %dma_wait3A_136 = arith.constant 0 : i32
    %dma_wait3A_137 = arith.constant 0 : i32
    %dma_wait3A_138 = tpu.memref_slice %arg3[%dma_wait3A_136, %dma_wait3A_137] : memref<100000x128xf32, #tpu.memory_space<hbm>> -> memref<100000x128xf32, #tpu.memory_space<hbm>>
    tpu.wait_indirect_dma semaphore(%arg10 : memref<!tpu.dma_semaphore, #tpu.memory_space<semaphore_mem>>) src(%dma_wait3A_138 : memref<100000x128xf32, #tpu.memory_space<hbm>>) dst(%dma_wait3A_132 : memref<128x128xf32, #tpu.memory_space<vmem>>)
    %dma_wait3A_139 = arith.constant 0 : i32
    %dma_wait3A_140 = arith.constant 0 : i32
    %dma_wait3A_141 = arith.constant 0 : i32
    %dma_wait3A_142 = tpu.memref_slice %arg8[%dma_wait3A_139, %dma_wait3A_140, %dma_wait3A_141] : memref<2x128x64xf32, #tpu.memory_space<vmem>> -> memref<1x128x64xf32, #tpu.memory_space<vmem>>
    %dma_wait3A_143 = tpu.memref_squeeze %dma_wait3A_142 : memref<1x128x64xf32, #tpu.memory_space<vmem>> -> memref<128x64xf32, #tpu.memory_space<vmem>>
    %dma_wait3A_144 = arith.constant 0 : i32
    %dma_wait3A_145 = tpu.memref_slice %arg5[%add3A_56, %dma_wait3A_144] : memref<16384x64xf32, #tpu.memory_space<hbm>> -> memref<128x64xf32, #tpu.memory_space<hbm>>
    %dma_wait3A_146 = arith.constant 0 : i32
    %dma_wait3A_147 = tpu.memref_slice %arg5[%add3A_56, %dma_wait3A_146] : memref<16384x64xf32, #tpu.memory_space<hbm>> -> memref<128x64xf32, #tpu.memory_space<hbm>>
    %dma_wait3A_148 = arith.constant 0 : i32
    %dma_wait3A_149 = arith.constant 0 : i32
    %dma_wait3A_150 = tpu.memref_slice %arg8[%dma_wait3A_139, %dma_wait3A_148, %dma_wait3A_149] : memref<2x128x64xf32, #tpu.memory_space<vmem>> -> memref<1x128x64xf32, #tpu.memory_space<vmem>>
    %dma_wait3A_151 = tpu.memref_squeeze %dma_wait3A_150 : memref<1x128x64xf32, #tpu.memory_space<vmem>> -> memref<128x64xf32, #tpu.memory_space<vmem>>
    tpu.wait_dma2 semaphore(%arg12 : memref<!tpu.dma_semaphore, #tpu.memory_space<semaphore_mem>>) src(%dma_wait3A_151 : memref<128x64xf32, #tpu.memory_space<vmem>>) dst(%dma_wait3A_147 : memref<128x64xf32, #tpu.memory_space<hbm>>)
    %scan3A_152 = arith.constant 0 : i32
    %scan3A_153 = arith.constant 0 : i32
    %scan3A_154 = arith.constant 128 : i32
    %scan3A_155 = arith.addi %scan3A_153, %scan3A_154 : i32
    %scan3A_156 = arith.constant 8 : i32
    scf.for %scan3A_245 = %scan3A_153 to %scan3A_155 step %scan3A_156  : i32 {
      %get3A_246 = arith.constant 0 : i32
      %get3A_247 = arith.index_cast %get3A_246 : i32 to index
      %get3A_248 = arith.index_cast %scan3A_245 : i32 to index
      %get3A_249 = arith.constant 0 : index
      %get3A_250 = tpu.vector_load %arg7[%get3A_247, %get3A_248, %get3A_249] {strides = array<i32>} : memref<2x128x128xf32, #tpu.memory_space<vmem>>, vector<1x1x16xf32>,
      %get3A_251 = vector.shape_cast %get3A_250 : vector<1x1x16xf32> to vector<16xf32>
      %get3A_252 = arith.constant 0 : i32
      %get3A_253 = arith.index_cast %get3A_252 : i32 to index
      %get3A_254 = arith.index_cast %scan3A_245 : i32 to index
      %get3A_255 = arith.constant 16 : index
      %get3A_256 = tpu.vector_load %arg7[%get3A_253, %get3A_254, %get3A_255] {strides = array<i32>} : memref<2x128x128xf32, #tpu.memory_space<vmem>>, vector<1x1x16xf32>,
      %get3A_257 = vector.shape_cast %get3A_256 : vector<1x1x16xf32> to vector<16xf32>
      %get3A_258 = arith.constant 0 : i32
      %get3A_259 = arith.index_cast %get3A_258 : i32 to index
      %get3A_260 = arith.index_cast %scan3A_245 : i32 to index
      %get3A_261 = arith.constant 32 : index
      %get3A_262 = tpu.vector_load %arg7[%get3A_259, %get3A_260, %get3A_261] {strides = array<i32>} : memref<2x128x128xf32, #tpu.memory_space<vmem>>, vector<1x1x16xf32>,
      %get3A_263 = vector.shape_cast %get3A_262 : vector<1x1x16xf32> to vector<16xf32>
      %swap3A = arith.constant 0 : i32
      %swap3A_264 = arith.index_cast %swap3A : i32 to index
      %swap3A_265 = arith.index_cast %scan3A_245 : i32 to index
      %swap3A_266 = arith.constant 0 : index
      %swap3A_267 = tpu.vector_load %arg8[%swap3A_264, %swap3A_265, %swap3A_266] {strides = array<i32>} : memref<2x128x64xf32, #tpu.memory_space<vmem>>, vector<1x1x16xf32>,
      %swap3A_268 = vector.shape_cast %swap3A_267 : vector<1x1x16xf32> to vector<16xf32>
      %swap3A_269 = vector.shape_cast %get3A_251 : vector<16xf32> to vector<1x1x16xf32>
      tpu.vector_store %arg8[%swap3A_264, %swap3A_265, %swap3A_266], %swap3A_269 {strides = array<i32>} : memref<2x128x64xf32, #tpu.memory_space<vmem>>, vector<1x1x16xf32>,
      %swap3A_270 = arith.constant 0 : i32
      %swap3A_271 = arith.index_cast %swap3A_270 : i32 to index
      %swap3A_272 = arith.index_cast %scan3A_245 : i32 to index
      %swap3A_273 = arith.constant 16 : index
      %swap3A_274 = tpu.vector_load %arg8[%swap3A_271, %swap3A_272, %swap3A_273] {strides = array<i32>} : memref<2x128x64xf32, #tpu.memory_space<vmem>>, vector<1x1x16xf32>,
      %swap3A_275 = vector.shape_cast %swap3A_274 : vector<1x1x16xf32> to vector<16xf32>
      %swap3A_276 = vector.shape_cast %get3A_257 : vector<16xf32> to vector<1x1x16xf32>
      tpu.vector_store %arg8[%swap3A_271, %swap3A_272, %swap3A_273], %swap3A_276 {strides = array<i32>} : memref<2x128x64xf32, #tpu.memory_space<vmem>>, vector<1x1x16xf32>,
      %swap3A_277 = arith.constant 0 : i32
      %swap3A_278 = arith.index_cast %swap3A_277 : i32 to index
      %swap3A_279 = arith.index_cast %scan3A_245 : i32 to index
      %swap3A_280 = arith.constant 32 : index
      %swap3A_281 = tpu.vector_load %arg8[%swap3A_278, %swap3A_279, %swap3A_280] {strides = array<i32>} : memref<2x128x64xf32, #tpu.memory_space<vmem>>, vector<1x1x16xf32>,
      %swap3A_282 = vector.shape_cast %swap3A_281 : vector<1x1x16xf32> to vector<16xf32>
      %swap3A_283 = vector.shape_cast %get3A_263 : vector<16xf32> to vector<1x1x16xf32>
      tpu.vector_store %arg8[%swap3A_278, %swap3A_279, %swap3A_280], %swap3A_283 {strides = array<i32>} : memref<2x128x64xf32, #tpu.memory_space<vmem>>, vector<1x1x16xf32>,
      %swap3A_284 = arith.constant 0 : i32
      %swap3A_285 = arith.index_cast %swap3A_284 : i32 to index
      %swap3A_286 = arith.index_cast %scan3A_245 : i32 to index
      %swap3A_287 = arith.constant 48 : index
      %swap3A_288 = tpu.vector_load %arg8[%swap3A_285, %swap3A_286, %swap3A_287] {strides = array<i32>} : memref<2x128x64xf32, #tpu.memory_space<vmem>>, vector<1x1x16xf32>,
      %swap3A_289 = vector.shape_cast %swap3A_288 : vector<1x1x16xf32> to vector<16xf32>
      %swap3A_290 = vector.shape_cast %get3A_15 : vector<16xf32> to vector<1x1x16xf32>
      tpu.vector_store %arg8[%swap3A_285, %swap3A_286, %swap3A_287], %swap3A_290 {strides = array<i32>} : memref<2x128x64xf32, #tpu.memory_space<vmem>>, vector<1x1x16xf32>,
      %scan3A_291 = arith.constant 1 : i32
      %scan3A_292 = arith.addi %scan3A_245, %scan3A_291 : i32
      %get3A_293 = arith.constant 0 : i32
      %get3A_294 = arith.index_cast %get3A_293 : i32 to index
      %get3A_295 = arith.index_cast %scan3A_292 : i32 to index
      %get3A_296 = arith.constant 0 : index
      %get3A_297 = tpu.vector_load %arg7[%get3A_294, %get3A_295, %get3A_296] {strides = array<i32>} : memref<2x128x128xf32, #tpu.memory_space<vmem>>, vector<1x1x16xf32>,
      %get3A_298 = vector.shape_cast %get3A_297 : vector<1x1x16xf32> to vector<16xf32>
      %get3A_299 = arith.constant 0 : i32
      %get3A_300 = arith.index_cast %get3A_299 : i32 to index
      %get3A_301 = arith.index_cast %scan3A_292 : i32 to index
      %get3A_302 = arith.constant 16 : index
      %get3A_303 = tpu.vector_load %arg7[%get3A_300, %get3A_301, %get3A_302] {strides = array<i32>} : memref<2x128x128xf32, #tpu.memory_space<vmem>>, vector<1x1x16xf32>,
      %get3A_304 = vector.shape_cast %get3A_303 : vector<1x1x16xf32> to vector<16xf32>
      %get3A_305 = arith.constant 0 : i32
      %get3A_306 = arith.index_cast %get3A_305 : i32 to index
      %get3A_307 = arith.index_cast %scan3A_292 : i32 to index
      %get3A_308 = arith.constant 32 : index
      %get3A_309 = tpu.vector_load %arg7[%get3A_306, %get3A_307, %get3A_308] {strides = array<i32>} : memref<2x128x128xf32, #tpu.memory_space<vmem>>, vector<1x1x16xf32>,
      %get3A_310 = vector.shape_cast %get3A_309 : vector<1x1x16xf32> to vector<16xf32>
      %swap3A_311 = arith.constant 0 : i32
      %swap3A_312 = arith.index_cast %swap3A_311 : i32 to index
      %swap3A_313 = arith.index_cast %scan3A_292 : i32 to index
      %swap3A_314 = arith.constant 0 : index
      %swap3A_315 = tpu.vector_load %arg8[%swap3A_312, %swap3A_313, %swap3A_314] {strides = array<i32>} : memref<2x128x64xf32, #tpu.memory_space<vmem>>, vector<1x1x16xf32>,
      %swap3A_316 = vector.shape_cast %swap3A_315 : vector<1x1x16xf32> to vector<16xf32>
      %swap3A_317 = vector.shape_cast %get3A_298 : vector<16xf32> to vector<1x1x16xf32>
      tpu.vector_store %arg8[%swap3A_312, %swap3A_313, %swap3A_314], %swap3A_317 {strides = array<i32>} : memref<2x128x64xf32, #tpu.memory_space<vmem>>, vector<1x1x16xf32>,
      %swap3A_318 = arith.constant 0 : i32
      %swap3A_319 = arith.index_cast %swap3A_318 : i32 to index
      %swap3A_320 = arith.index_cast %scan3A_292 : i32 to index
      %swap3A_321 = arith.constant 16 : index
      %swap3A_322 = tpu.vector_load %arg8[%swap3A_319, %swap3A_320, %swap3A_321] {strides = array<i32>} : memref<2x128x64xf32, #tpu.memory_space<vmem>>, vector<1x1x16xf32>,
      %swap3A_323 = vector.shape_cast %swap3A_322 : vector<1x1x16xf32> to vector<16xf32>
      %swap3A_324 = vector.shape_cast %get3A_304 : vector<16xf32> to vector<1x1x16xf32>
      tpu.vector_store %arg8[%swap3A_319, %swap3A_320, %swap3A_321], %swap3A_324 {strides = array<i32>} : memref<2x128x64xf32, #tpu.memory_space<vmem>>, vector<1x1x16xf32>,
      %swap3A_325 = arith.constant 0 : i32
      %swap3A_326 = arith.index_cast %swap3A_325 : i32 to index
      %swap3A_327 = arith.index_cast %scan3A_292 : i32 to index
      %swap3A_328 = arith.constant 32 : index
      %swap3A_329 = tpu.vector_load %arg8[%swap3A_326, %swap3A_327, %swap3A_328] {strides = array<i32>} : memref<2x128x64xf32, #tpu.memory_space<vmem>>, vector<1x1x16xf32>,
      %swap3A_330 = vector.shape_cast %swap3A_329 : vector<1x1x16xf32> to vector<16xf32>
      %swap3A_331 = vector.shape_cast %get3A_310 : vector<16xf32> to vector<1x1x16xf32>
      tpu.vector_store %arg8[%swap3A_326, %swap3A_327, %swap3A_328], %swap3A_331 {strides = array<i32>} : memref<2x128x64xf32, #tpu.memory_space<vmem>>, vector<1x1x16xf32>,
      %swap3A_332 = arith.constant 0 : i32
      %swap3A_333 = arith.index_cast %swap3A_332 : i32 to index
      %swap3A_334 = arith.index_cast %scan3A_292 : i32 to index
      %swap3A_335 = arith.constant 48 : index
      %swap3A_336 = tpu.vector_load %arg8[%swap3A_333, %swap3A_334, %swap3A_335] {strides = array<i32>} : memref<2x128x64xf32, #tpu.memory_space<vmem>>, vector<1x1x16xf32>,
      %swap3A_337 = vector.shape_cast %swap3A_336 : vector<1x1x16xf32> to vector<16xf32>
      %swap3A_338 = vector.shape_cast %get3A_15 : vector<16xf32> to vector<1x1x16xf32>
      tpu.vector_store %arg8[%swap3A_333, %swap3A_334, %swap3A_335], %swap3A_338 {strides = array<i32>} : memref<2x128x64xf32, #tpu.memory_space<vmem>>, vector<1x1x16xf32>,
      %scan3A_339 = arith.constant 2 : i32
      %scan3A_340 = arith.addi %scan3A_245, %scan3A_339 : i32
      %get3A_341 = arith.constant 0 : i32
      %get3A_342 = arith.index_cast %get3A_341 : i32 to index
      %get3A_343 = arith.index_cast %scan3A_340 : i32 to index
      %get3A_344 = arith.constant 0 : index
      %get3A_345 = tpu.vector_load %arg7[%get3A_342, %get3A_343, %get3A_344] {strides = array<i32>} : memref<2x128x128xf32, #tpu.memory_space<vmem>>, vector<1x1x16xf32>,
      %get3A_346 = vector.shape_cast %get3A_345 : vector<1x1x16xf32> to vector<16xf32>
      %get3A_347 = arith.constant 0 : i32
      %get3A_348 = arith.index_cast %get3A_347 : i32 to index
      %get3A_349 = arith.index_cast %scan3A_340 : i32 to index
      %get3A_350 = arith.constant 16 : index
      %get3A_351 = tpu.vector_load %arg7[%get3A_348, %get3A_349, %get3A_350] {strides = array<i32>} : memref<2x128x128xf32, #tpu.memory_space<vmem>>, vector<1x1x16xf32>,
      %get3A_352 = vector.shape_cast %get3A_351 : vector<1x1x16xf32> to vector<16xf32>
      %get3A_353 = arith.constant 0 : i32
      %get3A_354 = arith.index_cast %get3A_353 : i32 to index
      %get3A_355 = arith.index_cast %scan3A_340 : i32 to index
      %get3A_356 = arith.constant 32 : index
      %get3A_357 = tpu.vector_load %arg7[%get3A_354, %get3A_355, %get3A_356] {strides = array<i32>} : memref<2x128x128xf32, #tpu.memory_space<vmem>>, vector<1x1x16xf32>,
      %get3A_358 = vector.shape_cast %get3A_357 : vector<1x1x16xf32> to vector<16xf32>
      %swap3A_359 = arith.constant 0 : i32
      %swap3A_360 = arith.index_cast %swap3A_359 : i32 to index
      %swap3A_361 = arith.index_cast %scan3A_340 : i32 to index
      %swap3A_362 = arith.constant 0 : index
      %swap3A_363 = tpu.vector_load %arg8[%swap3A_360, %swap3A_361, %swap3A_362] {strides = array<i32>} : memref<2x128x64xf32, #tpu.memory_space<vmem>>, vector<1x1x16xf32>,
      %swap3A_364 = vector.shape_cast %swap3A_363 : vector<1x1x16xf32> to vector<16xf32>
      %swap3A_365 = vector.shape_cast %get3A_346 : vector<16xf32> to vector<1x1x16xf32>
      tpu.vector_store %arg8[%swap3A_360, %swap3A_361, %swap3A_362], %swap3A_365 {strides = array<i32>} : memref<2x128x64xf32, #tpu.memory_space<vmem>>, vector<1x1x16xf32>,
      %swap3A_366 = arith.constant 0 : i32
      %swap3A_367 = arith.index_cast %swap3A_366 : i32 to index
      %swap3A_368 = arith.index_cast %scan3A_340 : i32 to index
      %swap3A_369 = arith.constant 16 : index
      %swap3A_370 = tpu.vector_load %arg8[%swap3A_367, %swap3A_368, %swap3A_369] {strides = array<i32>} : memref<2x128x64xf32, #tpu.memory_space<vmem>>, vector<1x1x16xf32>,
      %swap3A_371 = vector.shape_cast %swap3A_370 : vector<1x1x16xf32> to vector<16xf32>
      %swap3A_372 = vector.shape_cast %get3A_352 : vector<16xf32> to vector<1x1x16xf32>
      tpu.vector_store %arg8[%swap3A_367, %swap3A_368, %swap3A_369], %swap3A_372 {strides = array<i32>} : memref<2x128x64xf32, #tpu.memory_space<vmem>>, vector<1x1x16xf32>,
      %swap3A_373 = arith.constant 0 : i32
      %swap3A_374 = arith.index_cast %swap3A_373 : i32 to index
      %swap3A_375 = arith.index_cast %scan3A_340 : i32 to index
      %swap3A_376 = arith.constant 32 : index
      %swap3A_377 = tpu.vector_load %arg8[%swap3A_374, %swap3A_375, %swap3A_376] {strides = array<i32>} : memref<2x128x64xf32, #tpu.memory_space<vmem>>, vector<1x1x16xf32>,
      %swap3A_378 = vector.shape_cast %swap3A_377 : vector<1x1x16xf32> to vector<16xf32>
      %swap3A_379 = vector.shape_cast %get3A_358 : vector<16xf32> to vector<1x1x16xf32>
      tpu.vector_store %arg8[%swap3A_374, %swap3A_375, %swap3A_376], %swap3A_379 {strides = array<i32>} : memref<2x128x64xf32, #tpu.memory_space<vmem>>, vector<1x1x16xf32>,
      %swap3A_380 = arith.constant 0 : i32
      %swap3A_381 = arith.index_cast %swap3A_380 : i32 to index
      %swap3A_382 = arith.index_cast %scan3A_340 : i32 to index
      %swap3A_383 = arith.constant 48 : index
      %swap3A_384 = tpu.vector_load %arg8[%swap3A_381, %swap3A_382, %swap3A_383] {strides = array<i32>} : memref<2x128x64xf32, #tpu.memory_space<vmem>>, vector<1x1x16xf32>,
      %swap3A_385 = vector.shape_cast %swap3A_384 : vector<1x1x16xf32> to vector<16xf32>
      %swap3A_386 = vector.shape_cast %get3A_15 : vector<16xf32> to vector<1x1x16xf32>
      tpu.vector_store %arg8[%swap3A_381, %swap3A_382, %swap3A_383], %swap3A_386 {strides = array<i32>} : memref<2x128x64xf32, #tpu.memory_space<vmem>>, vector<1x1x16xf32>,
      %scan3A_387 = arith.constant 3 : i32
      %scan3A_388 = arith.addi %scan3A_245, %scan3A_387 : i32
      %get3A_389 = arith.constant 0 : i32
      %get3A_390 = arith.index_cast %get3A_389 : i32 to index
      %get3A_391 = arith.index_cast %scan3A_388 : i32 to index
      %get3A_392 = arith.constant 0 : index
      %get3A_393 = tpu.vector_load %arg7[%get3A_390, %get3A_391, %get3A_392] {strides = array<i32>} : memref<2x128x128xf32, #tpu.memory_space<vmem>>, vector<1x1x16xf32>,
      %get3A_394 = vector.shape_cast %get3A_393 : vector<1x1x16xf32> to vector<16xf32>
      %get3A_395 = arith.constant 0 : i32
      %get3A_396 = arith.index_cast %get3A_395 : i32 to index
      %get3A_397 = arith.index_cast %scan3A_388 : i32 to index
      %get3A_398 = arith.constant 16 : index
      %get3A_399 = tpu.vector_load %arg7[%get3A_396, %get3A_397, %get3A_398] {strides = array<i32>} : memref<2x128x128xf32, #tpu.memory_space<vmem>>, vector<1x1x16xf32>,
      %get3A_400 = vector.shape_cast %get3A_399 : vector<1x1x16xf32> to vector<16xf32>
      %get3A_401 = arith.constant 0 : i32
      %get3A_402 = arith.index_cast %get3A_401 : i32 to index
      %get3A_403 = arith.index_cast %scan3A_388 : i32 to index
      %get3A_404 = arith.constant 32 : index
      %get3A_405 = tpu.vector_load %arg7[%get3A_402, %get3A_403, %get3A_404] {strides = array<i32>} : memref<2x128x128xf32, #tpu.memory_space<vmem>>, vector<1x1x16xf32>,
      %get3A_406 = vector.shape_cast %get3A_405 : vector<1x1x16xf32> to vector<16xf32>
      %swap3A_407 = arith.constant 0 : i32
      %swap3A_408 = arith.index_cast %swap3A_407 : i32 to index
      %swap3A_409 = arith.index_cast %scan3A_388 : i32 to index
      %swap3A_410 = arith.constant 0 : index
      %swap3A_411 = tpu.vector_load %arg8[%swap3A_408, %swap3A_409, %swap3A_410] {strides = array<i32>} : memref<2x128x64xf32, #tpu.memory_space<vmem>>, vector<1x1x16xf32>,
      %swap3A_412 = vector.shape_cast %swap3A_411 : vector<1x1x16xf32> to vector<16xf32>
      %swap3A_413 = vector.shape_cast %get3A_394 : vector<16xf32> to vector<1x1x16xf32>
      tpu.vector_store %arg8[%swap3A_408, %swap3A_409, %swap3A_410], %swap3A_413 {strides = array<i32>} : memref<2x128x64xf32, #tpu.memory_space<vmem>>, vector<1x1x16xf32>,
      %swap3A_414 = arith.constant 0 : i32
      %swap3A_415 = arith.index_cast %swap3A_414 : i32 to index
      %swap3A_416 = arith.index_cast %scan3A_388 : i32 to index
      %swap3A_417 = arith.constant 16 : index
      %swap3A_418 = tpu.vector_load %arg8[%swap3A_415, %swap3A_416, %swap3A_417] {strides = array<i32>} : memref<2x128x64xf32, #tpu.memory_space<vmem>>, vector<1x1x16xf32>,
      %swap3A_419 = vector.shape_cast %swap3A_418 : vector<1x1x16xf32> to vector<16xf32>
      %swap3A_420 = vector.shape_cast %get3A_400 : vector<16xf32> to vector<1x1x16xf32>
      tpu.vector_store %arg8[%swap3A_415, %swap3A_416, %swap3A_417], %swap3A_420 {strides = array<i32>} : memref<2x128x64xf32, #tpu.memory_space<vmem>>, vector<1x1x16xf32>,
      %swap3A_421 = arith.constant 0 : i32
      %swap3A_422 = arith.index_cast %swap3A_421 : i32 to index
      %swap3A_423 = arith.index_cast %scan3A_388 : i32 to index
      %swap3A_424 = arith.constant 32 : index
      %swap3A_425 = tpu.vector_load %arg8[%swap3A_422, %swap3A_423, %swap3A_424] {strides = array<i32>} : memref<2x128x64xf32, #tpu.memory_space<vmem>>, vector<1x1x16xf32>,
      %swap3A_426 = vector.shape_cast %swap3A_425 : vector<1x1x16xf32> to vector<16xf32>
      %swap3A_427 = vector.shape_cast %get3A_406 : vector<16xf32> to vector<1x1x16xf32>
      tpu.vector_store %arg8[%swap3A_422, %swap3A_423, %swap3A_424], %swap3A_427 {strides = array<i32>} : memref<2x128x64xf32, #tpu.memory_space<vmem>>, vector<1x1x16xf32>,
      %swap3A_428 = arith.constant 0 : i32
      %swap3A_429 = arith.index_cast %swap3A_428 : i32 to index
      %swap3A_430 = arith.index_cast %scan3A_388 : i32 to index
      %swap3A_431 = arith.constant 48 : index
      %swap3A_432 = tpu.vector_load %arg8[%swap3A_429, %swap3A_430, %swap3A_431] {strides = array<i32>} : memref<2x128x64xf32, #tpu.memory_space<vmem>>, vector<1x1x16xf32>,
      %swap3A_433 = vector.shape_cast %swap3A_432 : vector<1x1x16xf32> to vector<16xf32>
      %swap3A_434 = vector.shape_cast %get3A_15 : vector<16xf32> to vector<1x1x16xf32>
      tpu.vector_store %arg8[%swap3A_429, %swap3A_430, %swap3A_431], %swap3A_434 {strides = array<i32>} : memref<2x128x64xf32, #tpu.memory_space<vmem>>, vector<1x1x16xf32>,
      %scan3A_435 = arith.constant 4 : i32
      %scan3A_436 = arith.addi %scan3A_245, %scan3A_435 : i32
      %get3A_437 = arith.constant 0 : i32
      %get3A_438 = arith.index_cast %get3A_437 : i32 to index
      %get3A_439 = arith.index_cast %scan3A_436 : i32 to index
      %get3A_440 = arith.constant 0 : index
      %get3A_441 = tpu.vector_load %arg7[%get3A_438, %get3A_439, %get3A_440] {strides = array<i32>} : memref<2x128x128xf32, #tpu.memory_space<vmem>>, vector<1x1x16xf32>,
      %get3A_442 = vector.shape_cast %get3A_441 : vector<1x1x16xf32> to vector<16xf32>
      %get3A_443 = arith.constant 0 : i32
      %get3A_444 = arith.index_cast %get3A_443 : i32 to index
      %get3A_445 = arith.index_cast %scan3A_436 : i32 to index
      %get3A_446 = arith.constant 16 : index
      %get3A_447 = tpu.vector_load %arg7[%get3A_444, %get3A_445, %get3A_446] {strides = array<i32>} : memref<2x128x128xf32, #tpu.memory_space<vmem>>, vector<1x1x16xf32>,
      %get3A_448 = vector.shape_cast %get3A_447 : vector<1x1x16xf32> to vector<16xf32>
      %get3A_449 = arith.constant 0 : i32
      %get3A_450 = arith.index_cast %get3A_449 : i32 to index
      %get3A_451 = arith.index_cast %scan3A_436 : i32 to index
      %get3A_452 = arith.constant 32 : index
      %get3A_453 = tpu.vector_load %arg7[%get3A_450, %get3A_451, %get3A_452] {strides = array<i32>} : memref<2x128x128xf32, #tpu.memory_space<vmem>>, vector<1x1x16xf32>,
      %get3A_454 = vector.shape_cast %get3A_453 : vector<1x1x16xf32> to vector<16xf32>
      %swap3A_455 = arith.constant 0 : i32
      %swap3A_456 = arith.index_cast %swap3A_455 : i32 to index
      %swap3A_457 = arith.index_cast %scan3A_436 : i32 to index
      %swap3A_458 = arith.constant 0 : index
      %swap3A_459 = tpu.vector_load %arg8[%swap3A_456, %swap3A_457, %swap3A_458] {strides = array<i32>} : memref<2x128x64xf32, #tpu.memory_space<vmem>>, vector<1x1x16xf32>,
      %swap3A_460 = vector.shape_cast %swap3A_459 : vector<1x1x16xf32> to vector<16xf32>
      %swap3A_461 = vector.shape_cast %get3A_442 : vector<16xf32> to vector<1x1x16xf32>
      tpu.vector_store %arg8[%swap3A_456, %swap3A_457, %swap3A_458], %swap3A_461 {strides = array<i32>} : memref<2x128x64xf32, #tpu.memory_space<vmem>>, vector<1x1x16xf32>,
      %swap3A_462 = arith.constant 0 : i32
      %swap3A_463 = arith.index_cast %swap3A_462 : i32 to index
      %swap3A_464 = arith.index_cast %scan3A_436 : i32 to index
      %swap3A_465 = arith.constant 16 : index
      %swap3A_466 = tpu.vector_load %arg8[%swap3A_463, %swap3A_464, %swap3A_465] {strides = array<i32>} : memref<2x128x64xf32, #tpu.memory_space<vmem>>, vector<1x1x16xf32>,
      %swap3A_467 = vector.shape_cast %swap3A_466 : vector<1x1x16xf32> to vector<16xf32>
      %swap3A_468 = vector.shape_cast %get3A_448 : vector<16xf32> to vector<1x1x16xf32>
      tpu.vector_store %arg8[%swap3A_463, %swap3A_464, %swap3A_465], %swap3A_468 {strides = array<i32>} : memref<2x128x64xf32, #tpu.memory_space<vmem>>, vector<1x1x16xf32>,
      %swap3A_469 = arith.constant 0 : i32
      %swap3A_470 = arith.index_cast %swap3A_469 : i32 to index
      %swap3A_471 = arith.index_cast %scan3A_436 : i32 to index
      %swap3A_472 = arith.constant 32 : index
      %swap3A_473 = tpu.vector_load %arg8[%swap3A_470, %swap3A_471, %swap3A_472] {strides = array<i32>} : memref<2x128x64xf32, #tpu.memory_space<vmem>>, vector<1x1x16xf32>,
      %swap3A_474 = vector.shape_cast %swap3A_473 : vector<1x1x16xf32> to vector<16xf32>
      %swap3A_475 = vector.shape_cast %get3A_454 : vector<16xf32> to vector<1x1x16xf32>
      tpu.vector_store %arg8[%swap3A_470, %swap3A_471, %swap3A_472], %swap3A_475 {strides = array<i32>} : memref<2x128x64xf32, #tpu.memory_space<vmem>>, vector<1x1x16xf32>,
      %swap3A_476 = arith.constant 0 : i32
      %swap3A_477 = arith.index_cast %swap3A_476 : i32 to index
      %swap3A_478 = arith.index_cast %scan3A_436 : i32 to index
      %swap3A_479 = arith.constant 48 : index
      %swap3A_480 = tpu.vector_load %arg8[%swap3A_477, %swap3A_478, %swap3A_479] {strides = array<i32>} : memref<2x128x64xf32, #tpu.memory_space<vmem>>, vector<1x1x16xf32>,
      %swap3A_481 = vector.shape_cast %swap3A_480 : vector<1x1x16xf32> to vector<16xf32>
      %swap3A_482 = vector.shape_cast %get3A_15 : vector<16xf32> to vector<1x1x16xf32>
      tpu.vector_store %arg8[%swap3A_477, %swap3A_478, %swap3A_479], %swap3A_482 {strides = array<i32>} : memref<2x128x64xf32, #tpu.memory_space<vmem>>, vector<1x1x16xf32>,
      %scan3A_483 = arith.constant 5 : i32
      %scan3A_484 = arith.addi %scan3A_245, %scan3A_483 : i32
      %get3A_485 = arith.constant 0 : i32
      %get3A_486 = arith.index_cast %get3A_485 : i32 to index
      %get3A_487 = arith.index_cast %scan3A_484 : i32 to index
      %get3A_488 = arith.constant 0 : index
      %get3A_489 = tpu.vector_load %arg7[%get3A_486, %get3A_487, %get3A_488] {strides = array<i32>} : memref<2x128x128xf32, #tpu.memory_space<vmem>>, vector<1x1x16xf32>,
      %get3A_490 = vector.shape_cast %get3A_489 : vector<1x1x16xf32> to vector<16xf32>
      %get3A_491 = arith.constant 0 : i32
      %get3A_492 = arith.index_cast %get3A_491 : i32 to index
      %get3A_493 = arith.index_cast %scan3A_484 : i32 to index
      %get3A_494 = arith.constant 16 : index
      %get3A_495 = tpu.vector_load %arg7[%get3A_492, %get3A_493, %get3A_494] {strides = array<i32>} : memref<2x128x128xf32, #tpu.memory_space<vmem>>, vector<1x1x16xf32>,
      %get3A_496 = vector.shape_cast %get3A_495 : vector<1x1x16xf32> to vector<16xf32>
      %get3A_497 = arith.constant 0 : i32
      %get3A_498 = arith.index_cast %get3A_497 : i32 to index
      %get3A_499 = arith.index_cast %scan3A_484 : i32 to index
      %get3A_500 = arith.constant 32 : index
      %get3A_501 = tpu.vector_load %arg7[%get3A_498, %get3A_499, %get3A_500] {strides = array<i32>} : memref<2x128x128xf32, #tpu.memory_space<vmem>>, vector<1x1x16xf32>,
      %get3A_502 = vector.shape_cast %get3A_501 : vector<1x1x16xf32> to vector<16xf32>
      %swap3A_503 = arith.constant 0 : i32
      %swap3A_504 = arith.index_cast %swap3A_503 : i32 to index
      %swap3A_505 = arith.index_cast %scan3A_484 : i32 to index
      %swap3A_506 = arith.constant 0 : index
      %swap3A_507 = tpu.vector_load %arg8[%swap3A_504, %swap3A_505, %swap3A_506] {strides = array<i32>} : memref<2x128x64xf32, #tpu.memory_space<vmem>>, vector<1x1x16xf32>,
      %swap3A_508 = vector.shape_cast %swap3A_507 : vector<1x1x16xf32> to vector<16xf32>
      %swap3A_509 = vector.shape_cast %get3A_490 : vector<16xf32> to vector<1x1x16xf32>
      tpu.vector_store %arg8[%swap3A_504, %swap3A_505, %swap3A_506], %swap3A_509 {strides = array<i32>} : memref<2x128x64xf32, #tpu.memory_space<vmem>>, vector<1x1x16xf32>,
      %swap3A_510 = arith.constant 0 : i32
      %swap3A_511 = arith.index_cast %swap3A_510 : i32 to index
      %swap3A_512 = arith.index_cast %scan3A_484 : i32 to index
      %swap3A_513 = arith.constant 16 : index
      %swap3A_514 = tpu.vector_load %arg8[%swap3A_511, %swap3A_512, %swap3A_513] {strides = array<i32>} : memref<2x128x64xf32, #tpu.memory_space<vmem>>, vector<1x1x16xf32>,
      %swap3A_515 = vector.shape_cast %swap3A_514 : vector<1x1x16xf32> to vector<16xf32>
      %swap3A_516 = vector.shape_cast %get3A_496 : vector<16xf32> to vector<1x1x16xf32>
      tpu.vector_store %arg8[%swap3A_511, %swap3A_512, %swap3A_513], %swap3A_516 {strides = array<i32>} : memref<2x128x64xf32, #tpu.memory_space<vmem>>, vector<1x1x16xf32>,
      %swap3A_517 = arith.constant 0 : i32
      %swap3A_518 = arith.index_cast %swap3A_517 : i32 to index
      %swap3A_519 = arith.index_cast %scan3A_484 : i32 to index
      %swap3A_520 = arith.constant 32 : index
      %swap3A_521 = tpu.vector_load %arg8[%swap3A_518, %swap3A_519, %swap3A_520] {strides = array<i32>} : memref<2x128x64xf32, #tpu.memory_space<vmem>>, vector<1x1x16xf32>,
      %swap3A_522 = vector.shape_cast %swap3A_521 : vector<1x1x16xf32> to vector<16xf32>
      %swap3A_523 = vector.shape_cast %get3A_502 : vector<16xf32> to vector<1x1x16xf32>
      tpu.vector_store %arg8[%swap3A_518, %swap3A_519, %swap3A_520], %swap3A_523 {strides = array<i32>} : memref<2x128x64xf32, #tpu.memory_space<vmem>>, vector<1x1x16xf32>,
      %swap3A_524 = arith.constant 0 : i32
      %swap3A_525 = arith.index_cast %swap3A_524 : i32 to index
      %swap3A_526 = arith.index_cast %scan3A_484 : i32 to index
      %swap3A_527 = arith.constant 48 : index
      %swap3A_528 = tpu.vector_load %arg8[%swap3A_525, %swap3A_526, %swap3A_527] {strides = array<i32>} : memref<2x128x64xf32, #tpu.memory_space<vmem>>, vector<1x1x16xf32>,
      %swap3A_529 = vector.shape_cast %swap3A_528 : vector<1x1x16xf32> to vector<16xf32>
      %swap3A_530 = vector.shape_cast %get3A_15 : vector<16xf32> to vector<1x1x16xf32>
      tpu.vector_store %arg8[%swap3A_525, %swap3A_526, %swap3A_527], %swap3A_530 {strides = array<i32>} : memref<2x128x64xf32, #tpu.memory_space<vmem>>, vector<1x1x16xf32>,
      %scan3A_531 = arith.constant 6 : i32
      %scan3A_532 = arith.addi %scan3A_245, %scan3A_531 : i32
      %get3A_533 = arith.constant 0 : i32
      %get3A_534 = arith.index_cast %get3A_533 : i32 to index
      %get3A_535 = arith.index_cast %scan3A_532 : i32 to index
      %get3A_536 = arith.constant 0 : index
      %get3A_537 = tpu.vector_load %arg7[%get3A_534, %get3A_535, %get3A_536] {strides = array<i32>} : memref<2x128x128xf32, #tpu.memory_space<vmem>>, vector<1x1x16xf32>,
      %get3A_538 = vector.shape_cast %get3A_537 : vector<1x1x16xf32> to vector<16xf32>
      %get3A_539 = arith.constant 0 : i32
      %get3A_540 = arith.index_cast %get3A_539 : i32 to index
      %get3A_541 = arith.index_cast %scan3A_532 : i32 to index
      %get3A_542 = arith.constant 16 : index
      %get3A_543 = tpu.vector_load %arg7[%get3A_540, %get3A_541, %get3A_542] {strides = array<i32>} : memref<2x128x128xf32, #tpu.memory_space<vmem>>, vector<1x1x16xf32>,
      %get3A_544 = vector.shape_cast %get3A_543 : vector<1x1x16xf32> to vector<16xf32>
      %get3A_545 = arith.constant 0 : i32
      %get3A_546 = arith.index_cast %get3A_545 : i32 to index
      %get3A_547 = arith.index_cast %scan3A_532 : i32 to index
      %get3A_548 = arith.constant 32 : index
      %get3A_549 = tpu.vector_load %arg7[%get3A_546, %get3A_547, %get3A_548] {strides = array<i32>} : memref<2x128x128xf32, #tpu.memory_space<vmem>>, vector<1x1x16xf32>,
      %get3A_550 = vector.shape_cast %get3A_549 : vector<1x1x16xf32> to vector<16xf32>
      %swap3A_551 = arith.constant 0 : i32
      %swap3A_552 = arith.index_cast %swap3A_551 : i32 to index
      %swap3A_553 = arith.index_cast %scan3A_532 : i32 to index
      %swap3A_554 = arith.constant 0 : index
      %swap3A_555 = tpu.vector_load %arg8[%swap3A_552, %swap3A_553, %swap3A_554] {strides = array<i32>} : memref<2x128x64xf32, #tpu.memory_space<vmem>>, vector<1x1x16xf32>,
      %swap3A_556 = vector.shape_cast %swap3A_555 : vector<1x1x16xf32> to vector<16xf32>
      %swap3A_557 = vector.shape_cast %get3A_538 : vector<16xf32> to vector<1x1x16xf32>
      tpu.vector_store %arg8[%swap3A_552, %swap3A_553, %swap3A_554], %swap3A_557 {strides = array<i32>} : memref<2x128x64xf32, #tpu.memory_space<vmem>>, vector<1x1x16xf32>,
      %swap3A_558 = arith.constant 0 : i32
      %swap3A_559 = arith.index_cast %swap3A_558 : i32 to index
      %swap3A_560 = arith.index_cast %scan3A_532 : i32 to index
      %swap3A_561 = arith.constant 16 : index
      %swap3A_562 = tpu.vector_load %arg8[%swap3A_559, %swap3A_560, %swap3A_561] {strides = array<i32>} : memref<2x128x64xf32, #tpu.memory_space<vmem>>, vector<1x1x16xf32>,
      %swap3A_563 = vector.shape_cast %swap3A_562 : vector<1x1x16xf32> to vector<16xf32>
      %swap3A_564 = vector.shape_cast %get3A_544 : vector<16xf32> to vector<1x1x16xf32>
      tpu.vector_store %arg8[%swap3A_559, %swap3A_560, %swap3A_561], %swap3A_564 {strides = array<i32>} : memref<2x128x64xf32, #tpu.memory_space<vmem>>, vector<1x1x16xf32>,
      %swap3A_565 = arith.constant 0 : i32
      %swap3A_566 = arith.index_cast %swap3A_565 : i32 to index
      %swap3A_567 = arith.index_cast %scan3A_532 : i32 to index
      %swap3A_568 = arith.constant 32 : index
      %swap3A_569 = tpu.vector_load %arg8[%swap3A_566, %swap3A_567, %swap3A_568] {strides = array<i32>} : memref<2x128x64xf32, #tpu.memory_space<vmem>>, vector<1x1x16xf32>,
      %swap3A_570 = vector.shape_cast %swap3A_569 : vector<1x1x16xf32> to vector<16xf32>
      %swap3A_571 = vector.shape_cast %get3A_550 : vector<16xf32> to vector<1x1x16xf32>
      tpu.vector_store %arg8[%swap3A_566, %swap3A_567, %swap3A_568], %swap3A_571 {strides = array<i32>} : memref<2x128x64xf32, #tpu.memory_space<vmem>>, vector<1x1x16xf32>,
      %swap3A_572 = arith.constant 0 : i32
      %swap3A_573 = arith.index_cast %swap3A_572 : i32 to index
      %swap3A_574 = arith.index_cast %scan3A_532 : i32 to index
      %swap3A_575 = arith.constant 48 : index
      %swap3A_576 = tpu.vector_load %arg8[%swap3A_573, %swap3A_574, %swap3A_575] {strides = array<i32>} : memref<2x128x64xf32, #tpu.memory_space<vmem>>, vector<1x1x16xf32>,
      %swap3A_577 = vector.shape_cast %swap3A_576 : vector<1x1x16xf32> to vector<16xf32>
      %swap3A_578 = vector.shape_cast %get3A_15 : vector<16xf32> to vector<1x1x16xf32>
      tpu.vector_store %arg8[%swap3A_573, %swap3A_574, %swap3A_575], %swap3A_578 {strides = array<i32>} : memref<2x128x64xf32, #tpu.memory_space<vmem>>, vector<1x1x16xf32>,
      %scan3A_579 = arith.constant 7 : i32
      %scan3A_580 = arith.addi %scan3A_245, %scan3A_579 : i32
      %get3A_581 = arith.constant 0 : i32
      %get3A_582 = arith.index_cast %get3A_581 : i32 to index
      %get3A_583 = arith.index_cast %scan3A_580 : i32 to index
      %get3A_584 = arith.constant 0 : index
      %get3A_585 = tpu.vector_load %arg7[%get3A_582, %get3A_583, %get3A_584] {strides = array<i32>} : memref<2x128x128xf32, #tpu.memory_space<vmem>>, vector<1x1x16xf32>,
      %get3A_586 = vector.shape_cast %get3A_585 : vector<1x1x16xf32> to vector<16xf32>
      %get3A_587 = arith.constant 0 : i32
      %get3A_588 = arith.index_cast %get3A_587 : i32 to index
      %get3A_589 = arith.index_cast %scan3A_580 : i32 to index
      %get3A_590 = arith.constant 16 : index
      %get3A_591 = tpu.vector_load %arg7[%get3A_588, %get3A_589, %get3A_590] {strides = array<i32>} : memref<2x128x128xf32, #tpu.memory_space<vmem>>, vector<1x1x16xf32>,
      %get3A_592 = vector.shape_cast %get3A_591 : vector<1x1x16xf32> to vector<16xf32>
      %get3A_593 = arith.constant 0 : i32
      %get3A_594 = arith.index_cast %get3A_593 : i32 to index
      %get3A_595 = arith.index_cast %scan3A_580 : i32 to index
      %get3A_596 = arith.constant 32 : index
      %get3A_597 = tpu.vector_load %arg7[%get3A_594, %get3A_595, %get3A_596] {strides = array<i32>} : memref<2x128x128xf32, #tpu.memory_space<vmem>>, vector<1x1x16xf32>,
      %get3A_598 = vector.shape_cast %get3A_597 : vector<1x1x16xf32> to vector<16xf32>
      %swap3A_599 = arith.constant 0 : i32
      %swap3A_600 = arith.index_cast %swap3A_599 : i32 to index
      %swap3A_601 = arith.index_cast %scan3A_580 : i32 to index
      %swap3A_602 = arith.constant 0 : index
      %swap3A_603 = tpu.vector_load %arg8[%swap3A_600, %swap3A_601, %swap3A_602] {strides = array<i32>} : memref<2x128x64xf32, #tpu.memory_space<vmem>>, vector<1x1x16xf32>,
      %swap3A_604 = vector.shape_cast %swap3A_603 : vector<1x1x16xf32> to vector<16xf32>
      %swap3A_605 = vector.shape_cast %get3A_586 : vector<16xf32> to vector<1x1x16xf32>
      tpu.vector_store %arg8[%swap3A_600, %swap3A_601, %swap3A_602], %swap3A_605 {strides = array<i32>} : memref<2x128x64xf32, #tpu.memory_space<vmem>>, vector<1x1x16xf32>,
      %swap3A_606 = arith.constant 0 : i32
      %swap3A_607 = arith.index_cast %swap3A_606 : i32 to index
      %swap3A_608 = arith.index_cast %scan3A_580 : i32 to index
      %swap3A_609 = arith.constant 16 : index
      %swap3A_610 = tpu.vector_load %arg8[%swap3A_607, %swap3A_608, %swap3A_609] {strides = array<i32>} : memref<2x128x64xf32, #tpu.memory_space<vmem>>, vector<1x1x16xf32>,
      %swap3A_611 = vector.shape_cast %swap3A_610 : vector<1x1x16xf32> to vector<16xf32>
      %swap3A_612 = vector.shape_cast %get3A_592 : vector<16xf32> to vector<1x1x16xf32>
      tpu.vector_store %arg8[%swap3A_607, %swap3A_608, %swap3A_609], %swap3A_612 {strides = array<i32>} : memref<2x128x64xf32, #tpu.memory_space<vmem>>, vector<1x1x16xf32>,
      %swap3A_613 = arith.constant 0 : i32
      %swap3A_614 = arith.index_cast %swap3A_613 : i32 to index
      %swap3A_615 = arith.index_cast %scan3A_580 : i32 to index
      %swap3A_616 = arith.constant 32 : index
      %swap3A_617 = tpu.vector_load %arg8[%swap3A_614, %swap3A_615, %swap3A_616] {strides = array<i32>} : memref<2x128x64xf32, #tpu.memory_space<vmem>>, vector<1x1x16xf32>,
      %swap3A_618 = vector.shape_cast %swap3A_617 : vector<1x1x16xf32> to vector<16xf32>
      %swap3A_619 = vector.shape_cast %get3A_598 : vector<16xf32> to vector<1x1x16xf32>
      tpu.vector_store %arg8[%swap3A_614, %swap3A_615, %swap3A_616], %swap3A_619 {strides = array<i32>} : memref<2x128x64xf32, #tpu.memory_space<vmem>>, vector<1x1x16xf32>,
      %swap3A_620 = arith.constant 0 : i32
      %swap3A_621 = arith.index_cast %swap3A_620 : i32 to index
      %swap3A_622 = arith.index_cast %scan3A_580 : i32 to index
      %swap3A_623 = arith.constant 48 : index
      %swap3A_624 = tpu.vector_load %arg8[%swap3A_621, %swap3A_622, %swap3A_623] {strides = array<i32>} : memref<2x128x64xf32, #tpu.memory_space<vmem>>, vector<1x1x16xf32>,
      %swap3A_625 = vector.shape_cast %swap3A_624 : vector<1x1x16xf32> to vector<16xf32>
      %swap3A_626 = vector.shape_cast %get3A_15 : vector<16xf32> to vector<1x1x16xf32>
      tpu.vector_store %arg8[%swap3A_621, %swap3A_622, %swap3A_623], %swap3A_626 {strides = array<i32>} : memref<2x128x64xf32, #tpu.memory_space<vmem>>, vector<1x1x16xf32>,
    }
    %scan3A_157 = arith.constant 128 : i32
    %add3A_158 = arith.constant 256 : i32
    %add3A_159 = arith.addi %mul3A_2, %add3A_158 : i32
    %dma_start3A_160 = arith.constant 0 : i32
    %dma_start3A_161 = arith.constant 0 : i32
    %dma_start3A_162 = arith.constant 0 : i32
    %dma_start3A_163 = tpu.memref_slice %arg8[%dma_start3A_160, %dma_start3A_161, %dma_start3A_162] : memref<2x128x64xf32, #tpu.memory_space<vmem>> -> memref<1x128x64xf32, #tpu.memory_space<vmem>>
    %dma_start3A_164 = tpu.memref_squeeze %dma_start3A_163 : memref<1x128x64xf32, #tpu.memory_space<vmem>> -> memref<128x64xf32, #tpu.memory_space<vmem>>
    %dma_start3A_165 = arith.constant 0 : i32
    %dma_start3A_166 = tpu.memref_slice %arg5[%add3A_159, %dma_start3A_165] : memref<16384x64xf32, #tpu.memory_space<hbm>> -> memref<128x64xf32, #tpu.memory_space<hbm>>
    %dma_start3A_167 = arith.constant 0 : i32
    %dma_start3A_168 = tpu.memref_slice %arg5[%add3A_159, %dma_start3A_167] : memref<16384x64xf32, #tpu.memory_space<hbm>> -> memref<128x64xf32, #tpu.memory_space<hbm>>
    %dma_start3A_169 = arith.constant 0 : i32
    %dma_start3A_170 = arith.constant 0 : i32
    %dma_start3A_171 = tpu.memref_slice %arg8[%dma_start3A_160, %dma_start3A_169, %dma_start3A_170] : memref<2x128x64xf32, #tpu.memory_space<vmem>> -> memref<1x128x64xf32, #tpu.memory_space<vmem>>
    %dma_start3A_172 = tpu.memref_squeeze %dma_start3A_171 : memref<1x128x64xf32, #tpu.memory_space<vmem>> -> memref<128x64xf32, #tpu.memory_space<vmem>>
    tpu.enqueue_dma source(%dma_start3A_172 : memref<128x64xf32, #tpu.memory_space<vmem>>) target(%dma_start3A_168 : memref<128x64xf32, #tpu.memory_space<hbm>>) target_semaphore(%arg12 : memref<!tpu.dma_semaphore, #tpu.memory_space<semaphore_mem>>)
    %dma_wait3A_173 = arith.constant 3 : i32
    %dma_wait3A_174 = arith.constant 1 : i32
    %dma_wait3A_175 = arith.constant 0 : i32
    %dma_wait3A_176 = arith.constant 0 : i32
    %dma_wait3A_177 = tpu.memref_slice %arg7[%dma_wait3A_174, %dma_wait3A_175, %dma_wait3A_176] : memref<2x128x128xf32, #tpu.memory_space<vmem>> -> memref<1x128x128xf32, #tpu.memory_space<vmem>>
    %dma_wait3A_178 = tpu.memref_squeeze %dma_wait3A_177 : memref<1x128x128xf32, #tpu.memory_space<vmem>> -> memref<128x128xf32, #tpu.memory_space<vmem>>
    %dma_wait3A_179 = arith.constant 0 : i32
    %dma_wait3A_180 = tpu.memref_slice %arg6[%dma_wait3A_173, %dma_wait3A_179] : memref<4x128xi32, #tpu.memory_space<vmem>> -> memref<1x128xi32, #tpu.memory_space<vmem>>
    %dma_wait3A_181 = tpu.memref_squeeze %dma_wait3A_180 : memref<1x128xi32, #tpu.memory_space<vmem>> -> memref<128xi32, #tpu.memory_space<vmem>>
    %dma_wait3A_182 = arith.constant 0 : i32
    %dma_wait3A_183 = arith.constant 0 : i32
    %dma_wait3A_184 = tpu.memref_slice %arg3[%dma_wait3A_182, %dma_wait3A_183] : memref<100000x128xf32, #tpu.memory_space<hbm>> -> memref<100000x128xf32, #tpu.memory_space<hbm>>
    tpu.wait_indirect_dma semaphore(%arg10 : memref<!tpu.dma_semaphore, #tpu.memory_space<semaphore_mem>>) src(%dma_wait3A_184 : memref<100000x128xf32, #tpu.memory_space<hbm>>) dst(%dma_wait3A_178 : memref<128x128xf32, #tpu.memory_space<vmem>>)
    %dma_wait3A_185 = arith.constant 1 : i32
    %dma_wait3A_186 = arith.constant 0 : i32
    %dma_wait3A_187 = arith.constant 0 : i32
    %dma_wait3A_188 = tpu.memref_slice %arg8[%dma_wait3A_185, %dma_wait3A_186, %dma_wait3A_187] : memref<2x128x64xf32, #tpu.memory_space<vmem>> -> memref<1x128x64xf32, #tpu.memory_space<vmem>>
    %dma_wait3A_189 = tpu.memref_squeeze %dma_wait3A_188 : memref<1x128x64xf32, #tpu.memory_space<vmem>> -> memref<128x64xf32, #tpu.memory_space<vmem>>
    %dma_wait3A_190 = arith.constant 0 : i32
    %dma_wait3A_191 = tpu.memref_slice %arg5[%add3A_101, %dma_wait3A_190] : memref<16384x64xf32, #tpu.memory_space<hbm>> -> memref<128x64xf32, #tpu.memory_space<hbm>>
    %dma_wait3A_192 = arith.constant 0 : i32
    %dma_wait3A_193 = tpu.memref_slice %arg5[%add3A_101, %dma_wait3A_192] : memref<16384x64xf32, #tpu.memory_space<hbm>> -> memref<128x64xf32, #tpu.memory_space<hbm>>
    %dma_wait3A_194 = arith.constant 0 : i32
    %dma_wait3A_195 = arith.constant 0 : i32
    %dma_wait3A_196 = tpu.memref_slice %arg8[%dma_wait3A_185, %dma_wait3A_194, %dma_wait3A_195] : memref<2x128x64xf32, #tpu.memory_space<vmem>> -> memref<1x128x64xf32, #tpu.memory_space<vmem>>
    %dma_wait3A_197 = tpu.memref_squeeze %dma_wait3A_196 : memref<1x128x64xf32, #tpu.memory_space<vmem>> -> memref<128x64xf32, #tpu.memory_space<vmem>>
    tpu.wait_dma2 semaphore(%arg12 : memref<!tpu.dma_semaphore, #tpu.memory_space<semaphore_mem>>) src(%dma_wait3A_197 : memref<128x64xf32, #tpu.memory_space<vmem>>) dst(%dma_wait3A_193 : memref<128x64xf32, #tpu.memory_space<hbm>>)
    %scan3A_198 = arith.constant 0 : i32
    %scan3A_199 = arith.constant 0 : i32
    %scan3A_200 = arith.constant 128 : i32
    %scan3A_201 = arith.addi %scan3A_199, %scan3A_200 : i32
    %scan3A_202 = arith.constant 8 : i32
    scf.for %scan3A_245 = %scan3A_199 to %scan3A_201 step %scan3A_202  : i32 {
      %get3A_246 = arith.constant 1 : i32
      %get3A_247 = arith.index_cast %get3A_246 : i32 to index
      %get3A_248 = arith.index_cast %scan3A_245 : i32 to index
      %get3A_249 = arith.constant 0 : index
      %get3A_250 = tpu.vector_load %arg7[%get3A_247, %get3A_248, %get3A_249] {strides = array<i32>} : memref<2x128x128xf32, #tpu.memory_space<vmem>>, vector<1x1x16xf32>,
      %get3A_251 = vector.shape_cast %get3A_250 : vector<1x1x16xf32> to vector<16xf32>
      %get3A_252 = arith.constant 1 : i32
      %get3A_253 = arith.index_cast %get3A_252 : i32 to index
      %get3A_254 = arith.index_cast %scan3A_245 : i32 to index
      %get3A_255 = arith.constant 16 : index
      %get3A_256 = tpu.vector_load %arg7[%get3A_253, %get3A_254, %get3A_255] {strides = array<i32>} : memref<2x128x128xf32, #tpu.memory_space<vmem>>, vector<1x1x16xf32>,
      %get3A_257 = vector.shape_cast %get3A_256 : vector<1x1x16xf32> to vector<16xf32>
      %get3A_258 = arith.constant 1 : i32
      %get3A_259 = arith.index_cast %get3A_258 : i32 to index
      %get3A_260 = arith.index_cast %scan3A_245 : i32 to index
      %get3A_261 = arith.constant 32 : index
      %get3A_262 = tpu.vector_load %arg7[%get3A_259, %get3A_260, %get3A_261] {strides = array<i32>} : memref<2x128x128xf32, #tpu.memory_space<vmem>>, vector<1x1x16xf32>,
      %get3A_263 = vector.shape_cast %get3A_262 : vector<1x1x16xf32> to vector<16xf32>
      %swap3A = arith.constant 1 : i32
      %swap3A_264 = arith.index_cast %swap3A : i32 to index
      %swap3A_265 = arith.index_cast %scan3A_245 : i32 to index
      %swap3A_266 = arith.constant 0 : index
      %swap3A_267 = tpu.vector_load %arg8[%swap3A_264, %swap3A_265, %swap3A_266] {strides = array<i32>} : memref<2x128x64xf32, #tpu.memory_space<vmem>>, vector<1x1x16xf32>,
      %swap3A_268 = vector.shape_cast %swap3A_267 : vector<1x1x16xf32> to vector<16xf32>
      %swap3A_269 = vector.shape_cast %get3A_251 : vector<16xf32> to vector<1x1x16xf32>
      tpu.vector_store %arg8[%swap3A_264, %swap3A_265, %swap3A_266], %swap3A_269 {strides = array<i32>} : memref<2x128x64xf32, #tpu.memory_space<vmem>>, vector<1x1x16xf32>,
      %swap3A_270 = arith.constant 1 : i32
      %swap3A_271 = arith.index_cast %swap3A_270 : i32 to index
      %swap3A_272 = arith.index_cast %scan3A_245 : i32 to index
      %swap3A_273 = arith.constant 16 : index
      %swap3A_274 = tpu.vector_load %arg8[%swap3A_271, %swap3A_272, %swap3A_273] {strides = array<i32>} : memref<2x128x64xf32, #tpu.memory_space<vmem>>, vector<1x1x16xf32>,
      %swap3A_275 = vector.shape_cast %swap3A_274 : vector<1x1x16xf32> to vector<16xf32>
      %swap3A_276 = vector.shape_cast %get3A_257 : vector<16xf32> to vector<1x1x16xf32>
      tpu.vector_store %arg8[%swap3A_271, %swap3A_272, %swap3A_273], %swap3A_276 {strides = array<i32>} : memref<2x128x64xf32, #tpu.memory_space<vmem>>, vector<1x1x16xf32>,
      %swap3A_277 = arith.constant 1 : i32
      %swap3A_278 = arith.index_cast %swap3A_277 : i32 to index
      %swap3A_279 = arith.index_cast %scan3A_245 : i32 to index
      %swap3A_280 = arith.constant 32 : index
      %swap3A_281 = tpu.vector_load %arg8[%swap3A_278, %swap3A_279, %swap3A_280] {strides = array<i32>} : memref<2x128x64xf32, #tpu.memory_space<vmem>>, vector<1x1x16xf32>,
      %swap3A_282 = vector.shape_cast %swap3A_281 : vector<1x1x16xf32> to vector<16xf32>
      %swap3A_283 = vector.shape_cast %get3A_263 : vector<16xf32> to vector<1x1x16xf32>
      tpu.vector_store %arg8[%swap3A_278, %swap3A_279, %swap3A_280], %swap3A_283 {strides = array<i32>} : memref<2x128x64xf32, #tpu.memory_space<vmem>>, vector<1x1x16xf32>,
      %swap3A_284 = arith.constant 1 : i32
      %swap3A_285 = arith.index_cast %swap3A_284 : i32 to index
      %swap3A_286 = arith.index_cast %scan3A_245 : i32 to index
      %swap3A_287 = arith.constant 48 : index
      %swap3A_288 = tpu.vector_load %arg8[%swap3A_285, %swap3A_286, %swap3A_287] {strides = array<i32>} : memref<2x128x64xf32, #tpu.memory_space<vmem>>, vector<1x1x16xf32>,
      %swap3A_289 = vector.shape_cast %swap3A_288 : vector<1x1x16xf32> to vector<16xf32>
      %swap3A_290 = vector.shape_cast %get3A_15 : vector<16xf32> to vector<1x1x16xf32>
      tpu.vector_store %arg8[%swap3A_285, %swap3A_286, %swap3A_287], %swap3A_290 {strides = array<i32>} : memref<2x128x64xf32, #tpu.memory_space<vmem>>, vector<1x1x16xf32>,
      %scan3A_291 = arith.constant 1 : i32
      %scan3A_292 = arith.addi %scan3A_245, %scan3A_291 : i32
      %get3A_293 = arith.constant 1 : i32
      %get3A_294 = arith.index_cast %get3A_293 : i32 to index
      %get3A_295 = arith.index_cast %scan3A_292 : i32 to index
      %get3A_296 = arith.constant 0 : index
      %get3A_297 = tpu.vector_load %arg7[%get3A_294, %get3A_295, %get3A_296] {strides = array<i32>} : memref<2x128x128xf32, #tpu.memory_space<vmem>>, vector<1x1x16xf32>,
      %get3A_298 = vector.shape_cast %get3A_297 : vector<1x1x16xf32> to vector<16xf32>
      %get3A_299 = arith.constant 1 : i32
      %get3A_300 = arith.index_cast %get3A_299 : i32 to index
      %get3A_301 = arith.index_cast %scan3A_292 : i32 to index
      %get3A_302 = arith.constant 16 : index
      %get3A_303 = tpu.vector_load %arg7[%get3A_300, %get3A_301, %get3A_302] {strides = array<i32>} : memref<2x128x128xf32, #tpu.memory_space<vmem>>, vector<1x1x16xf32>,
      %get3A_304 = vector.shape_cast %get3A_303 : vector<1x1x16xf32> to vector<16xf32>
      %get3A_305 = arith.constant 1 : i32
      %get3A_306 = arith.index_cast %get3A_305 : i32 to index
      %get3A_307 = arith.index_cast %scan3A_292 : i32 to index
      %get3A_308 = arith.constant 32 : index
      %get3A_309 = tpu.vector_load %arg7[%get3A_306, %get3A_307, %get3A_308] {strides = array<i32>} : memref<2x128x128xf32, #tpu.memory_space<vmem>>, vector<1x1x16xf32>,
      %get3A_310 = vector.shape_cast %get3A_309 : vector<1x1x16xf32> to vector<16xf32>
      %swap3A_311 = arith.constant 1 : i32
      %swap3A_312 = arith.index_cast %swap3A_311 : i32 to index
      %swap3A_313 = arith.index_cast %scan3A_292 : i32 to index
      %swap3A_314 = arith.constant 0 : index
      %swap3A_315 = tpu.vector_load %arg8[%swap3A_312, %swap3A_313, %swap3A_314] {strides = array<i32>} : memref<2x128x64xf32, #tpu.memory_space<vmem>>, vector<1x1x16xf32>,
      %swap3A_316 = vector.shape_cast %swap3A_315 : vector<1x1x16xf32> to vector<16xf32>
      %swap3A_317 = vector.shape_cast %get3A_298 : vector<16xf32> to vector<1x1x16xf32>
      tpu.vector_store %arg8[%swap3A_312, %swap3A_313, %swap3A_314], %swap3A_317 {strides = array<i32>} : memref<2x128x64xf32, #tpu.memory_space<vmem>>, vector<1x1x16xf32>,
      %swap3A_318 = arith.constant 1 : i32
      %swap3A_319 = arith.index_cast %swap3A_318 : i32 to index
      %swap3A_320 = arith.index_cast %scan3A_292 : i32 to index
      %swap3A_321 = arith.constant 16 : index
      %swap3A_322 = tpu.vector_load %arg8[%swap3A_319, %swap3A_320, %swap3A_321] {strides = array<i32>} : memref<2x128x64xf32, #tpu.memory_space<vmem>>, vector<1x1x16xf32>,
      %swap3A_323 = vector.shape_cast %swap3A_322 : vector<1x1x16xf32> to vector<16xf32>
      %swap3A_324 = vector.shape_cast %get3A_304 : vector<16xf32> to vector<1x1x16xf32>
      tpu.vector_store %arg8[%swap3A_319, %swap3A_320, %swap3A_321], %swap3A_324 {strides = array<i32>} : memref<2x128x64xf32, #tpu.memory_space<vmem>>, vector<1x1x16xf32>,
      %swap3A_325 = arith.constant 1 : i32
      %swap3A_326 = arith.index_cast %swap3A_325 : i32 to index
      %swap3A_327 = arith.index_cast %scan3A_292 : i32 to index
      %swap3A_328 = arith.constant 32 : index
      %swap3A_329 = tpu.vector_load %arg8[%swap3A_326, %swap3A_327, %swap3A_328] {strides = array<i32>} : memref<2x128x64xf32, #tpu.memory_space<vmem>>, vector<1x1x16xf32>,
      %swap3A_330 = vector.shape_cast %swap3A_329 : vector<1x1x16xf32> to vector<16xf32>
      %swap3A_331 = vector.shape_cast %get3A_310 : vector<16xf32> to vector<1x1x16xf32>
      tpu.vector_store %arg8[%swap3A_326, %swap3A_327, %swap3A_328], %swap3A_331 {strides = array<i32>} : memref<2x128x64xf32, #tpu.memory_space<vmem>>, vector<1x1x16xf32>,
      %swap3A_332 = arith.constant 1 : i32
      %swap3A_333 = arith.index_cast %swap3A_332 : i32 to index
      %swap3A_334 = arith.index_cast %scan3A_292 : i32 to index
      %swap3A_335 = arith.constant 48 : index
      %swap3A_336 = tpu.vector_load %arg8[%swap3A_333, %swap3A_334, %swap3A_335] {strides = array<i32>} : memref<2x128x64xf32, #tpu.memory_space<vmem>>, vector<1x1x16xf32>,
      %swap3A_337 = vector.shape_cast %swap3A_336 : vector<1x1x16xf32> to vector<16xf32>
      %swap3A_338 = vector.shape_cast %get3A_15 : vector<16xf32> to vector<1x1x16xf32>
      tpu.vector_store %arg8[%swap3A_333, %swap3A_334, %swap3A_335], %swap3A_338 {strides = array<i32>} : memref<2x128x64xf32, #tpu.memory_space<vmem>>, vector<1x1x16xf32>,
      %scan3A_339 = arith.constant 2 : i32
      %scan3A_340 = arith.addi %scan3A_245, %scan3A_339 : i32
      %get3A_341 = arith.constant 1 : i32
      %get3A_342 = arith.index_cast %get3A_341 : i32 to index
      %get3A_343 = arith.index_cast %scan3A_340 : i32 to index
      %get3A_344 = arith.constant 0 : index
      %get3A_345 = tpu.vector_load %arg7[%get3A_342, %get3A_343, %get3A_344] {strides = array<i32>} : memref<2x128x128xf32, #tpu.memory_space<vmem>>, vector<1x1x16xf32>,
      %get3A_346 = vector.shape_cast %get3A_345 : vector<1x1x16xf32> to vector<16xf32>
      %get3A_347 = arith.constant 1 : i32
      %get3A_348 = arith.index_cast %get3A_347 : i32 to index
      %get3A_349 = arith.index_cast %scan3A_340 : i32 to index
      %get3A_350 = arith.constant 16 : index
      %get3A_351 = tpu.vector_load %arg7[%get3A_348, %get3A_349, %get3A_350] {strides = array<i32>} : memref<2x128x128xf32, #tpu.memory_space<vmem>>, vector<1x1x16xf32>,
      %get3A_352 = vector.shape_cast %get3A_351 : vector<1x1x16xf32> to vector<16xf32>
      %get3A_353 = arith.constant 1 : i32
      %get3A_354 = arith.index_cast %get3A_353 : i32 to index
      %get3A_355 = arith.index_cast %scan3A_340 : i32 to index
      %get3A_356 = arith.constant 32 : index
      %get3A_357 = tpu.vector_load %arg7[%get3A_354, %get3A_355, %get3A_356] {strides = array<i32>} : memref<2x128x128xf32, #tpu.memory_space<vmem>>, vector<1x1x16xf32>,
      %get3A_358 = vector.shape_cast %get3A_357 : vector<1x1x16xf32> to vector<16xf32>
      %swap3A_359 = arith.constant 1 : i32
      %swap3A_360 = arith.index_cast %swap3A_359 : i32 to index
      %swap3A_361 = arith.index_cast %scan3A_340 : i32 to index
      %swap3A_362 = arith.constant 0 : index
      %swap3A_363 = tpu.vector_load %arg8[%swap3A_360, %swap3A_361, %swap3A_362] {strides = array<i32>} : memref<2x128x64xf32, #tpu.memory_space<vmem>>, vector<1x1x16xf32>,
      %swap3A_364 = vector.shape_cast %swap3A_363 : vector<1x1x16xf32> to vector<16xf32>
      %swap3A_365 = vector.shape_cast %get3A_346 : vector<16xf32> to vector<1x1x16xf32>
      tpu.vector_store %arg8[%swap3A_360, %swap3A_361, %swap3A_362], %swap3A_365 {strides = array<i32>} : memref<2x128x64xf32, #tpu.memory_space<vmem>>, vector<1x1x16xf32>,
      %swap3A_366 = arith.constant 1 : i32
      %swap3A_367 = arith.index_cast %swap3A_366 : i32 to index
      %swap3A_368 = arith.index_cast %scan3A_340 : i32 to index
      %swap3A_369 = arith.constant 16 : index
      %swap3A_370 = tpu.vector_load %arg8[%swap3A_367, %swap3A_368, %swap3A_369] {strides = array<i32>} : memref<2x128x64xf32, #tpu.memory_space<vmem>>, vector<1x1x16xf32>,
      %swap3A_371 = vector.shape_cast %swap3A_370 : vector<1x1x16xf32> to vector<16xf32>
      %swap3A_372 = vector.shape_cast %get3A_352 : vector<16xf32> to vector<1x1x16xf32>
      tpu.vector_store %arg8[%swap3A_367, %swap3A_368, %swap3A_369], %swap3A_372 {strides = array<i32>} : memref<2x128x64xf32, #tpu.memory_space<vmem>>, vector<1x1x16xf32>,
      %swap3A_373 = arith.constant 1 : i32
      %swap3A_374 = arith.index_cast %swap3A_373 : i32 to index
      %swap3A_375 = arith.index_cast %scan3A_340 : i32 to index
      %swap3A_376 = arith.constant 32 : index
      %swap3A_377 = tpu.vector_load %arg8[%swap3A_374, %swap3A_375, %swap3A_376] {strides = array<i32>} : memref<2x128x64xf32, #tpu.memory_space<vmem>>, vector<1x1x16xf32>,
      %swap3A_378 = vector.shape_cast %swap3A_377 : vector<1x1x16xf32> to vector<16xf32>
      %swap3A_379 = vector.shape_cast %get3A_358 : vector<16xf32> to vector<1x1x16xf32>
      tpu.vector_store %arg8[%swap3A_374, %swap3A_375, %swap3A_376], %swap3A_379 {strides = array<i32>} : memref<2x128x64xf32, #tpu.memory_space<vmem>>, vector<1x1x16xf32>,
      %swap3A_380 = arith.constant 1 : i32
      %swap3A_381 = arith.index_cast %swap3A_380 : i32 to index
      %swap3A_382 = arith.index_cast %scan3A_340 : i32 to index
      %swap3A_383 = arith.constant 48 : index
      %swap3A_384 = tpu.vector_load %arg8[%swap3A_381, %swap3A_382, %swap3A_383] {strides = array<i32>} : memref<2x128x64xf32, #tpu.memory_space<vmem>>, vector<1x1x16xf32>,
      %swap3A_385 = vector.shape_cast %swap3A_384 : vector<1x1x16xf32> to vector<16xf32>
      %swap3A_386 = vector.shape_cast %get3A_15 : vector<16xf32> to vector<1x1x16xf32>
      tpu.vector_store %arg8[%swap3A_381, %swap3A_382, %swap3A_383], %swap3A_386 {strides = array<i32>} : memref<2x128x64xf32, #tpu.memory_space<vmem>>, vector<1x1x16xf32>,
      %scan3A_387 = arith.constant 3 : i32
      %scan3A_388 = arith.addi %scan3A_245, %scan3A_387 : i32
      %get3A_389 = arith.constant 1 : i32
      %get3A_390 = arith.index_cast %get3A_389 : i32 to index
      %get3A_391 = arith.index_cast %scan3A_388 : i32 to index
      %get3A_392 = arith.constant 0 : index
      %get3A_393 = tpu.vector_load %arg7[%get3A_390, %get3A_391, %get3A_392] {strides = array<i32>} : memref<2x128x128xf32, #tpu.memory_space<vmem>>, vector<1x1x16xf32>,
      %get3A_394 = vector.shape_cast %get3A_393 : vector<1x1x16xf32> to vector<16xf32>
      %get3A_395 = arith.constant 1 : i32
      %get3A_396 = arith.index_cast %get3A_395 : i32 to index
      %get3A_397 = arith.index_cast %scan3A_388 : i32 to index
      %get3A_398 = arith.constant 16 : index
      %get3A_399 = tpu.vector_load %arg7[%get3A_396, %get3A_397, %get3A_398] {strides = array<i32>} : memref<2x128x128xf32, #tpu.memory_space<vmem>>, vector<1x1x16xf32>,
      %get3A_400 = vector.shape_cast %get3A_399 : vector<1x1x16xf32> to vector<16xf32>
      %get3A_401 = arith.constant 1 : i32
      %get3A_402 = arith.index_cast %get3A_401 : i32 to index
      %get3A_403 = arith.index_cast %scan3A_388 : i32 to index
      %get3A_404 = arith.constant 32 : index
      %get3A_405 = tpu.vector_load %arg7[%get3A_402, %get3A_403, %get3A_404] {strides = array<i32>} : memref<2x128x128xf32, #tpu.memory_space<vmem>>, vector<1x1x16xf32>,
      %get3A_406 = vector.shape_cast %get3A_405 : vector<1x1x16xf32> to vector<16xf32>
      %swap3A_407 = arith.constant 1 : i32
      %swap3A_408 = arith.index_cast %swap3A_407 : i32 to index
      %swap3A_409 = arith.index_cast %scan3A_388 : i32 to index
      %swap3A_410 = arith.constant 0 : index
      %swap3A_411 = tpu.vector_load %arg8[%swap3A_408, %swap3A_409, %swap3A_410] {strides = array<i32>} : memref<2x128x64xf32, #tpu.memory_space<vmem>>, vector<1x1x16xf32>,
      %swap3A_412 = vector.shape_cast %swap3A_411 : vector<1x1x16xf32> to vector<16xf32>
      %swap3A_413 = vector.shape_cast %get3A_394 : vector<16xf32> to vector<1x1x16xf32>
      tpu.vector_store %arg8[%swap3A_408, %swap3A_409, %swap3A_410], %swap3A_413 {strides = array<i32>} : memref<2x128x64xf32, #tpu.memory_space<vmem>>, vector<1x1x16xf32>,
      %swap3A_414 = arith.constant 1 : i32
      %swap3A_415 = arith.index_cast %swap3A_414 : i32 to index
      %swap3A_416 = arith.index_cast %scan3A_388 : i32 to index
      %swap3A_417 = arith.constant 16 : index
      %swap3A_418 = tpu.vector_load %arg8[%swap3A_415, %swap3A_416, %swap3A_417] {strides = array<i32>} : memref<2x128x64xf32, #tpu.memory_space<vmem>>, vector<1x1x16xf32>,
      %swap3A_419 = vector.shape_cast %swap3A_418 : vector<1x1x16xf32> to vector<16xf32>
      %swap3A_420 = vector.shape_cast %get3A_400 : vector<16xf32> to vector<1x1x16xf32>
      tpu.vector_store %arg8[%swap3A_415, %swap3A_416, %swap3A_417], %swap3A_420 {strides = array<i32>} : memref<2x128x64xf32, #tpu.memory_space<vmem>>, vector<1x1x16xf32>,
      %swap3A_421 = arith.constant 1 : i32
      %swap3A_422 = arith.index_cast %swap3A_421 : i32 to index
      %swap3A_423 = arith.index_cast %scan3A_388 : i32 to index
      %swap3A_424 = arith.constant 32 : index
      %swap3A_425 = tpu.vector_load %arg8[%swap3A_422, %swap3A_423, %swap3A_424] {strides = array<i32>} : memref<2x128x64xf32, #tpu.memory_space<vmem>>, vector<1x1x16xf32>,
      %swap3A_426 = vector.shape_cast %swap3A_425 : vector<1x1x16xf32> to vector<16xf32>
      %swap3A_427 = vector.shape_cast %get3A_406 : vector<16xf32> to vector<1x1x16xf32>
      tpu.vector_store %arg8[%swap3A_422, %swap3A_423, %swap3A_424], %swap3A_427 {strides = array<i32>} : memref<2x128x64xf32, #tpu.memory_space<vmem>>, vector<1x1x16xf32>,
      %swap3A_428 = arith.constant 1 : i32
      %swap3A_429 = arith.index_cast %swap3A_428 : i32 to index
      %swap3A_430 = arith.index_cast %scan3A_388 : i32 to index
      %swap3A_431 = arith.constant 48 : index
      %swap3A_432 = tpu.vector_load %arg8[%swap3A_429, %swap3A_430, %swap3A_431] {strides = array<i32>} : memref<2x128x64xf32, #tpu.memory_space<vmem>>, vector<1x1x16xf32>,
      %swap3A_433 = vector.shape_cast %swap3A_432 : vector<1x1x16xf32> to vector<16xf32>
      %swap3A_434 = vector.shape_cast %get3A_15 : vector<16xf32> to vector<1x1x16xf32>
      tpu.vector_store %arg8[%swap3A_429, %swap3A_430, %swap3A_431], %swap3A_434 {strides = array<i32>} : memref<2x128x64xf32, #tpu.memory_space<vmem>>, vector<1x1x16xf32>,
      %scan3A_435 = arith.constant 4 : i32
      %scan3A_436 = arith.addi %scan3A_245, %scan3A_435 : i32
      %get3A_437 = arith.constant 1 : i32
      %get3A_438 = arith.index_cast %get3A_437 : i32 to index
      %get3A_439 = arith.index_cast %scan3A_436 : i32 to index
      %get3A_440 = arith.constant 0 : index
      %get3A_441 = tpu.vector_load %arg7[%get3A_438, %get3A_439, %get3A_440] {strides = array<i32>} : memref<2x128x128xf32, #tpu.memory_space<vmem>>, vector<1x1x16xf32>,
      %get3A_442 = vector.shape_cast %get3A_441 : vector<1x1x16xf32> to vector<16xf32>
      %get3A_443 = arith.constant 1 : i32
      %get3A_444 = arith.index_cast %get3A_443 : i32 to index
      %get3A_445 = arith.index_cast %scan3A_436 : i32 to index
      %get3A_446 = arith.constant 16 : index
      %get3A_447 = tpu.vector_load %arg7[%get3A_444, %get3A_445, %get3A_446] {strides = array<i32>} : memref<2x128x128xf32, #tpu.memory_space<vmem>>, vector<1x1x16xf32>,
      %get3A_448 = vector.shape_cast %get3A_447 : vector<1x1x16xf32> to vector<16xf32>
      %get3A_449 = arith.constant 1 : i32
      %get3A_450 = arith.index_cast %get3A_449 : i32 to index
      %get3A_451 = arith.index_cast %scan3A_436 : i32 to index
      %get3A_452 = arith.constant 32 : index
      %get3A_453 = tpu.vector_load %arg7[%get3A_450, %get3A_451, %get3A_452] {strides = array<i32>} : memref<2x128x128xf32, #tpu.memory_space<vmem>>, vector<1x1x16xf32>,
      %get3A_454 = vector.shape_cast %get3A_453 : vector<1x1x16xf32> to vector<16xf32>
      %swap3A_455 = arith.constant 1 : i32
      %swap3A_456 = arith.index_cast %swap3A_455 : i32 to index
      %swap3A_457 = arith.index_cast %scan3A_436 : i32 to index
      %swap3A_458 = arith.constant 0 : index
      %swap3A_459 = tpu.vector_load %arg8[%swap3A_456, %swap3A_457, %swap3A_458] {strides = array<i32>} : memref<2x128x64xf32, #tpu.memory_space<vmem>>, vector<1x1x16xf32>,
      %swap3A_460 = vector.shape_cast %swap3A_459 : vector<1x1x16xf32> to vector<16xf32>
      %swap3A_461 = vector.shape_cast %get3A_442 : vector<16xf32> to vector<1x1x16xf32>
      tpu.vector_store %arg8[%swap3A_456, %swap3A_457, %swap3A_458], %swap3A_461 {strides = array<i32>} : memref<2x128x64xf32, #tpu.memory_space<vmem>>, vector<1x1x16xf32>,
      %swap3A_462 = arith.constant 1 : i32
      %swap3A_463 = arith.index_cast %swap3A_462 : i32 to index
      %swap3A_464 = arith.index_cast %scan3A_436 : i32 to index
      %swap3A_465 = arith.constant 16 : index
      %swap3A_466 = tpu.vector_load %arg8[%swap3A_463, %swap3A_464, %swap3A_465] {strides = array<i32>} : memref<2x128x64xf32, #tpu.memory_space<vmem>>, vector<1x1x16xf32>,
      %swap3A_467 = vector.shape_cast %swap3A_466 : vector<1x1x16xf32> to vector<16xf32>
      %swap3A_468 = vector.shape_cast %get3A_448 : vector<16xf32> to vector<1x1x16xf32>
      tpu.vector_store %arg8[%swap3A_463, %swap3A_464, %swap3A_465], %swap3A_468 {strides = array<i32>} : memref<2x128x64xf32, #tpu.memory_space<vmem>>, vector<1x1x16xf32>,
      %swap3A_469 = arith.constant 1 : i32
      %swap3A_470 = arith.index_cast %swap3A_469 : i32 to index
      %swap3A_471 = arith.index_cast %scan3A_436 : i32 to index
      %swap3A_472 = arith.constant 32 : index
      %swap3A_473 = tpu.vector_load %arg8[%swap3A_470, %swap3A_471, %swap3A_472] {strides = array<i32>} : memref<2x128x64xf32, #tpu.memory_space<vmem>>, vector<1x1x16xf32>,
      %swap3A_474 = vector.shape_cast %swap3A_473 : vector<1x1x16xf32> to vector<16xf32>
      %swap3A_475 = vector.shape_cast %get3A_454 : vector<16xf32> to vector<1x1x16xf32>
      tpu.vector_store %arg8[%swap3A_470, %swap3A_471, %swap3A_472], %swap3A_475 {strides = array<i32>} : memref<2x128x64xf32, #tpu.memory_space<vmem>>, vector<1x1x16xf32>,
      %swap3A_476 = arith.constant 1 : i32
      %swap3A_477 = arith.index_cast %swap3A_476 : i32 to index
      %swap3A_478 = arith.index_cast %scan3A_436 : i32 to index
      %swap3A_479 = arith.constant 48 : index
      %swap3A_480 = tpu.vector_load %arg8[%swap3A_477, %swap3A_478, %swap3A_479] {strides = array<i32>} : memref<2x128x64xf32, #tpu.memory_space<vmem>>, vector<1x1x16xf32>,
      %swap3A_481 = vector.shape_cast %swap3A_480 : vector<1x1x16xf32> to vector<16xf32>
      %swap3A_482 = vector.shape_cast %get3A_15 : vector<16xf32> to vector<1x1x16xf32>
      tpu.vector_store %arg8[%swap3A_477, %swap3A_478, %swap3A_479], %swap3A_482 {strides = array<i32>} : memref<2x128x64xf32, #tpu.memory_space<vmem>>, vector<1x1x16xf32>,
      %scan3A_483 = arith.constant 5 : i32
      %scan3A_484 = arith.addi %scan3A_245, %scan3A_483 : i32
      %get3A_485 = arith.constant 1 : i32
      %get3A_486 = arith.index_cast %get3A_485 : i32 to index
      %get3A_487 = arith.index_cast %scan3A_484 : i32 to index
      %get3A_488 = arith.constant 0 : index
      %get3A_489 = tpu.vector_load %arg7[%get3A_486, %get3A_487, %get3A_488] {strides = array<i32>} : memref<2x128x128xf32, #tpu.memory_space<vmem>>, vector<1x1x16xf32>,
      %get3A_490 = vector.shape_cast %get3A_489 : vector<1x1x16xf32> to vector<16xf32>
      %get3A_491 = arith.constant 1 : i32
      %get3A_492 = arith.index_cast %get3A_491 : i32 to index
      %get3A_493 = arith.index_cast %scan3A_484 : i32 to index
      %get3A_494 = arith.constant 16 : index
      %get3A_495 = tpu.vector_load %arg7[%get3A_492, %get3A_493, %get3A_494] {strides = array<i32>} : memref<2x128x128xf32, #tpu.memory_space<vmem>>, vector<1x1x16xf32>,
      %get3A_496 = vector.shape_cast %get3A_495 : vector<1x1x16xf32> to vector<16xf32>
      %get3A_497 = arith.constant 1 : i32
      %get3A_498 = arith.index_cast %get3A_497 : i32 to index
      %get3A_499 = arith.index_cast %scan3A_484 : i32 to index
      %get3A_500 = arith.constant 32 : index
      %get3A_501 = tpu.vector_load %arg7[%get3A_498, %get3A_499, %get3A_500] {strides = array<i32>} : memref<2x128x128xf32, #tpu.memory_space<vmem>>, vector<1x1x16xf32>,
      %get3A_502 = vector.shape_cast %get3A_501 : vector<1x1x16xf32> to vector<16xf32>
      %swap3A_503 = arith.constant 1 : i32
      %swap3A_504 = arith.index_cast %swap3A_503 : i32 to index
      %swap3A_505 = arith.index_cast %scan3A_484 : i32 to index
      %swap3A_506 = arith.constant 0 : index
      %swap3A_507 = tpu.vector_load %arg8[%swap3A_504, %swap3A_505, %swap3A_506] {strides = array<i32>} : memref<2x128x64xf32, #tpu.memory_space<vmem>>, vector<1x1x16xf32>,
      %swap3A_508 = vector.shape_cast %swap3A_507 : vector<1x1x16xf32> to vector<16xf32>
      %swap3A_509 = vector.shape_cast %get3A_490 : vector<16xf32> to vector<1x1x16xf32>
      tpu.vector_store %arg8[%swap3A_504, %swap3A_505, %swap3A_506], %swap3A_509 {strides = array<i32>} : memref<2x128x64xf32, #tpu.memory_space<vmem>>, vector<1x1x16xf32>,
      %swap3A_510 = arith.constant 1 : i32
      %swap3A_511 = arith.index_cast %swap3A_510 : i32 to index
      %swap3A_512 = arith.index_cast %scan3A_484 : i32 to index
      %swap3A_513 = arith.constant 16 : index
      %swap3A_514 = tpu.vector_load %arg8[%swap3A_511, %swap3A_512, %swap3A_513] {strides = array<i32>} : memref<2x128x64xf32, #tpu.memory_space<vmem>>, vector<1x1x16xf32>,
      %swap3A_515 = vector.shape_cast %swap3A_514 : vector<1x1x16xf32> to vector<16xf32>
      %swap3A_516 = vector.shape_cast %get3A_496 : vector<16xf32> to vector<1x1x16xf32>
      tpu.vector_store %arg8[%swap3A_511, %swap3A_512, %swap3A_513], %swap3A_516 {strides = array<i32>} : memref<2x128x64xf32, #tpu.memory_space<vmem>>, vector<1x1x16xf32>,
      %swap3A_517 = arith.constant 1 : i32
      %swap3A_518 = arith.index_cast %swap3A_517 : i32 to index
      %swap3A_519 = arith.index_cast %scan3A_484 : i32 to index
      %swap3A_520 = arith.constant 32 : index
      %swap3A_521 = tpu.vector_load %arg8[%swap3A_518, %swap3A_519, %swap3A_520] {strides = array<i32>} : memref<2x128x64xf32, #tpu.memory_space<vmem>>, vector<1x1x16xf32>,
      %swap3A_522 = vector.shape_cast %swap3A_521 : vector<1x1x16xf32> to vector<16xf32>
      %swap3A_523 = vector.shape_cast %get3A_502 : vector<16xf32> to vector<1x1x16xf32>
      tpu.vector_store %arg8[%swap3A_518, %swap3A_519, %swap3A_520], %swap3A_523 {strides = array<i32>} : memref<2x128x64xf32, #tpu.memory_space<vmem>>, vector<1x1x16xf32>,
      %swap3A_524 = arith.constant 1 : i32
      %swap3A_525 = arith.index_cast %swap3A_524 : i32 to index
      %swap3A_526 = arith.index_cast %scan3A_484 : i32 to index
      %swap3A_527 = arith.constant 48 : index
      %swap3A_528 = tpu.vector_load %arg8[%swap3A_525, %swap3A_526, %swap3A_527] {strides = array<i32>} : memref<2x128x64xf32, #tpu.memory_space<vmem>>, vector<1x1x16xf32>,
      %swap3A_529 = vector.shape_cast %swap3A_528 : vector<1x1x16xf32> to vector<16xf32>
      %swap3A_530 = vector.shape_cast %get3A_15 : vector<16xf32> to vector<1x1x16xf32>
      tpu.vector_store %arg8[%swap3A_525, %swap3A_526, %swap3A_527], %swap3A_530 {strides = array<i32>} : memref<2x128x64xf32, #tpu.memory_space<vmem>>, vector<1x1x16xf32>,
      %scan3A_531 = arith.constant 6 : i32
      %scan3A_532 = arith.addi %scan3A_245, %scan3A_531 : i32
      %get3A_533 = arith.constant 1 : i32
      %get3A_534 = arith.index_cast %get3A_533 : i32 to index
      %get3A_535 = arith.index_cast %scan3A_532 : i32 to index
      %get3A_536 = arith.constant 0 : index
      %get3A_537 = tpu.vector_load %arg7[%get3A_534, %get3A_535, %get3A_536] {strides = array<i32>} : memref<2x128x128xf32, #tpu.memory_space<vmem>>, vector<1x1x16xf32>,
      %get3A_538 = vector.shape_cast %get3A_537 : vector<1x1x16xf32> to vector<16xf32>
      %get3A_539 = arith.constant 1 : i32
      %get3A_540 = arith.index_cast %get3A_539 : i32 to index
      %get3A_541 = arith.index_cast %scan3A_532 : i32 to index
      %get3A_542 = arith.constant 16 : index
      %get3A_543 = tpu.vector_load %arg7[%get3A_540, %get3A_541, %get3A_542] {strides = array<i32>} : memref<2x128x128xf32, #tpu.memory_space<vmem>>, vector<1x1x16xf32>,
      %get3A_544 = vector.shape_cast %get3A_543 : vector<1x1x16xf32> to vector<16xf32>
      %get3A_545 = arith.constant 1 : i32
      %get3A_546 = arith.index_cast %get3A_545 : i32 to index
      %get3A_547 = arith.index_cast %scan3A_532 : i32 to index
      %get3A_548 = arith.constant 32 : index
      %get3A_549 = tpu.vector_load %arg7[%get3A_546, %get3A_547, %get3A_548] {strides = array<i32>} : memref<2x128x128xf32, #tpu.memory_space<vmem>>, vector<1x1x16xf32>,
      %get3A_550 = vector.shape_cast %get3A_549 : vector<1x1x16xf32> to vector<16xf32>
      %swap3A_551 = arith.constant 1 : i32
      %swap3A_552 = arith.index_cast %swap3A_551 : i32 to index
      %swap3A_553 = arith.index_cast %scan3A_532 : i32 to index
      %swap3A_554 = arith.constant 0 : index
      %swap3A_555 = tpu.vector_load %arg8[%swap3A_552, %swap3A_553, %swap3A_554] {strides = array<i32>} : memref<2x128x64xf32, #tpu.memory_space<vmem>>, vector<1x1x16xf32>,
      %swap3A_556 = vector.shape_cast %swap3A_555 : vector<1x1x16xf32> to vector<16xf32>
      %swap3A_557 = vector.shape_cast %get3A_538 : vector<16xf32> to vector<1x1x16xf32>
      tpu.vector_store %arg8[%swap3A_552, %swap3A_553, %swap3A_554], %swap3A_557 {strides = array<i32>} : memref<2x128x64xf32, #tpu.memory_space<vmem>>, vector<1x1x16xf32>,
      %swap3A_558 = arith.constant 1 : i32
      %swap3A_559 = arith.index_cast %swap3A_558 : i32 to index
      %swap3A_560 = arith.index_cast %scan3A_532 : i32 to index
      %swap3A_561 = arith.constant 16 : index
      %swap3A_562 = tpu.vector_load %arg8[%swap3A_559, %swap3A_560, %swap3A_561] {strides = array<i32>} : memref<2x128x64xf32, #tpu.memory_space<vmem>>, vector<1x1x16xf32>,
      %swap3A_563 = vector.shape_cast %swap3A_562 : vector<1x1x16xf32> to vector<16xf32>
      %swap3A_564 = vector.shape_cast %get3A_544 : vector<16xf32> to vector<1x1x16xf32>
      tpu.vector_store %arg8[%swap3A_559, %swap3A_560, %swap3A_561], %swap3A_564 {strides = array<i32>} : memref<2x128x64xf32, #tpu.memory_space<vmem>>, vector<1x1x16xf32>,
      %swap3A_565 = arith.constant 1 : i32
      %swap3A_566 = arith.index_cast %swap3A_565 : i32 to index
      %swap3A_567 = arith.index_cast %scan3A_532 : i32 to index
      %swap3A_568 = arith.constant 32 : index
      %swap3A_569 = tpu.vector_load %arg8[%swap3A_566, %swap3A_567, %swap3A_568] {strides = array<i32>} : memref<2x128x64xf32, #tpu.memory_space<vmem>>, vector<1x1x16xf32>,
      %swap3A_570 = vector.shape_cast %swap3A_569 : vector<1x1x16xf32> to vector<16xf32>
      %swap3A_571 = vector.shape_cast %get3A_550 : vector<16xf32> to vector<1x1x16xf32>
      tpu.vector_store %arg8[%swap3A_566, %swap3A_567, %swap3A_568], %swap3A_571 {strides = array<i32>} : memref<2x128x64xf32, #tpu.memory_space<vmem>>, vector<1x1x16xf32>,
      %swap3A_572 = arith.constant 1 : i32
      %swap3A_573 = arith.index_cast %swap3A_572 : i32 to index
      %swap3A_574 = arith.index_cast %scan3A_532 : i32 to index
      %swap3A_575 = arith.constant 48 : index
      %swap3A_576 = tpu.vector_load %arg8[%swap3A_573, %swap3A_574, %swap3A_575] {strides = array<i32>} : memref<2x128x64xf32, #tpu.memory_space<vmem>>, vector<1x1x16xf32>,
      %swap3A_577 = vector.shape_cast %swap3A_576 : vector<1x1x16xf32> to vector<16xf32>
      %swap3A_578 = vector.shape_cast %get3A_15 : vector<16xf32> to vector<1x1x16xf32>
      tpu.vector_store %arg8[%swap3A_573, %swap3A_574, %swap3A_575], %swap3A_578 {strides = array<i32>} : memref<2x128x64xf32, #tpu.memory_space<vmem>>, vector<1x1x16xf32>,
      %scan3A_579 = arith.constant 7 : i32
      %scan3A_580 = arith.addi %scan3A_245, %scan3A_579 : i32
      %get3A_581 = arith.constant 1 : i32
      %get3A_582 = arith.index_cast %get3A_581 : i32 to index
      %get3A_583 = arith.index_cast %scan3A_580 : i32 to index
      %get3A_584 = arith.constant 0 : index
      %get3A_585 = tpu.vector_load %arg7[%get3A_582, %get3A_583, %get3A_584] {strides = array<i32>} : memref<2x128x128xf32, #tpu.memory_space<vmem>>, vector<1x1x16xf32>,
      %get3A_586 = vector.shape_cast %get3A_585 : vector<1x1x16xf32> to vector<16xf32>
      %get3A_587 = arith.constant 1 : i32
      %get3A_588 = arith.index_cast %get3A_587 : i32 to index
      %get3A_589 = arith.index_cast %scan3A_580 : i32 to index
      %get3A_590 = arith.constant 16 : index
      %get3A_591 = tpu.vector_load %arg7[%get3A_588, %get3A_589, %get3A_590] {strides = array<i32>} : memref<2x128x128xf32, #tpu.memory_space<vmem>>, vector<1x1x16xf32>,
      %get3A_592 = vector.shape_cast %get3A_591 : vector<1x1x16xf32> to vector<16xf32>
      %get3A_593 = arith.constant 1 : i32
      %get3A_594 = arith.index_cast %get3A_593 : i32 to index
      %get3A_595 = arith.index_cast %scan3A_580 : i32 to index
      %get3A_596 = arith.constant 32 : index
      %get3A_597 = tpu.vector_load %arg7[%get3A_594, %get3A_595, %get3A_596] {strides = array<i32>} : memref<2x128x128xf32, #tpu.memory_space<vmem>>, vector<1x1x16xf32>,
      %get3A_598 = vector.shape_cast %get3A_597 : vector<1x1x16xf32> to vector<16xf32>
      %swap3A_599 = arith.constant 1 : i32
      %swap3A_600 = arith.index_cast %swap3A_599 : i32 to index
      %swap3A_601 = arith.index_cast %scan3A_580 : i32 to index
      %swap3A_602 = arith.constant 0 : index
      %swap3A_603 = tpu.vector_load %arg8[%swap3A_600, %swap3A_601, %swap3A_602] {strides = array<i32>} : memref<2x128x64xf32, #tpu.memory_space<vmem>>, vector<1x1x16xf32>,
      %swap3A_604 = vector.shape_cast %swap3A_603 : vector<1x1x16xf32> to vector<16xf32>
      %swap3A_605 = vector.shape_cast %get3A_586 : vector<16xf32> to vector<1x1x16xf32>
      tpu.vector_store %arg8[%swap3A_600, %swap3A_601, %swap3A_602], %swap3A_605 {strides = array<i32>} : memref<2x128x64xf32, #tpu.memory_space<vmem>>, vector<1x1x16xf32>,
      %swap3A_606 = arith.constant 1 : i32
      %swap3A_607 = arith.index_cast %swap3A_606 : i32 to index
      %swap3A_608 = arith.index_cast %scan3A_580 : i32 to index
      %swap3A_609 = arith.constant 16 : index
      %swap3A_610 = tpu.vector_load %arg8[%swap3A_607, %swap3A_608, %swap3A_609] {strides = array<i32>} : memref<2x128x64xf32, #tpu.memory_space<vmem>>, vector<1x1x16xf32>,
      %swap3A_611 = vector.shape_cast %swap3A_610 : vector<1x1x16xf32> to vector<16xf32>
      %swap3A_612 = vector.shape_cast %get3A_592 : vector<16xf32> to vector<1x1x16xf32>
      tpu.vector_store %arg8[%swap3A_607, %swap3A_608, %swap3A_609], %swap3A_612 {strides = array<i32>} : memref<2x128x64xf32, #tpu.memory_space<vmem>>, vector<1x1x16xf32>,
      %swap3A_613 = arith.constant 1 : i32
      %swap3A_614 = arith.index_cast %swap3A_613 : i32 to index
      %swap3A_615 = arith.index_cast %scan3A_580 : i32 to index
      %swap3A_616 = arith.constant 32 : index
      %swap3A_617 = tpu.vector_load %arg8[%swap3A_614, %swap3A_615, %swap3A_616] {strides = array<i32>} : memref<2x128x64xf32, #tpu.memory_space<vmem>>, vector<1x1x16xf32>,
      %swap3A_618 = vector.shape_cast %swap3A_617 : vector<1x1x16xf32> to vector<16xf32>
      %swap3A_619 = vector.shape_cast %get3A_598 : vector<16xf32> to vector<1x1x16xf32>
      tpu.vector_store %arg8[%swap3A_614, %swap3A_615, %swap3A_616], %swap3A_619 {strides = array<i32>} : memref<2x128x64xf32, #tpu.memory_space<vmem>>, vector<1x1x16xf32>,
      %swap3A_620 = arith.constant 1 : i32
      %swap3A_621 = arith.index_cast %swap3A_620 : i32 to index
      %swap3A_622 = arith.index_cast %scan3A_580 : i32 to index
      %swap3A_623 = arith.constant 48 : index
      %swap3A_624 = tpu.vector_load %arg8[%swap3A_621, %swap3A_622, %swap3A_623] {strides = array<i32>} : memref<2x128x64xf32, #tpu.memory_space<vmem>>, vector<1x1x16xf32>,
      %swap3A_625 = vector.shape_cast %swap3A_624 : vector<1x1x16xf32> to vector<16xf32>
      %swap3A_626 = vector.shape_cast %get3A_15 : vector<16xf32> to vector<1x1x16xf32>
      tpu.vector_store %arg8[%swap3A_621, %swap3A_622, %swap3A_623], %swap3A_626 {strides = array<i32>} : memref<2x128x64xf32, #tpu.memory_space<vmem>>, vector<1x1x16xf32>,
    }
    %scan3A_203 = arith.constant 128 : i32
    %add3A_204 = arith.constant 384 : i32
    %add3A_205 = arith.addi %mul3A_2, %add3A_204 : i32
    %dma_start3A_206 = arith.constant 1 : i32
    %dma_start3A_207 = arith.constant 0 : i32
    %dma_start3A_208 = arith.constant 0 : i32
    %dma_start3A_209 = tpu.memref_slice %arg8[%dma_start3A_206, %dma_start3A_207, %dma_start3A_208] : memref<2x128x64xf32, #tpu.memory_space<vmem>> -> memref<1x128x64xf32, #tpu.memory_space<vmem>>
    %dma_start3A_210 = tpu.memref_squeeze %dma_start3A_209 : memref<1x128x64xf32, #tpu.memory_space<vmem>> -> memref<128x64xf32, #tpu.memory_space<vmem>>
    %dma_start3A_211 = arith.constant 0 : i32
    %dma_start3A_212 = tpu.memref_slice %arg5[%add3A_205, %dma_start3A_211] : memref<16384x64xf32, #tpu.memory_space<hbm>> -> memref<128x64xf32, #tpu.memory_space<hbm>>
    %dma_start3A_213 = arith.constant 0 : i32
    %dma_start3A_214 = tpu.memref_slice %arg5[%add3A_205, %dma_start3A_213] : memref<16384x64xf32, #tpu.memory_space<hbm>> -> memref<128x64xf32, #tpu.memory_space<hbm>>
    %dma_start3A_215 = arith.constant 0 : i32
    %dma_start3A_216 = arith.constant 0 : i32
    %dma_start3A_217 = tpu.memref_slice %arg8[%dma_start3A_206, %dma_start3A_215, %dma_start3A_216] : memref<2x128x64xf32, #tpu.memory_space<vmem>> -> memref<1x128x64xf32, #tpu.memory_space<vmem>>
    %dma_start3A_218 = tpu.memref_squeeze %dma_start3A_217 : memref<1x128x64xf32, #tpu.memory_space<vmem>> -> memref<128x64xf32, #tpu.memory_space<vmem>>
    tpu.enqueue_dma source(%dma_start3A_218 : memref<128x64xf32, #tpu.memory_space<vmem>>) target(%dma_start3A_214 : memref<128x64xf32, #tpu.memory_space<hbm>>) target_semaphore(%arg12 : memref<!tpu.dma_semaphore, #tpu.memory_space<semaphore_mem>>)
    %dma_wait3A_219 = arith.constant 0 : i32
    %dma_wait3A_220 = arith.constant 0 : i32
    %dma_wait3A_221 = arith.constant 0 : i32
    %dma_wait3A_222 = tpu.memref_slice %arg8[%dma_wait3A_219, %dma_wait3A_220, %dma_wait3A_221] : memref<2x128x64xf32, #tpu.memory_space<vmem>> -> memref<1x128x64xf32, #tpu.memory_space<vmem>>
    %dma_wait3A_223 = tpu.memref_squeeze %dma_wait3A_222 : memref<1x128x64xf32, #tpu.memory_space<vmem>> -> memref<128x64xf32, #tpu.memory_space<vmem>>
    %dma_wait3A_224 = arith.constant 0 : i32
    %dma_wait3A_225 = tpu.memref_slice %arg5[%add3A_159, %dma_wait3A_224] : memref<16384x64xf32, #tpu.memory_space<hbm>> -> memref<128x64xf32, #tpu.memory_space<hbm>>
    %dma_wait3A_226 = arith.constant 0 : i32
    %dma_wait3A_227 = tpu.memref_slice %arg5[%add3A_159, %dma_wait3A_226] : memref<16384x64xf32, #tpu.memory_space<hbm>> -> memref<128x64xf32, #tpu.memory_space<hbm>>
    %dma_wait3A_228 = arith.constant 0 : i32
    %dma_wait3A_229 = arith.constant 0 : i32
    %dma_wait3A_230 = tpu.memref_slice %arg8[%dma_wait3A_219, %dma_wait3A_228, %dma_wait3A_229] : memref<2x128x64xf32, #tpu.memory_space<vmem>> -> memref<1x128x64xf32, #tpu.memory_space<vmem>>
    %dma_wait3A_231 = tpu.memref_squeeze %dma_wait3A_230 : memref<1x128x64xf32, #tpu.memory_space<vmem>> -> memref<128x64xf32, #tpu.memory_space<vmem>>
    tpu.wait_dma2 semaphore(%arg12 : memref<!tpu.dma_semaphore, #tpu.memory_space<semaphore_mem>>) src(%dma_wait3A_231 : memref<128x64xf32, #tpu.memory_space<vmem>>) dst(%dma_wait3A_227 : memref<128x64xf32, #tpu.memory_space<hbm>>)
    %dma_wait3A_232 = arith.constant 1 : i32
    %dma_wait3A_233 = arith.constant 0 : i32
    %dma_wait3A_234 = arith.constant 0 : i32
    %dma_wait3A_235 = tpu.memref_slice %arg8[%dma_wait3A_232, %dma_wait3A_233, %dma_wait3A_234] : memref<2x128x64xf32, #tpu.memory_space<vmem>> -> memref<1x128x64xf32, #tpu.memory_space<vmem>>
    %dma_wait3A_236 = tpu.memref_squeeze %dma_wait3A_235 : memref<1x128x64xf32, #tpu.memory_space<vmem>> -> memref<128x64xf32, #tpu.memory_space<vmem>>
    %dma_wait3A_237 = arith.constant 0 : i32
    %dma_wait3A_238 = tpu.memref_slice %arg5[%add3A_205, %dma_wait3A_237] : memref<16384x64xf32, #tpu.memory_space<hbm>> -> memref<128x64xf32, #tpu.memory_space<hbm>>
    %dma_wait3A_239 = arith.constant 0 : i32
    %dma_wait3A_240 = tpu.memref_slice %arg5[%add3A_205, %dma_wait3A_239] : memref<16384x64xf32, #tpu.memory_space<hbm>> -> memref<128x64xf32, #tpu.memory_space<hbm>>
    %dma_wait3A_241 = arith.constant 0 : i32
    %dma_wait3A_242 = arith.constant 0 : i32
    %dma_wait3A_243 = tpu.memref_slice %arg8[%dma_wait3A_232, %dma_wait3A_241, %dma_wait3A_242] : memref<2x128x64xf32, #tpu.memory_space<vmem>> -> memref<1x128x64xf32, #tpu.memory_space<vmem>>
    %dma_wait3A_244 = tpu.memref_squeeze %dma_wait3A_243 : memref<1x128x64xf32, #tpu.memory_space<vmem>> -> memref<128x64xf32, #tpu.memory_space<vmem>>
    tpu.wait_dma2 semaphore(%arg12 : memref<!tpu.dma_semaphore, #tpu.memory_space<semaphore_mem>>) src(%dma_wait3A_244 : memref<128x64xf32, #tpu.memory_space<vmem>>) dst(%dma_wait3A_240 : memref<128x64xf32, #tpu.memory_space<hbm>>)
    return
  }
}

</mosaic_0001>

<sc_bundles>
// kernel: kernel.3.cloned.1.call-start
scs
__scs_entry_jumppad:
0x0: {  	(pc) =	sbr.rel $0x88, $3  }
0x1: {  	(tag) =	ssettag $0x0;
	lr =	simm.s32 $0x1  }
0x2: {  	[smem:$0x3F9E] =	sst lr;
	_ =	strace $0xD0000000  }
0x3: {  	_ = 	snop  }
0x4: {  	_ = 	snop  }
0x5: {  	_ = 	snop  }
0x6: {  	_ = 	snop  }
0x7: {  	_ = 	snop  }
__scs_overlays_trampoline_lowered:
0x8: {  	[smem:$0x3FAD] =	sst s0  }
0x9: {  	[smem:$0x3FAE] =	sst s1  }
0xa: {  	[smem:$0x3FAF] =	sst s2  }
0xb: {  	[smem:$0x3FB0] =	sst s3  }
0xc: {  	[smem:$0x3FB1] =	sst s4  }
0xd: {  	[smem:$0x3FB2] =	sst s5  }
0xe: {  	[smem:$0x3FB3] =	sst s6  }
0xf: {  	[smem:$0x3FB4] =	sst s7  }
0x10: {  	[smem:$0x3FB5] =	sst s8  }
0x11: {  	[smem:$0x3FB6] =	sst s9;
	s0 =	simm.s32 @!p0 $0x0  }
0x12: {  	s1 =	sld [smem:$0x3F9C];
	s0 =	simm.s32 @p0 $0x1  }
0x13: {  	[smem:$0x3FB7] =	sst s0;
	s0 =	simm.s32 @!p1 $0x0  }
0x14: {  	s2 =	sld [smem:$0x3F9B];
	s0 =	simm.s32 @p1 $0x1  }
0x15: {  	[smem:$0x3FB8] =	sst s0;
	s0 =	simm.s32 @!p2 $0x0  }
0x16: {  	s3 =	sld [smem:$0x3FDB];
	s0 =	simm.s32 @p2 $0x1  }
0x17: {  	s4 =	simm.s32 $0x1BF5;
	[smem:$0x3FBA] =	sst s0  }
0x18: {  	s0 =	sld [smem:$0x3F9D];
	_ =	swait.ge [sflag:s4], $0x0  }
0x19: {  	s7 =	sld [smem:$0x3F9E]  }
0x1a: {  	s8 =	sadd.s32 $0xFFFFE003, lr  }
0x1b: {  	s9 =	sadd.s32 $0xFFFFFEF7, lr;
	s5 =	simm.s32 $0xFFFFFFFF;
	p2 =	slt.u32 s8, $0xFFFFF086  }
0x1c: {  	p1 =	slt.u32 s9, $0xF7A;
	s5 =	simm.s32 @!p2 $0x0  }
0x1d: {  	s5 =	simm.s32 @p1 $0x1;
	p0 =	seq.s32 s7, s2  }
0x1e: {  	s7 =	smul.u32 @!p0 $0xF7A, s2;
	p2 =	seq.s32 @!p0 s5, $0x0  }
0x1f: {  	s9 =	smul.u32 $0xF7A, s1;
	s8 =	simm.s32 @!p0 $0x1BF5;
	p2 =	por !p2, p0  }
0x20: {  	[sflag:s8] =	ssyncset.s32 @!p0 $0xFFFFF086;
	s6 =	sadd.s32 @!p0 s3, s7;
	s7 =	simm.s32 @!p0 $0x108  }
0x21: {  	s3 =	sadd.s32 s3, s9;
	s6 =	sadd.s32 @!p0 $0x88, s6;
	s7 =	simm.s32 @p2 $0x1082  }
0x22: {  	[simem:s7], [sflag:s8] =	dma.local @!p0 [hbm:s6], $0xF7A  }
0x23: {  	s9 =	sor.u32 $0xD0000000, s2;
	s6 =	simm.s32 $0x108;
	_ =	swait.ge @!p0 [sflag:s8], $0x0  }
0x24: {  	s3 =	sadd.s32 $0x88, s3;
	s6 =	simm.s32 @!p1 $0x1082;
	[sflag:s4] =	ssyncset.s32 $0xFFFFF086  }
0x25: {  	[simem:s6], [sflag:s4] =	dma.local [hbm:s3], $0xF7A  }
0x26: {  	[smem:$0x3F9E] =	sst s1;
	(tag) =	ssettag s2;
	_ =	strace s9  }
0x27: {  	s1 =	sld [smem:$0x3FAE]  }
0x28: {  	s2 =	sld [smem:$0x3FAF]  }
0x29: {  	s4 =	sld [smem:$0x3FB1]  }
0x2a: {  	p0 =	seq.s32 s5, $0x0;
	s5 =	sld [smem:$0x3FB2]  }
0x2b: {  	s6 =	sld [smem:$0x3FB3]  }
0x2c: {  	s7 =	sld [smem:$0x3FB4]  }
0x2d: {  	s3 =	simm.s32 $0x108;
	s8 =	sld [smem:$0x3FB5]  }
0x2e: {  	s3 =	simm.s32 @!p0 $0x1082;
	s9 =	sld [smem:$0x3FB6]  }
0x2f: {  	lr =	sadd.s32 s0, s3;
	s0 =	sld [smem:$0x3FAD]  }
0x30: {  	s3 =	sld [smem:$0x3FB0]  }
0x31: {  	[smem:$0x3FB9] =	sst s10  }
0x32: {  	s10 =	sld [smem:$0x3FB7];
	_ =	sdelay $0x3  }
0x33: {  	p0 =	seq.s32 s10, $0x1;
	s10 =	sld [smem:$0x3FB9];
	_ =	sdelay $0x3  }
0x34: {  	[smem:$0x3FB9] =	sst s10  }
0x35: {  	s10 =	sld [smem:$0x3FB8];
	_ =	sdelay $0x3  }
0x36: {  	p1 =	seq.s32 s10, $0x1;
	s10 =	sld [smem:$0x3FB9];
	_ =	sdelay $0x3  }
0x37: {  	[smem:$0x3FB9] =	sst s10  }
0x38: {  	s10 =	sld [smem:$0x3FBA]  }
0x39: {  	_ = 	snop;
	(pc) =	sbr.ind lr, $3  }
0x3a: {  	_ = 	snop  }
0x3b: {  	_ = 	snop  }
0x3c: {  	p2 =	seq.s32 s10, $0x1;
	s10 =	sld [smem:$0x3FB9]  }
0x3d: {  	_ =	shalt  }
0x3e: {  	_ =	shalt  }
0x3f: {  	_ =	shalt  }
0x40: {  	_ =	shalt  }
0x41: {  	_ =	shalt  }
0x42: {  	_ =	shalt  }
0x43: {  	_ =	shalt  }
0x44: {  	_ =	shalt  }
0x45: {  	_ =	shalt  }
0x46: {  	_ =	shalt  }
0x47: {  	_ =	shalt  }
0x48: {  	_ =	shalt  }
0x49: {  	_ =	shalt  }
0x4a: {  	_ =	shalt  }
0x4b: {  	_ =	shalt  }
0x4c: {  	_ =	shalt  }
0x4d: {  	_ =	shalt  }
0x4e: {  	_ =	shalt  }
0x4f: {  	_ =	shalt  }
0x50: {  	_ =	shalt  }
0x51: {  	_ =	shalt  }
0x52: {  	_ =	shalt  }
0x53: {  	_ =	shalt  }
0x54: {  	_ =	shalt  }
0x55: {  	_ =	shalt  }
0x56: {  	_ =	shalt  }
0x57: {  	_ =	shalt  }
0x58: {  	_ =	shalt  }
0x59: {  	_ =	shalt  }
0x5a: {  	_ =	shalt  }
0x5b: {  	_ =	shalt  }
0x5c: {  	_ =	shalt  }
0x5d: {  	_ =	shalt  }
0x5e: {  	_ =	shalt  }
0x5f: {  	_ =	shalt  }
0x60: {  	_ =	shalt  }
0x61: {  	_ =	shalt  }
0x62: {  	_ =	shalt  }
0x63: {  	_ =	shalt  }
0x64: {  	_ =	shalt  }
0x65: {  	_ =	shalt  }
0x66: {  	_ =	shalt  }
0x67: {  	_ =	shalt  }
0x68: {  	_ =	shalt  }
0x69: {  	_ =	shalt  }
0x6a: {  	_ =	shalt  }
0x6b: {  	_ =	shalt  }
0x6c: {  	_ =	shalt  }
0x6d: {  	_ =	shalt  }
0x6e: {  	_ =	shalt  }
0x6f: {  	_ =	shalt  }
0x70: {  	_ =	shalt  }
0x71: {  	_ =	shalt  }
0x72: {  	_ =	shalt  }
0x73: {  	_ =	shalt  }
0x74: {  	_ =	shalt  }
0x75: {  	_ =	shalt  }
0x76: {  	_ =	shalt  }
0x77: {  	_ =	shalt  }
0x78: {  	_ =	shalt  }
0x79: {  	_ =	shalt  }
0x7a: {  	_ =	shalt  }
0x7b: {  	_ =	shalt  }
0x7c: {  	_ =	shalt  }
0x7d: {  	_ =	shalt  }
0x7e: {  	_ =	shalt  }
0x7f: {  	_ =	shalt  }
0x80: {  	_ =	shalt  }
0x81: {  	_ =	shalt  }
0x82: {  	_ =	shalt  }
0x83: {  	_ =	shalt  }
0x84: {  	_ =	shalt  }
0x85: {  	_ =	shalt  }
0x86: {  	_ =	shalt  }
0x87: {  	_ =	shalt  }
.Lfunc_end0:
.L_simem_size_0:
called_computation_lowered:
.L_overlay_start_0:
0x88: {  	s2 =	sld [smem:$0x3FD9]  }
0x89: {  	s3 =	sld [smem:$0x3FFE];
	_ =	sdelay $0x1  }
0x8a: {  	s1 =	srdreg.scid  }
0x8b: {  	s0 =	sand.u32 $0x1, s1  }
0x8c: {  	s17 =	sshll.u32 s0, $0xA;
	s2 =	sadd.s32 s3, s2  }
0x8d: {  	s2 =	sadd.s32 s2, s17  }
0x8e: {  	[smem:$0x3FC5] =	sst s2  }
0x8f: {  	_ = 	snop  }
0x90: {  	s2 =	sld [smem:$0x3FC9]  }
0x91: {  	s18 =	sld [smem:$0x3FC7];
	(tm) =	ssettm $0x1  }
0x92: {  	s4 =	sld [smem:$0x3FFB];
	_ =	sdelay $0x3  }
0x93: {  	_ =	strace s4  }
0x94: {  	s4 =	sld [smem:$0x3FFC];
	_ =	sdelay $0x3  }
0x95: {  	_ =	strace s4  }
0x96: {  	s4 =	sld [smem:$0x3FFD];
	_ =	sdelay $0x3  }
0x97: {  	_ =	strace s4  }
0x98: {  	_ =	strace $0x8FFFFFFF  }
0x99: {  	s19 =	sld [smem:$0x3FDB];
	_ =	sdelay $0x1  }
0x9a: {  	s5 =	simm.s32 $_scs_section_size  }
0x9b: {  	s6 =	simm.s32 $_size__tile_overlayer_lowered;
	s7 =	simm.s32 $_tile_overlayer_lowered  }
0x9c: {  	s22 =	simm.s32 $0x1BFF;
	s21 =	sshll.u32 s7, $0x1;
	s4 =	sadd.s32 s5, s19  }
0x9d: {  	s8 =	simm.s32 $0x0;
	s20 =	sshll.u32 s6, $0x1;
	s6 =	sadd.s32 s21, s4  }
0x9e: {  	[timem:s8], [sflag:s22] =	dma.local [hbm:s6], s20  }
0x9f: {  	_ =	swait.ge [sflag:s22], s20  }
0xa0: {  	s5 =	ssub.s32 $0x0, s20;
	[sflag:s22] =	ssyncset.done $0x0  }
0xa1: {  	[sflag:s22] =	ssyncadd.s32 s5;
	_ =	sdelay $0x1  }
0xa2: {  	s23 =	simm.s32 $0x1B8B  }
0xa3: {  	_ =	swait.ge [sflag:s23], $0x1  }
0xa4: {  	[sflag:s23] =	ssyncset.done $0x0  }
0xa5: {  	s25 =	simm.s32 $0x1B8E;
	s24 =	sld [smem:$0x3FFE];
	[sflag:s23] =	ssyncadd.s32 $0xFFFFFFFF  }
0xa6: {  	s26 =	simm.s32 $execute0_lowered;
	[smem:$0x3FD2] =	sst s25  }
0xa7: {  	s6 =	sshll.u32 s26, $0x1;
	_ =	strace $0x80000046;
	[dreg:$0x1] =	wrdreg $0xFFFFFFFF  }
0xa8: {  	s28 =	simm.s32 $_size_execute0_lowered;
	s4 =	sadd.s32 s4, s6;
	[dreg:$0x0] =	wrdreg $0x0  }
0xa9: {  	s6 =	sshll.u32 s28, $0x1;
	[dreg:$0x2] =	wrdreg s4  }
0xaa: {  	[dreg:$0x3] =	wrdreg s6  }
0xab: {  	[dreg:$0x4] =	wrdreg $0xC0  }
0xac: {  	_ =	task [dreg:s8], $0x5FFFF  }
0xad: {  	[dreg:$0x1] =	wrdreg $0xFFFFFFFF  }
0xae: {  	[dreg:$0x0] =	wrdreg $0x60  }
0xaf: {  	[dreg:$0x2] =	wrdreg s2  }
0xb0: {  	[dreg:$0x3] =	wrdreg s24  }
0xb1: {  	[dreg:$0x4] =	wrdreg s18  }
0xb2: {  	[dreg:$0x5] =	wrdreg $0x9  }
0xb3: {  	_ =	task.clear_ibuf [dreg:s8], $0x6FFFF;
	_ =	strace $0x90000046  }
0xb4: {  	s29 =	simm.s32 $0x9;
	_ =	strace $0x80000048  }
0xb5: {  	_ =	swait.ge [sflag:s29], $0x1  }
0xb6: {  	[sflag:s29] =	ssyncadd.s32 $0xFFFFFFFF  }
0xb7: {  	_ =	strace $0x90000048  }
0xb8: {  	_ =	sfence  }
0xb9: {  	s30 =	sld [smem:$0x0];
	_ =	sdelay $0x2  }
0xba: {  	s31 =	sshll.u32 s1, $0xD;
	s1 =	sshrl.u32 s1, $0x2  }
0xbb: {  	s3 =	sand.u32 $0x4000, s31;
	s1 =	sadd.s32 s1, s30  }
0xbc: {  	s0 =	sor.u32 s3, s0;
	s1 =	sshll.u32 s1, $0x11  }
0xbd: {  	s0 =	sor.u32 s1, s0  }
0xbe: {  	s0 =	sadd.s32 $0x8F2B, s0  }
0xbf: {  	[sflag:s0] =	ssyncadd.remote.s32 $0x1  }
0xc0: {  	_ =	sfence.sel $0xFFFF  }
0xc1: {  	[dreg:$0x0] =	wrdreg $0xFFFFFFFF;
	(pc) =	sbr.abs _section_cstart, $3  }
0xc2: {  	[dreg:$0x1] =	wrdreg $0xFFFFFFFF  }
0xc3: {  	_ =	task.clear_ibuf [dreg:s8], $0x2FFFF;
	_ =	strace $0x9FFFFFFF  }
0xc4: {  	(tm) =	ssettm $0x7FFFFFFF  }
0xc5: {  	_ =	shalt  }
tec
execute0_lowered:
.L_overlay_start_1:
0x0: {  	(tag) =	ssettag $0x1  }
0x1: {  	s0 =	rddreg [dreg:$0x0]  }
0x2: {  	s5 =	rddreg [dreg:$0x1]  }
0x3: {  	s1 =	rddreg [dreg:$0x2];
	s3 =	simm.s32 $0x0;
	s4 =	srdreg.scid  }
0x4: {  	s2 =	stileid.u32;
	s15 =	simm.s32 $0x80;
	s16 =	simm.s32 $0x100  }
0x5: {  	s17 =	simm.s32 $0x180;
	s18 =	simm.s32 $0x10200;
	s19 =	simm.s32 $0x2  }
0x6: {  	s20 =	simm.s32 $0x200;
	s21 =	simm.s32 $0x4200;
	s22 =	simm.s32 $0x1  }
0x7: {  	s23 =	simm.s32 $0x8200;
	[smem:$0x7FF] =	sst s3;
	s6 =	sand.u32 $0x1, s4  }
0x8: {  	s7 =	sshll.u32 s2, $0xA;
	s4 =	sadd.s32 $0x186E00, s5;
	s8 =	sshll.u32 s6, $0x9  }
0x9: {  	s12 =	sadd.s32 $0x400, s5;
	s6 =	ssub.s32 $0x2, s6;
	s9 =	sor.u32 s8, s7  }
0xa: {  	_ =	strace $0x80000047;
	s24 =	sshrl.u32 s6, $0x1;
	s7 =	sshrl.u32 s9, $0x3  }
0xb: {  	s13 =	ssub.s32 s6, s24;
	s10 =	sor.u32 $0x80, s9;
	s11 =	sor.u32 $0x100, s9  }
0xc: {  	s14 =	sor.u32 $0x180, s9;
	s29 =	sshll.u32 s9, $0x4;
	s24 =	simm.s32 $0xC200  }
0xd: {  	s5 =	sadd.s32 s0, s7;
	s25 =	sshrl.u32 s10, $0x3;
	s26 =	sshrl.u32 s11, $0x3  }
0xe: {  	s28 =	sshrl.u32 s14, $0x3;
	s9 =	sadd.s32 s12, s29;
	s30 =	sshll.u32 s10, $0x4  }
0xf: {  	s11 =	sshll.u32 s11, $0x4;
	s31 =	sshll.u32 s14, $0x4;
	s13 =	smax.u32 s13, $0x1  }
0x10: {  	s14 =	simm.s32 $0x4;
	s6 =	sadd.s32 s0, s25;
	s7 =	sadd.s32 s0, s26  }
0x11: {  	s8 =	sadd.s32 s0, s28;
	s10 =	sadd.s32 s12, s30;
	s11 =	sadd.s32 s12, s11  }
0x12: {  	s12 =	sadd.s32 s12, s31;
	s25 =	simm.s32 $0x3;
	s26 =	simm.s32 $0x0  }
.LBB2_1:
0x13: {  	[tilespmem:s3], [sflag:$0x4] =	stream.linear.gather [hbm4b:s5+s3], $0x80, $0x38;
	[tilespmem:$0x10280] =	vst v63  }
0x14: {  	_ =	swait.ge [sflag:s14], $0x80  }
0x15: {  	[sflag:s14] =	ssyncset.done $0x0  }
0x16: {  	[sflag:s14] =	ssyncadd.s32 $0xFFFFFF80  }
0x17: {  	[tilespmem:s15], [sflag:$0x4] =	stream.linear.gather [hbm4b:s6+s3], $0x80, $0x38;
	[tilespmem:$0x10280] =	vst v63  }
0x18: {  	_ =	swait.ge [sflag:s14], $0x80  }
0x19: {  	[sflag:s14] =	ssyncset.done $0x0  }
0x1a: {  	[sflag:s14] =	ssyncadd.s32 $0xFFFFFF80  }
0x1b: {  	[tilespmem:s16], [sflag:$0x4] =	stream.linear.gather [hbm4b:s7+s3], $0x80, $0x38;
	[tilespmem:$0x10280] =	vst v63  }
0x1c: {  	_ =	swait.ge [sflag:s14], $0x80  }
0x1d: {  	[sflag:s14] =	ssyncset.done $0x0  }
0x1e: {  	[sflag:s14] =	ssyncadd.s32 $0xFFFFFF80  }
0x1f: {  	[tilespmem:s17], [sflag:$0x4] =	stream.linear.gather [hbm4b:s8+s3], $0x80, $0x38;
	[tilespmem:$0x10280] =	vst v63  }
0x20: {  	_ =	swait.ge [sflag:s14], $0x80  }
0x21: {  	[sflag:s14] =	ssyncset.done $0x0  }
0x22: {  	[sflag:s14] =	ssyncadd.s32 $0xFFFFFF80  }
0x23: {  	[tilespmem:s18], [sflag:$0x2] =	stream.linear.gather [hbm4b:s1+s3], $0x80, $0x38;
	[tilespmem:$0x10280] =	vst v63  }
0x24: {  	_ =	swait.ge [sflag:s19], $0x80  }
0x25: {  	[sflag:s19] =	ssyncset.done $0x0  }
0x26: {  	[sflag:s19] =	ssyncadd.s32 $0xFFFFFF80  }
0x27: {  	v0 =	vld [tilespmem:$0x10200];
	[tilespmem:s20], [sflag:$0x1] =	stream.indirect.gather [hbm4b:s4+s15], $0x80, s3, s15, $0xb8  }
0x28: {  	_ = 	snop  }
0x29: {  	[tilespmem:s21], [sflag:$0x1] =	stream.indirect.gather [hbm4b:s4+s15], $0x80, s15, s15, $0xb8;
	[tilespmem:$0x10280] =	vst v63  }
0x2a: {  	_ =	swait.ge [sflag:s22], $0x4000  }
0x2b: {  	[sflag:s22] =	ssyncset.done $0x0  }
0x2c: {  	s28 =	simm.s32 $0x400;
	[sflag:s22] =	ssyncadd.s32 $0xFFFFC000  }
0x2d: {  	v1 =	vld [tilespmem:s28+$0xFFFFFE20]  }
0x2e: {  	v2 =	vld [tilespmem:s28+$0xFFFFFE00]  }
0x2f: {  	v3 =	vld [tilespmem:s28+$0xFFFFFE10]  }
0x30: {  	s29 =	simm.s32 $0x8400  }
0x31: {  	[tilespmem:s29+$0xFFFFFE30] =	vst v0  }
0x32: {  	[tilespmem:s29+$0xFFFFFE20] =	vst v1  }
0x33: {  	[tilespmem:s29+$0xFFFFFE00] =	vst v2  }
0x34: {  	[tilespmem:s29+$0xFFFFFE10] =	vst v3  }
0x35: {  	v1 =	vld [tilespmem:s28+$0xFFFFFEA0]  }
0x36: {  	v2 =	vld [tilespmem:s28+$0xFFFFFE80]  }
0x37: {  	v3 =	vld [tilespmem:s28+$0xFFFFFE90];
	_ =	sdelay $0x1  }
0x38: {  	[tilespmem:s29+$0xFFFFFEB0] =	vst v0  }
0x39: {  	[tilespmem:s29+$0xFFFFFEA0] =	vst v1  }
0x3a: {  	[tilespmem:s29+$0xFFFFFE80] =	vst v2  }
0x3b: {  	[tilespmem:s29+$0xFFFFFE90] =	vst v3  }
0x3c: {  	v1 =	vld [tilespmem:s28+$0xFFFFFF00]  }
0x3d: {  	v2 =	vld [tilespmem:s28+$0xFFFFFF10]  }
0x3e: {  	v3 =	vld [tilespmem:s28+$0xFFFFFF20];
	_ =	sdelay $0x1  }
0x3f: {  	[tilespmem:s29+$0xFFFFFF30] =	vst v0  }
0x40: {  	[tilespmem:s29+$0xFFFFFF00] =	vst v1  }
0x41: {  	[tilespmem:s29+$0xFFFFFF10] =	vst v2  }
0x42: {  	[tilespmem:s29+$0xFFFFFF20] =	vst v3  }
0x43: {  	v1 =	vld [tilespmem:s28+$0xFFFFFF80]  }
0x44: {  	v2 =	vld [tilespmem:s28+$0xFFFFFF90]  }
0x45: {  	v3 =	vld [tilespmem:s28+$0xFFFFFFA0];
	_ =	sdelay $0x1  }
0x46: {  	[tilespmem:s29+$0xFFFFFFB0] =	vst v0  }
0x47: {  	[tilespmem:s29+$0xFFFFFF80] =	vst v1  }
0x48: {  	[tilespmem:s29+$0xFFFFFF90] =	vst v2  }
0x49: {  	[tilespmem:s29+$0xFFFFFFA0] =	vst v3  }
0x4a: {  	v1 =	vld [tilespmem:s28+$0x10]  }
0x4b: {  	v2 =	vld [tilespmem:s28+$0x0]  }
0x4c: {  	v3 =	vld [tilespmem:s28+$0x20];
	_ =	sdelay $0x1  }
0x4d: {  	[tilespmem:s29+$0x30] =	vst v0  }
0x4e: {  	[tilespmem:s29+$0x10] =	vst v1  }
0x4f: {  	[tilespmem:s29+$0x0] =	vst v2  }
0x50: {  	[tilespmem:s29+$0x20] =	vst v3  }
0x51: {  	v1 =	vld [tilespmem:s28+$0x80]  }
0x52: {  	v2 =	vld [tilespmem:s28+$0x90]  }
0x53: {  	v3 =	vld [tilespmem:s28+$0xA0];
	_ =	sdelay $0x1  }
0x54: {  	[tilespmem:s29+$0xB0] =	vst v0  }
0x55: {  	[tilespmem:s29+$0x80] =	vst v1  }
0x56: {  	[tilespmem:s29+$0x90] =	vst v2  }
0x57: {  	[tilespmem:s29+$0xA0] =	vst v3  }
0x58: {  	s31 =	simm.s32 $0x0;
	s0 =	simm.s32 $0x400;
	s30 =	simm.s32 $0x8400;
	v1 =	vld [tilespmem:s28+$0x120]  }
.LBB2_2:
0x59: {  	s31 =	sadd.s32 $0x8, s31;
	v2 =	vld [tilespmem:s28+$0x100];
	s29 =	sadd.s32 $0x400, s29;
	s0 =	sadd.s32 $0x400, s0  }
0x5a: {  	p0 =	slt.u32 s31, $0x78;
	v3 =	vld [tilespmem:s28+$0x110]  }
0x5b: {  	[tilespmem:s30+$0x130] =	vst v0;
	_ =	sdelay $0x1  }
0x5c: {  	[tilespmem:s30+$0x120] =	vst v1  }
0x5d: {  	[tilespmem:s30+$0x100] =	vst v2  }
0x5e: {  	[tilespmem:s30+$0x110] =	vst v3  }
0x5f: {  	v1 =	vld [tilespmem:s28+$0x180]  }
0x60: {  	v2 =	vld [tilespmem:s28+$0x1A0]  }
0x61: {  	v3 =	vld [tilespmem:s28+$0x190];
	s28 =	smov.u32 s0  }
0x62: {  	[tilespmem:s30+$0x1B0] =	vst v0;
	_ =	sdelay $0x1  }
0x63: {  	[tilespmem:s30+$0x180] =	vst v1  }
0x64: {  	[tilespmem:s30+$0x1A0] =	vst v2  }
0x65: {  	[tilespmem:s30+$0x190] =	vst v3;
	s30 =	smov.u32 s29  }
0x66: {  	v1 =	vld [tilespmem:s0+$0xFFFFFE20]  }
0x67: {  	v2 =	vld [tilespmem:s0+$0xFFFFFE00]  }
0x68: {  	v3 =	vld [tilespmem:s0+$0xFFFFFE10];
	_ =	sdelay $0x1  }
0x69: {  	[tilespmem:s29+$0xFFFFFE30] =	vst v0  }
0x6a: {  	[tilespmem:s29+$0xFFFFFE20] =	vst v1  }
0x6b: {  	[tilespmem:s29+$0xFFFFFE00] =	vst v2  }
0x6c: {  	[tilespmem:s29+$0xFFFFFE10] =	vst v3  }
0x6d: {  	v1 =	vld [tilespmem:s0+$0xFFFFFEA0]  }
0x6e: {  	v2 =	vld [tilespmem:s0+$0xFFFFFE80]  }
0x6f: {  	v3 =	vld [tilespmem:s0+$0xFFFFFE90];
	_ =	sdelay $0x1  }
0x70: {  	[tilespmem:s29+$0xFFFFFEB0] =	vst v0  }
0x71: {  	[tilespmem:s29+$0xFFFFFEA0] =	vst v1  }
0x72: {  	[tilespmem:s29+$0xFFFFFE80] =	vst v2  }
0x73: {  	[tilespmem:s29+$0xFFFFFE90] =	vst v3  }
0x74: {  	v1 =	vld [tilespmem:s0+$0xFFFFFF00]  }
0x75: {  	v2 =	vld [tilespmem:s0+$0xFFFFFF10]  }
0x76: {  	v3 =	vld [tilespmem:s0+$0xFFFFFF20];
	_ =	sdelay $0x1  }
0x77: {  	[tilespmem:s29+$0xFFFFFF30] =	vst v0  }
0x78: {  	[tilespmem:s29+$0xFFFFFF00] =	vst v1  }
0x79: {  	[tilespmem:s29+$0xFFFFFF10] =	vst v2  }
0x7a: {  	[tilespmem:s29+$0xFFFFFF20] =	vst v3  }
0x7b: {  	v1 =	vld [tilespmem:s0+$0xFFFFFF80]  }
0x7c: {  	v2 =	vld [tilespmem:s0+$0xFFFFFF90]  }
0x7d: {  	v3 =	vld [tilespmem:s0+$0xFFFFFFA0];
	_ =	sdelay $0x1  }
0x7e: {  	[tilespmem:s29+$0xFFFFFFB0] =	vst v0  }
0x7f: {  	[tilespmem:s29+$0xFFFFFF80] =	vst v1  }
0x80: {  	[tilespmem:s29+$0xFFFFFF90] =	vst v2  }
0x81: {  	[tilespmem:s29+$0xFFFFFFA0] =	vst v3  }
0x82: {  	v1 =	vld [tilespmem:s0+$0x10]  }
0x83: {  	v2 =	vld [tilespmem:s0+$0x0]  }
0x84: {  	v3 =	vld [tilespmem:s0+$0x20]  }
0x85: {  	[tilespmem:s29+$0x30] =	vst v0;
	_ =	sdelay $0x1  }
0x86: {  	[tilespmem:s29+$0x10] =	vst v1  }
0x87: {  	[tilespmem:s29+$0x0] =	vst v2  }
0x88: {  	[tilespmem:s29+$0x20] =	vst v3  }
0x89: {  	v1 =	vld [tilespmem:s0+$0x80]  }
0x8a: {  	v2 =	vld [tilespmem:s0+$0x90]  }
0x8b: {  	v3 =	vld [tilespmem:s0+$0xA0]  }
0x8c: {  	[tilespmem:s29+$0xB0] =	vst v0  }
.Ltmp0:
0x8d: {  	(pc) =	sbr.rel @p0 .LBB2_2-.Ltmp0, $4  }
0x8e: {  	[tilespmem:s29+$0x80] =	vst v1  }
0x8f: {  	[tilespmem:s29+$0x90] =	vst v2  }
0x90: {  	[tilespmem:s29+$0xA0] =	vst v3  }
0x91: {  	v1 =	vld [tilespmem:s0+$0x120]  }
0x92: {  	v2 =	vld [tilespmem:s28+$0x100]  }
0x93: {  	v3 =	vld [tilespmem:s28+$0x110];
	_ =	sdelay $0x1  }
0x94: {  	[tilespmem:s30+$0x130] =	vst v0  }
0x95: {  	[tilespmem:s30+$0x120] =	vst v1  }
0x96: {  	[tilespmem:s30+$0x100] =	vst v2  }
0x97: {  	[tilespmem:s30+$0x110] =	vst v3  }
0x98: {  	v1 =	vld [tilespmem:s28+$0x180]  }
0x99: {  	v2 =	vld [tilespmem:s28+$0x1A0]  }
0x9a: {  	v3 =	vld [tilespmem:s28+$0x190];
	_ =	sdelay $0x1  }
0x9b: {  	[tilespmem:s30+$0x1B0] =	vst v0  }
0x9c: {  	[tilespmem:s30+$0x180] =	vst v1  }
0x9d: {  	[tilespmem:s30+$0x1A0] =	vst v2  }
0x9e: {  	s0 =	simm.s32 $0x0;
	[tilespmem:s30+$0x190] =	vst v3  }
0x9f: {  	[hbm4b:s9+s0] =	stream.linear.scatter [tilespmem:s23], [sflag:$0x3], $0x4000, $0x38;
	[tilespmem:$0x10280] =	vst v63  }
0xa0: {  	_ = 	snop  }
0xa1: {  	[tilespmem:s20], [sflag:$0x1] =	stream.indirect.gather [hbm4b:s4+s15], $0x80, s16, s15, $0xb8;
	[tilespmem:$0x10280] =	vst v63  }
0xa2: {  	_ =	swait.ge [sflag:s22], $0x4000  }
0xa3: {  	[sflag:s22] =	ssyncset.done $0x0  }
0xa4: {  	s28 =	simm.s32 $0x0;
	[sflag:s22] =	ssyncadd.s32 $0xFFFFC000  }
0xa5: {  	[tilespmem:s28+$0xC230] =	vst v0  }
0xa6: {  	[tilespmem:s28+$0xC2B0] =	vst v0  }
0xa7: {  	v1 =	vld [tilespmem:s28+$0x45A0];
	[tilespmem:s28+$0xC330] =	vst v0  }
0xa8: {  	v2 =	vld [tilespmem:s28+$0x4200];
	[tilespmem:s28+$0xC3B0] =	vst v0  }
0xa9: {  	v3 =	vld [tilespmem:s28+$0x4210];
	[tilespmem:s28+$0xC430] =	vst v0  }
0xaa: {  	v4 =	vld [tilespmem:s28+$0x4220];
	[tilespmem:s28+$0xC4B0] =	vst v0  }
0xab: {  	v5 =	vld [tilespmem:s28+$0x4280];
	[tilespmem:s28+$0xC530] =	vst v0  }
0xac: {  	v6 =	vld [tilespmem:s28+$0x4290];
	[tilespmem:s28+$0xC5A0] =	vst v1  }
0xad: {  	[tilespmem:s28+$0xC200] =	vst v2;
	v1 =	vld [tilespmem:s28+$0x42A0]  }
0xae: {  	[tilespmem:s28+$0xC210] =	vst v3;
	v2 =	vld [tilespmem:s28+$0x4300]  }
0xaf: {  	[tilespmem:s28+$0xC220] =	vst v4;
	v3 =	vld [tilespmem:s28+$0x4310]  }
0xb0: {  	v58 =	vld [tilespmem:s28+$0x4320];
	[tilespmem:s28+$0xC280] =	vst v5  }
0xb1: {  	v59 =	vld [tilespmem:s28+$0x4380];
	[tilespmem:s28+$0xC290] =	vst v6  }
0xb2: {  	[tilespmem:s28+$0xC2A0] =	vst v1;
	v1 =	vld [tilespmem:s28+$0x4390]  }
0xb3: {  	[tilespmem:s28+$0xC300] =	vst v2;
	v2 =	vld [tilespmem:s28+$0x43A0]  }
0xb4: {  	[tilespmem:s28+$0xC310] =	vst v3;
	v3 =	vld [tilespmem:s28+$0x4400]  }
0xb5: {  	v60 =	vld [tilespmem:s28+$0x4410];
	[tilespmem:s28+$0xC320] =	vst v58  }
0xb6: {  	v61 =	vld [tilespmem:s28+$0x4420];
	[tilespmem:s28+$0xC380] =	vst v59  }
0xb7: {  	[tilespmem:s28+$0xC390] =	vst v1;
	v1 =	vld [tilespmem:s28+$0x4480]  }
0xb8: {  	[tilespmem:s28+$0xC3A0] =	vst v2;
	v2 =	vld [tilespmem:s28+$0x4490]  }
0xb9: {  	[tilespmem:s28+$0xC400] =	vst v3;
	v3 =	vld [tilespmem:s28+$0x44A0]  }
0xba: {  	v62 =	vld [tilespmem:s28+$0x4500];
	[tilespmem:s28+$0xC410] =	vst v60  }
0xbb: {  	v63 =	vld [tilespmem:s28+$0x4510];
	[tilespmem:s28+$0xC420] =	vst v61  }
0xbc: {  	[tilespmem:s28+$0xC480] =	vst v1;
	v1 =	vld [tilespmem:s28+$0x4520]  }
0xbd: {  	[tilespmem:s28+$0xC490] =	vst v2;
	v2 =	vld [tilespmem:s28+$0x4580]  }
0xbe: {  	[tilespmem:s28+$0xC4A0] =	vst v3;
	v3 =	vld [tilespmem:s28+$0x4590]  }
0xbf: {  	[tilespmem:s28+$0xC500] =	vst v62  }
0xc0: {  	[tilespmem:s28+$0xC510] =	vst v63  }
0xc1: {  	[tilespmem:s28+$0xC520] =	vst v1  }
0xc2: {  	[tilespmem:s28+$0xC580] =	vst v2  }
0xc3: {  	s29 =	simm.s32 $0x1000;
	s0 =	simm.s32 $0x0;
	[tilespmem:s28+$0xC590] =	vst v3  }
.LBB2_4:
0xc4: {  	s0 =	sadd.s32 $0x8, s0;
	[tilespmem:s28+$0xC5B0] =	vst v0;
	s28 =	sshra.s32 s29, $0x2  }
0xc5: {  	[tilespmem:s28+$0xC230] =	vst v0;
	v1 =	vld [tilespmem:s28+$0x45A0];
	p0 =	slt.u32 s0, $0x78  }
0xc6: {  	v2 =	vld [tilespmem:s28+$0x4200];
	[tilespmem:s28+$0xC2B0] =	vst v0  }
0xc7: {  	v3 =	vld [tilespmem:s28+$0x4210];
	[tilespmem:s28+$0xC330] =	vst v0  }
0xc8: {  	v4 =	vld [tilespmem:s28+$0x4220];
	[tilespmem:s28+$0xC3B0] =	vst v0  }
0xc9: {  	v5 =	vld [tilespmem:s28+$0x4280];
	[tilespmem:s28+$0xC430] =	vst v0  }
0xca: {  	v6 =	vld [tilespmem:s28+$0x4290];
	[tilespmem:s28+$0xC5A0] =	vst v1  }
0xcb: {  	[tilespmem:s28+$0xC200] =	vst v2;
	v1 =	vld [tilespmem:s28+$0x42A0]  }
0xcc: {  	[tilespmem:s28+$0xC210] =	vst v3;
	v2 =	vld [tilespmem:s28+$0x4300]  }
0xcd: {  	[tilespmem:s28+$0xC220] =	vst v4;
	v3 =	vld [tilespmem:s28+$0x4310]  }
0xce: {  	[tilespmem:s28+$0xC280] =	vst v5;
	v4 =	vld [tilespmem:s28+$0x4320]  }
0xcf: {  	[tilespmem:s28+$0xC290] =	vst v6;
	v5 =	vld [tilespmem:s28+$0x4380]  }
0xd0: {  	[tilespmem:s28+$0xC2A0] =	vst v1;
	v1 =	vld [tilespmem:s28+$0x4390]  }
0xd1: {  	[tilespmem:s28+$0xC300] =	vst v2;
	v2 =	vld [tilespmem:s28+$0x43A0]  }
0xd2: {  	[tilespmem:s28+$0xC310] =	vst v3;
	v3 =	vld [tilespmem:s28+$0x4400]  }
0xd3: {  	[tilespmem:s28+$0xC320] =	vst v4;
	v4 =	vld [tilespmem:s28+$0x4410]  }
0xd4: {  	[tilespmem:s28+$0xC380] =	vst v5;
	v5 =	vld [tilespmem:s28+$0x4420]  }
0xd5: {  	[tilespmem:s28+$0xC390] =	vst v1;
	v1 =	vld [tilespmem:s28+$0x4480]  }
0xd6: {  	[tilespmem:s28+$0xC3A0] =	vst v2;
	v2 =	vld [tilespmem:s28+$0x4490]  }
0xd7: {  	[tilespmem:s28+$0xC400] =	vst v3;
	v3 =	vld [tilespmem:s28+$0x44A0]  }
0xd8: {  	[tilespmem:s28+$0xC410] =	vst v4;
	v4 =	vld [tilespmem:s28+$0x4500]  }
0xd9: {  	[tilespmem:s28+$0xC420] =	vst v5;
	v5 =	vld [tilespmem:s28+$0x4510]  }
0xda: {  	[tilespmem:s28+$0xC480] =	vst v1;
	v1 =	vld [tilespmem:s28+$0x4520]  }
0xdb: {  	[tilespmem:s28+$0xC490] =	vst v2;
	v2 =	vld [tilespmem:s28+$0x4580]  }
0xdc: {  	[tilespmem:s28+$0xC4A0] =	vst v3;
	v3 =	vld [tilespmem:s28+$0x4590]  }
0xdd: {  	[tilespmem:s28+$0xC500] =	vst v4  }
0xde: {  	[tilespmem:s28+$0xC510] =	vst v5  }
.Ltmp1:
0xdf: {  	[tilespmem:s28+$0xC520] =	vst v1;
	(pc) =	sbr.rel @p0 .LBB2_4-.Ltmp1, $4  }
0xe0: {  	[tilespmem:s28+$0xC580] =	vst v2  }
0xe1: {  	[tilespmem:s28+$0xC590] =	vst v3  }
0xe2: {  	[tilespmem:s28+$0xC4B0] =	vst v0  }
0xe3: {  	s29 =	sadd.s32 $0x1000, s29;
	[tilespmem:s28+$0xC530] =	vst v0  }
0xe4: {  	[tilespmem:s28+$0xC5B0] =	vst v0  }
0xe5: {  	[hbm4b:s10+s3] =	stream.linear.scatter [tilespmem:s24], [sflag:$0x3], $0x4000, $0x38;
	[tilespmem:$0x10280] =	vst v63  }
0xe6: {  	_ = 	snop  }
0xe7: {  	[tilespmem:s21], [sflag:$0x1] =	stream.indirect.gather [hbm4b:s4+s15], $0x80, s17, s15, $0xb8;
	[tilespmem:$0x10280] =	vst v63  }
0xe8: {  	_ =	swait.ge [sflag:s22], $0x4000  }
0xe9: {  	[sflag:s22] =	ssyncset.done $0x0  }
0xea: {  	[sflag:s22] =	ssyncadd.s32 $0xFFFFC000  }
0xeb: {  	_ =	swait.ge [sflag:s25], $0x4000  }
0xec: {  	[sflag:s25] =	ssyncset.done $0x0  }
0xed: {  	s28 =	simm.s32 $0x400;
	[sflag:s25] =	ssyncadd.s32 $0xFFFFC000  }
0xee: {  	v1 =	vld [tilespmem:s28+$0xFFFFFE20]  }
0xef: {  	v2 =	vld [tilespmem:s28+$0xFFFFFE00]  }
0xf0: {  	v3 =	vld [tilespmem:s28+$0xFFFFFE10]  }
0xf1: {  	s29 =	simm.s32 $0x8400  }
0xf2: {  	[tilespmem:s29+$0xFFFFFE30] =	vst v0  }
0xf3: {  	[tilespmem:s29+$0xFFFFFE20] =	vst v1  }
0xf4: {  	[tilespmem:s29+$0xFFFFFE00] =	vst v2  }
0xf5: {  	[tilespmem:s29+$0xFFFFFE10] =	vst v3  }
0xf6: {  	v1 =	vld [tilespmem:s28+$0xFFFFFEA0]  }
0xf7: {  	v2 =	vld [tilespmem:s28+$0xFFFFFE80]  }
0xf8: {  	v3 =	vld [tilespmem:s28+$0xFFFFFE90];
	_ =	sdelay $0x1  }
0xf9: {  	[tilespmem:s29+$0xFFFFFEB0] =	vst v0  }
0xfa: {  	[tilespmem:s29+$0xFFFFFEA0] =	vst v1  }
0xfb: {  	[tilespmem:s29+$0xFFFFFE80] =	vst v2  }
0xfc: {  	[tilespmem:s29+$0xFFFFFE90] =	vst v3  }
0xfd: {  	v1 =	vld [tilespmem:s28+$0xFFFFFF00]  }
0xfe: {  	v2 =	vld [tilespmem:s28+$0xFFFFFF10]  }
0xff: {  	v3 =	vld [tilespmem:s28+$0xFFFFFF20];
	_ =	sdelay $0x1  }
0x100: {  	[tilespmem:s29+$0xFFFFFF30] =	vst v0  }
0x101: {  	[tilespmem:s29+$0xFFFFFF00] =	vst v1  }
0x102: {  	[tilespmem:s29+$0xFFFFFF10] =	vst v2  }
0x103: {  	[tilespmem:s29+$0xFFFFFF20] =	vst v3  }
0x104: {  	v1 =	vld [tilespmem:s28+$0xFFFFFF80]  }
0x105: {  	v2 =	vld [tilespmem:s28+$0xFFFFFF90]  }
0x106: {  	v3 =	vld [tilespmem:s28+$0xFFFFFFA0];
	_ =	sdelay $0x1  }
0x107: {  	[tilespmem:s29+$0xFFFFFFB0] =	vst v0  }
0x108: {  	[tilespmem:s29+$0xFFFFFF80] =	vst v1  }
0x109: {  	[tilespmem:s29+$0xFFFFFF90] =	vst v2  }
0x10a: {  	[tilespmem:s29+$0xFFFFFFA0] =	vst v3  }
0x10b: {  	v1 =	vld [tilespmem:s28+$0x10]  }
0x10c: {  	v2 =	vld [tilespmem:s28+$0x0]  }
0x10d: {  	v3 =	vld [tilespmem:s28+$0x20];
	_ =	sdelay $0x1  }
0x10e: {  	[tilespmem:s29+$0x30] =	vst v0  }
0x10f: {  	[tilespmem:s29+$0x10] =	vst v1  }
0x110: {  	[tilespmem:s29+$0x0] =	vst v2  }
0x111: {  	[tilespmem:s29+$0x20] =	vst v3  }
0x112: {  	v1 =	vld [tilespmem:s28+$0x80]  }
0x113: {  	v2 =	vld [tilespmem:s28+$0x90]  }
0x114: {  	v3 =	vld [tilespmem:s28+$0xA0];
	_ =	sdelay $0x1  }
0x115: {  	[tilespmem:s29+$0xB0] =	vst v0  }
0x116: {  	[tilespmem:s29+$0x80] =	vst v1  }
0x117: {  	[tilespmem:s29+$0x90] =	vst v2  }
0x118: {  	[tilespmem:s29+$0xA0] =	vst v3  }
0x119: {  	s31 =	simm.s32 $0x0;
	s0 =	simm.s32 $0x400;
	s30 =	simm.s32 $0x8400;
	v1 =	vld [tilespmem:s28+$0x120]  }
.LBB2_6:
0x11a: {  	s31 =	sadd.s32 $0x8, s31;
	v2 =	vld [tilespmem:s28+$0x100];
	s29 =	sadd.s32 $0x400, s29;
	s0 =	sadd.s32 $0x400, s0  }
0x11b: {  	p0 =	slt.u32 s31, $0x78;
	v3 =	vld [tilespmem:s28+$0x110]  }
0x11c: {  	[tilespmem:s30+$0x130] =	vst v0;
	_ =	sdelay $0x1  }
0x11d: {  	[tilespmem:s30+$0x120] =	vst v1  }
0x11e: {  	[tilespmem:s30+$0x100] =	vst v2  }
0x11f: {  	[tilespmem:s30+$0x110] =	vst v3  }
0x120: {  	v1 =	vld [tilespmem:s28+$0x180]  }
0x121: {  	v2 =	vld [tilespmem:s28+$0x1A0]  }
0x122: {  	v3 =	vld [tilespmem:s28+$0x190];
	s28 =	smov.u32 s0  }
0x123: {  	[tilespmem:s30+$0x1B0] =	vst v0;
	_ =	sdelay $0x1  }
0x124: {  	[tilespmem:s30+$0x180] =	vst v1  }
0x125: {  	[tilespmem:s30+$0x1A0] =	vst v2  }
0x126: {  	[tilespmem:s30+$0x190] =	vst v3;
	s30 =	smov.u32 s29  }
0x127: {  	v1 =	vld [tilespmem:s0+$0xFFFFFE20]  }
0x128: {  	v2 =	vld [tilespmem:s0+$0xFFFFFE00]  }
0x129: {  	v3 =	vld [tilespmem:s0+$0xFFFFFE10];
	_ =	sdelay $0x1  }
0x12a: {  	[tilespmem:s29+$0xFFFFFE30] =	vst v0  }
0x12b: {  	[tilespmem:s29+$0xFFFFFE20] =	vst v1  }
0x12c: {  	[tilespmem:s29+$0xFFFFFE00] =	vst v2  }
0x12d: {  	[tilespmem:s29+$0xFFFFFE10] =	vst v3  }
0x12e: {  	v1 =	vld [tilespmem:s0+$0xFFFFFEA0]  }
0x12f: {  	v2 =	vld [tilespmem:s0+$0xFFFFFE80]  }
0x130: {  	v3 =	vld [tilespmem:s0+$0xFFFFFE90];
	_ =	sdelay $0x1  }
0x131: {  	[tilespmem:s29+$0xFFFFFEB0] =	vst v0  }
0x132: {  	[tilespmem:s29+$0xFFFFFEA0] =	vst v1  }
0x133: {  	[tilespmem:s29+$0xFFFFFE80] =	vst v2  }
0x134: {  	[tilespmem:s29+$0xFFFFFE90] =	vst v3  }
0x135: {  	v1 =	vld [tilespmem:s0+$0xFFFFFF00]  }
0x136: {  	v2 =	vld [tilespmem:s0+$0xFFFFFF10]  }
0x137: {  	v3 =	vld [tilespmem:s0+$0xFFFFFF20];
	_ =	sdelay $0x1  }
0x138: {  	[tilespmem:s29+$0xFFFFFF30] =	vst v0  }
0x139: {  	[tilespmem:s29+$0xFFFFFF00] =	vst v1  }
0x13a: {  	[tilespmem:s29+$0xFFFFFF10] =	vst v2  }
0x13b: {  	[tilespmem:s29+$0xFFFFFF20] =	vst v3  }
0x13c: {  	v1 =	vld [tilespmem:s0+$0xFFFFFF80]  }
0x13d: {  	v2 =	vld [tilespmem:s0+$0xFFFFFF90]  }
0x13e: {  	v3 =	vld [tilespmem:s0+$0xFFFFFFA0];
	_ =	sdelay $0x1  }
0x13f: {  	[tilespmem:s29+$0xFFFFFFB0] =	vst v0  }
0x140: {  	[tilespmem:s29+$0xFFFFFF80] =	vst v1  }
0x141: {  	[tilespmem:s29+$0xFFFFFF90] =	vst v2  }
0x142: {  	[tilespmem:s29+$0xFFFFFFA0] =	vst v3  }
0x143: {  	v1 =	vld [tilespmem:s0+$0x10]  }
0x144: {  	v2 =	vld [tilespmem:s0+$0x0]  }
0x145: {  	v3 =	vld [tilespmem:s0+$0x20]  }
0x146: {  	[tilespmem:s29+$0x30] =	vst v0;
	_ =	sdelay $0x1  }
0x147: {  	[tilespmem:s29+$0x10] =	vst v1  }
0x148: {  	[tilespmem:s29+$0x0] =	vst v2  }
0x149: {  	[tilespmem:s29+$0x20] =	vst v3  }
0x14a: {  	v1 =	vld [tilespmem:s0+$0x80]  }
0x14b: {  	v2 =	vld [tilespmem:s0+$0x90]  }
0x14c: {  	v3 =	vld [tilespmem:s0+$0xA0]  }
0x14d: {  	[tilespmem:s29+$0xB0] =	vst v0  }
.Ltmp2:
0x14e: {  	(pc) =	sbr.rel @p0 .LBB2_6-.Ltmp2, $4  }
0x14f: {  	[tilespmem:s29+$0x80] =	vst v1  }
0x150: {  	[tilespmem:s29+$0x90] =	vst v2  }
0x151: {  	[tilespmem:s29+$0xA0] =	vst v3  }
0x152: {  	v1 =	vld [tilespmem:s0+$0x120]  }
0x153: {  	v2 =	vld [tilespmem:s28+$0x100]  }
0x154: {  	v3 =	vld [tilespmem:s28+$0x110];
	_ =	sdelay $0x1  }
0x155: {  	[tilespmem:s30+$0x130] =	vst v0  }
0x156: {  	[tilespmem:s30+$0x120] =	vst v1  }
0x157: {  	[tilespmem:s30+$0x100] =	vst v2  }
0x158: {  	[tilespmem:s30+$0x110] =	vst v3  }
0x159: {  	v1 =	vld [tilespmem:s28+$0x180]  }
0x15a: {  	v2 =	vld [tilespmem:s28+$0x1A0]  }
0x15b: {  	v3 =	vld [tilespmem:s28+$0x190];
	_ =	sdelay $0x1  }
0x15c: {  	[tilespmem:s30+$0x1B0] =	vst v0  }
0x15d: {  	[tilespmem:s30+$0x180] =	vst v1  }
0x15e: {  	[tilespmem:s30+$0x1A0] =	vst v2  }
0x15f: {  	s0 =	simm.s32 $0x0;
	[tilespmem:s30+$0x190] =	vst v3  }
0x160: {  	[hbm4b:s11+s0] =	stream.linear.scatter [tilespmem:s23], [sflag:$0x3], $0x4000, $0x38;
	[tilespmem:$0x10280] =	vst v63  }
0x161: {  	_ =	swait.ge [sflag:s22], $0x4000  }
0x162: {  	[sflag:s22] =	ssyncset.done $0x0  }
0x163: {  	[sflag:s22] =	ssyncadd.s32 $0xFFFFC000  }
0x164: {  	_ =	swait.ge [sflag:s25], $0x4000  }
0x165: {  	[sflag:s25] =	ssyncset.done $0x0  }
0x166: {  	s28 =	simm.s32 $0x0;
	[sflag:s25] =	ssyncadd.s32 $0xFFFFC000  }
0x167: {  	[tilespmem:s28+$0xC230] =	vst v0  }
0x168: {  	[tilespmem:s28+$0xC2B0] =	vst v0  }
0x169: {  	v1 =	vld [tilespmem:s28+$0x45A0];
	[tilespmem:s28+$0xC330] =	vst v0  }
0x16a: {  	v2 =	vld [tilespmem:s28+$0x4200];
	[tilespmem:s28+$0xC3B0] =	vst v0  }
0x16b: {  	v3 =	vld [tilespmem:s28+$0x4210];
	[tilespmem:s28+$0xC430] =	vst v0  }
0x16c: {  	v4 =	vld [tilespmem:s28+$0x4220];
	[tilespmem:s28+$0xC4B0] =	vst v0  }
0x16d: {  	v5 =	vld [tilespmem:s28+$0x4280];
	[tilespmem:s28+$0xC530] =	vst v0  }
0x16e: {  	v6 =	vld [tilespmem:s28+$0x4290];
	[tilespmem:s28+$0xC5A0] =	vst v1  }
0x16f: {  	[tilespmem:s28+$0xC200] =	vst v2;
	v1 =	vld [tilespmem:s28+$0x42A0]  }
0x170: {  	[tilespmem:s28+$0xC210] =	vst v3;
	v2 =	vld [tilespmem:s28+$0x4300]  }
0x171: {  	[tilespmem:s28+$0xC220] =	vst v4;
	v3 =	vld [tilespmem:s28+$0x4310]  }
0x172: {  	v58 =	vld [tilespmem:s28+$0x4320];
	[tilespmem:s28+$0xC280] =	vst v5  }
0x173: {  	v59 =	vld [tilespmem:s28+$0x4380];
	[tilespmem:s28+$0xC290] =	vst v6  }
0x174: {  	[tilespmem:s28+$0xC2A0] =	vst v1;
	v1 =	vld [tilespmem:s28+$0x4390]  }
0x175: {  	[tilespmem:s28+$0xC300] =	vst v2;
	v2 =	vld [tilespmem:s28+$0x43A0]  }
0x176: {  	[tilespmem:s28+$0xC310] =	vst v3;
	v3 =	vld [tilespmem:s28+$0x4400]  }
0x177: {  	v60 =	vld [tilespmem:s28+$0x4410];
	[tilespmem:s28+$0xC320] =	vst v58  }
0x178: {  	v61 =	vld [tilespmem:s28+$0x4420];
	[tilespmem:s28+$0xC380] =	vst v59  }
0x179: {  	[tilespmem:s28+$0xC390] =	vst v1;
	v1 =	vld [tilespmem:s28+$0x4480]  }
0x17a: {  	[tilespmem:s28+$0xC3A0] =	vst v2;
	v2 =	vld [tilespmem:s28+$0x4490]  }
0x17b: {  	[tilespmem:s28+$0xC400] =	vst v3;
	v3 =	vld [tilespmem:s28+$0x44A0]  }
0x17c: {  	v62 =	vld [tilespmem:s28+$0x4500];
	[tilespmem:s28+$0xC410] =	vst v60  }
0x17d: {  	v63 =	vld [tilespmem:s28+$0x4510];
	[tilespmem:s28+$0xC420] =	vst v61  }
0x17e: {  	[tilespmem:s28+$0xC480] =	vst v1;
	v1 =	vld [tilespmem:s28+$0x4520]  }
0x17f: {  	[tilespmem:s28+$0xC490] =	vst v2;
	v2 =	vld [tilespmem:s28+$0x4580]  }
0x180: {  	[tilespmem:s28+$0xC4A0] =	vst v3;
	v3 =	vld [tilespmem:s28+$0x4590]  }
0x181: {  	[tilespmem:s28+$0xC500] =	vst v62  }
0x182: {  	[tilespmem:s28+$0xC510] =	vst v63  }
0x183: {  	[tilespmem:s28+$0xC520] =	vst v1  }
0x184: {  	[tilespmem:s28+$0xC580] =	vst v2  }
0x185: {  	s29 =	simm.s32 $0x1000;
	s0 =	simm.s32 $0x0;
	[tilespmem:s28+$0xC590] =	vst v3  }
.LBB2_8:
0x186: {  	s0 =	sadd.s32 $0x8, s0;
	[tilespmem:s28+$0xC5B0] =	vst v0;
	s28 =	sshra.s32 s29, $0x2  }
0x187: {  	[tilespmem:s28+$0xC230] =	vst v0;
	v1 =	vld [tilespmem:s28+$0x45A0];
	p0 =	slt.u32 s0, $0x78  }
0x188: {  	v2 =	vld [tilespmem:s28+$0x4200];
	[tilespmem:s28+$0xC2B0] =	vst v0  }
0x189: {  	v3 =	vld [tilespmem:s28+$0x4210];
	[tilespmem:s28+$0xC330] =	vst v0  }
0x18a: {  	v4 =	vld [tilespmem:s28+$0x4220];
	[tilespmem:s28+$0xC3B0] =	vst v0  }
0x18b: {  	v5 =	vld [tilespmem:s28+$0x4280];
	[tilespmem:s28+$0xC430] =	vst v0  }
0x18c: {  	v6 =	vld [tilespmem:s28+$0x4290];
	[tilespmem:s28+$0xC5A0] =	vst v1  }
0x18d: {  	[tilespmem:s28+$0xC200] =	vst v2;
	v1 =	vld [tilespmem:s28+$0x42A0]  }
0x18e: {  	[tilespmem:s28+$0xC210] =	vst v3;
	v2 =	vld [tilespmem:s28+$0x4300]  }
0x18f: {  	[tilespmem:s28+$0xC220] =	vst v4;
	v3 =	vld [tilespmem:s28+$0x4310]  }
0x190: {  	[tilespmem:s28+$0xC280] =	vst v5;
	v4 =	vld [tilespmem:s28+$0x4320]  }
0x191: {  	[tilespmem:s28+$0xC290] =	vst v6;
	v5 =	vld [tilespmem:s28+$0x4380]  }
0x192: {  	[tilespmem:s28+$0xC2A0] =	vst v1;
	v1 =	vld [tilespmem:s28+$0x4390]  }
0x193: {  	[tilespmem:s28+$0xC300] =	vst v2;
	v2 =	vld [tilespmem:s28+$0x43A0]  }
0x194: {  	[tilespmem:s28+$0xC310] =	vst v3;
	v3 =	vld [tilespmem:s28+$0x4400]  }
0x195: {  	[tilespmem:s28+$0xC320] =	vst v4;
	v4 =	vld [tilespmem:s28+$0x4410]  }
0x196: {  	[tilespmem:s28+$0xC380] =	vst v5;
	v5 =	vld [tilespmem:s28+$0x4420]  }
0x197: {  	[tilespmem:s28+$0xC390] =	vst v1;
	v1 =	vld [tilespmem:s28+$0x4480]  }
0x198: {  	[tilespmem:s28+$0xC3A0] =	vst v2;
	v2 =	vld [tilespmem:s28+$0x4490]  }
0x199: {  	[tilespmem:s28+$0xC400] =	vst v3;
	v3 =	vld [tilespmem:s28+$0x44A0]  }
0x19a: {  	[tilespmem:s28+$0xC410] =	vst v4;
	v4 =	vld [tilespmem:s28+$0x4500]  }
0x19b: {  	[tilespmem:s28+$0xC420] =	vst v5;
	v5 =	vld [tilespmem:s28+$0x4510]  }
0x19c: {  	[tilespmem:s28+$0xC480] =	vst v1;
	v1 =	vld [tilespmem:s28+$0x4520]  }
0x19d: {  	[tilespmem:s28+$0xC490] =	vst v2;
	v2 =	vld [tilespmem:s28+$0x4580]  }
0x19e: {  	[tilespmem:s28+$0xC4A0] =	vst v3;
	v3 =	vld [tilespmem:s28+$0x4590]  }
0x19f: {  	[tilespmem:s28+$0xC500] =	vst v4  }
0x1a0: {  	[tilespmem:s28+$0xC510] =	vst v5  }
.Ltmp3:
0x1a1: {  	[tilespmem:s28+$0xC520] =	vst v1;
	(pc) =	sbr.rel @p0 .LBB2_8-.Ltmp3, $4  }
0x1a2: {  	[tilespmem:s28+$0xC580] =	vst v2  }
0x1a3: {  	[tilespmem:s28+$0xC590] =	vst v3  }
0x1a4: {  	[tilespmem:s28+$0xC4B0] =	vst v0  }
0x1a5: {  	s29 =	sadd.s32 $0x1000, s29;
	[tilespmem:s28+$0xC530] =	vst v0  }
0x1a6: {  	[tilespmem:s28+$0xC5B0] =	vst v0;
	s26 =	sadd.s32 $0x1, s26  }
0x1a7: {  	[hbm4b:s12+s3] =	stream.linear.scatter [tilespmem:s24], [sflag:$0x3], $0x4000, $0x38;
	[tilespmem:$0x10280] =	vst v63  }
0x1a8: {  	p0 =	sne.s32 s26, s13;
	_ =	swait.ge [sflag:s25], $0x4000  }
.Ltmp4:
0x1a9: {  	[sflag:s25] =	ssyncset.done $0x0;
	(pc) =	sbr.rel @p0 .LBB2_1-.Ltmp4, $4  }
0x1aa: {  	[sflag:s25] =	ssyncadd.s32 $0xFFFFC000  }
0x1ab: {  	_ =	swait.ge [sflag:s25], $0x4000  }
0x1ac: {  	[sflag:s25] =	ssyncset.done $0x0  }
0x1ad: {  	[sflag:s25] =	ssyncadd.s32 $0xFFFFC000  }
0x1ae: {  	_ =	sfence.sel $0x180000  }
0x1af: {  	[bflag:$0x0] =	sbarrier.arrive $0xFFFF  }
0x1b0: {  	_ =	strace $0x90000047  }
0x1b1: {  	[bflag:$0x2] =	sbarrier.arrive $0xFFFF  }
0x1b2: {  	p0 =	sne.s32 s2, $0x0;
	s0 =	rddreg [dreg:$0x3]  }
0x1b3: {  	s0 =	sadd.s32 @!p0 $0x100000, s0  }
0x1b4: {  	[sflag:s0] =	ssyncadd.tile.s32 @!p0 $0x1;
	_ =	shalt  }
.Lfunc_end2:
_tile_overlayer_lowered:
.L_overlay_start_2:
0x1b5: {  	(tag) =	ssettag $0x2  }
0x1b6: {  	s0 =	rddreg [dreg:$0x0];
	s2 =	stileid.u32  }
0x1b7: {  	s1 =	rddreg [dreg:$0x1];
	p0 =	sne.s32 s2, $0x0  }
0x1b8: {  	s3 =	rddreg [dreg:$0x2];
	[bflag:$0x3] =	sbarrier.arrive $0xFFFF;
	s2 =	simm.s32 @!p0 $0x1C04  }
0x1b9: {  	[timem:s3], [sflag:s2] =	dma.local @!p0 [hbm:s0], s1  }
0x1ba: {  	s0 =	simm.s32 @!p0 $0x4  }
0x1bb: {  	_ =	swait.ge @!p0 [sflag:s0], s1  }
0x1bc: {  	s1 =	ssub.s32 @!p0 $0x0, s1;
	[sflag:s0] =	ssyncset.done @!p0 $0x0  }
0x1bd: {  	[sflag:s0] =	ssyncadd.s32 @!p0 s1  }
0x1be: {  	[bflag:$0x3] =	sbarrier.arrive $0xFFFF  }
0x1bf: {  	_ =	shalt  }

</sc_bundles>
